<compile_context>
chip_gen: v7x
topology: tpu7x:2x2x1
jax: 0.10.2.dev20260603
libtpu: 0.0.44.dev20260713+nightly
codegen_flags: <defaults>
</compile_context>

<pallas_src>
import functools

import jax
import jax.numpy as jnp
from jax import lax
from jax.experimental import pallas as pl
from jax.experimental.pallas import tpu as pltpu
from jax.experimental.pallas import tpu_sc as plsc

_NC = 2
_NS = 16
_NW = _NC * _NS

_CH = 128
_GR = 8


def _prep_table(base_token, emb_t, v, v_pad, pblk):
    d = emb_t.shape[0]
    quarter = v_pad // 4
    nblk = quarter // pblk

    def body(bt_ref, e0, e1, e2, e3, out_ref):
        i = pl.program_id(0)
        bt_bf = bt_ref[...].astype(jnp.bfloat16)
        for k, e_ref in enumerate((e0, e1, e2, e3)):
            rows = (
                jax.lax.broadcasted_iota(jnp.int32, (1, pblk), 1)
                + (k * quarter + i * pblk)
            )
            e_bf = e_ref[...].astype(jnp.bfloat16)
            z = jnp.where(rows < v, e_bf, jnp.zeros((), jnp.bfloat16)) + bt_bf
            w = pltpu.bitcast(z, jnp.int32)
            out_ref[:, k * (d // 2):(k + 1) * (d // 2)] = w.T

    def espec(k):
        return pl.BlockSpec((d, pblk), lambda i, k=k: (0, k * nblk + i))

    return pl.pallas_call(
        body,
        grid=(nblk,),
        in_specs=[
            pl.BlockSpec((d, 1), lambda i: (0, 0)),
            espec(0), espec(1), espec(2), espec(3),
        ],
        out_specs=pl.BlockSpec((pblk, 2 * d), lambda i: (i, 0)),
        out_shape=jax.ShapeDtypeStruct((quarter, 2 * d), jnp.int32),
    )(base_token.reshape(d, 1), emb_t, emb_t, emb_t, emb_t)


def _remap_idx(actions_t, v, quarter):

    def body(a_ref, o_ref):
        a = a_ref[...]
        safe = jnp.where(a >= 0, a, jnp.int32(v))
        m = (safe % quarter) * 4 + safe // quarter
        o_ref[...] = pltpu.einshape("s(kp)->s(pk)", m, k=4)

    seq, bsz = actions_t.shape
    sblk = 8
    return pl.pallas_call(
        body,
        grid=(seq // sblk,),
        in_specs=[pl.BlockSpec((sblk, bsz), lambda i: (i, 0))],
        out_specs=pl.BlockSpec((sblk, bsz), lambda i: (i, 0)),
        out_shape=jax.ShapeDtypeStruct(actions_t.shape, jnp.int32),
    )(actions_t)


def _sc_gather(table, idx2d, n, half):
    n_w = n // _NW
    group = _CH * _GR
    n_groups = n_w // group

    mesh = plsc.VectorSubcoreMesh(core_axis_name="c", subcore_axis_name="s")

    @functools.partial(
        pl.kernel,
        out_type=jax.ShapeDtypeStruct((n, half), jnp.int32),
        mesh=mesh,
        scratch_types=[
            pltpu.VMEM((2, _GR, _CH), jnp.int32),
            pltpu.VMEM((2, group, half), jnp.int32),
            pltpu.SemaphoreType.DMA,
            pltpu.SemaphoreType.DMA,
            pltpu.SemaphoreType.DMA,
            pltpu.SemaphoreType.DMA,
        ],
        compiler_params=pltpu.CompilerParams(use_tc_tiling_on_sc=False),
    )
    def k(table_hbm, idx_hbm, out_hbm, idx_v, rows_v, sg0, sg1, sw0, sw1):
        wid = lax.axis_index("s") * _NC + lax.axis_index("c")
        base = wid * n_w
        sg = (sg0, sg1)
        sw = (sw0, sw1)

        def gbase_of(g):
            return pl.multiple_of(base + g * group, group)

        def stage_fire(g, p):
            gbase = gbase_of(g)
            pltpu.sync_copy(
                idx_hbm.at[pl.ds(pl.multiple_of(gbase // _CH, _GR), _GR)],
                idx_v.at[p],
            )
            for j in range(_GR):
                pltpu.async_copy(
                    table_hbm.at[idx_v.at[p].at[j]],
                    rows_v.at[p].at[pl.ds(j * _CH, _CH)],
                    sg[p],
                )

        def drain_gathers(p):
            for j in range(_GR):
                pltpu.make_async_copy(
                    table_hbm.at[idx_v.at[p].at[j]],
                    rows_v.at[p].at[pl.ds(j * _CH, _CH)],
                    sg[p],
                ).wait()

        def wb_async(g, p):
            pltpu.async_copy(rows_v.at[p], out_hbm.at[pl.ds(gbase_of(g), group)], sw[p])

        def wb_wait(g, p):
            pltpu.make_async_copy(
                rows_v.at[p], out_hbm.at[pl.ds(gbase_of(g), group)], sw[p]
            ).wait()

        stage_fire(0, 0)

        def pair(i, carry):
            for j in (0, 1):
                g = 2 * i + 1 + j
                p = (1 + j) % 2
                q = 1 - p
                if j == 0:
                    @pl.when(i > 0)
                    def _():
                        wb_wait(g - 2, p)
                else:
                    wb_wait(g - 2, p)
                stage_fire(g, p)
                drain_gathers(q)
                wb_async(g - 1, q)
            return carry

        lax.fori_loop(0, (n_groups - 1) // 2, pair, 0)

        last = n_groups - 1
        drain_gathers(last % 2)
        wb_wait(last - 1, 1 - last % 2)
        pltpu.sync_copy(
            rows_v.at[last % 2], out_hbm.at[pl.ds(gbase_of(last), group)]
        )

    return k(table, idx2d)


def _unpack(packed128, bsz, seq, d, sblk):
    half = d // 2
    rps = bsz * half // 128
    qg = 128 // half

    bq = bsz // qg

    def body(x_ref, o_ref):
        for s in range(sblk):
            xt = x_ref[pl.ds(s * rps, rps), :].T
            for k in range(qg):
                w = xt[k * half:(k + 1) * half, :]
                o_ref[s, :, pl.ds(k * bq, bq)] = pltpu.bitcast(w, jnp.bfloat16)

    return pl.pallas_call(
        body,
        grid=(seq // sblk,),
        in_specs=[pl.BlockSpec((sblk * rps, 128), lambda i: (i, 0))],
        out_specs=pl.BlockSpec((sblk, d, bsz), lambda i: (i, 0, 0)),
        out_shape=jax.ShapeDtypeStruct((seq, d, bsz), jnp.bfloat16),
    )(packed128)


def kernel(actions, batch_time_shape, base_token, embedding):
    d = base_token.shape[0]
    if actions is None:
        batch_size, seq_len = batch_time_shape
        bt = base_token.astype(jnp.bfloat16)
        return jnp.broadcast_to(bt, (batch_size, seq_len, d))

    batch_size, seq_len = actions.shape
    v = embedding.shape[0]
    n = batch_size * seq_len
    half = d // 2

    v_pad = 100352
    quarter = v_pad // 4

    table128 = _prep_table(base_token, embedding.T, v, v_pad, pblk=3584)
    table = table128.reshape(v_pad, half)

    idx_perm = _remap_idx(jnp.asarray(actions, jnp.int32).T, v, quarter)
    idx2d = idx_perm.reshape(n // _CH, _CH)

    packed = _sc_gather(table, idx2d, n, half)
    packed128 = packed.reshape(n * half // 128, 128)
    out_t = _unpack(packed128, batch_size, seq_len, d, sblk=10)
    return jnp.transpose(out_t, (2, 0, 1))

# --- scband reference (transcript-rebuilt; emitter-appended) ---
"""Pipeline reference for scband-action-embedding-60713657696533 (READ-ONLY COPY).

The authoritative reference and input builder live on the scoring server;
editing this copy changes nothing except your own understanding.
"""

import jax, jax.numpy as jnp
import numpy as np

B, S, D, V = 4096, 200, 64, 100000


def setup_inputs(seed: int = 0) -> dict:
    key = jax.random.key(seed)
    k1, k2, k3 = jax.random.split(key, 3)
    actions = jax.random.randint(k1, (B, S), 0, V, dtype=jnp.int32)
    base_token = jax.random.normal(k2, (D,), dtype=jnp.float32) * 0.02
    embedding = jax.random.normal(k3, (V, D), dtype=jnp.float32) * 0.02
    return {
        "actions": actions,
        "batch_time_shape": (B, S),
        "base_token": base_token,
        "embedding": embedding,
    }


def reference(actions, batch_time_shape, base_token, embedding):
    batch_size, seq_len = batch_time_shape
    bt = base_token.astype(jnp.bfloat16)
    if actions is None:
        return jnp.broadcast_to(bt, (batch_size, seq_len, bt.shape[0]))
    actions = jnp.asarray(actions, dtype=jnp.int32)
    valid_actions = actions >= 0
    safe_actions = jnp.where(valid_actions, actions, 0)
    action_tokens = jnp.take(embedding.astype(jnp.bfloat16), safe_actions, axis=0)
    action_tokens = jnp.where(valid_actions[..., None], action_tokens, jnp.zeros((), dtype=jnp.bfloat16))
    return action_tokens + bt

if __name__ == "__main__":
    import jax
    _d = setup_inputs()
    print(jax.jit(kernel)(*tuple(_d.values())))

</pallas_src>

<mosaic_0001>
#map = affine_map<(d0, d1) -> (0, 0)>
module attributes {stable_mosaic.version = 14 : i64} {
  func.func @k(%arg0: i32, %arg1: i32, %arg2: memref<100352x32xi32, #tpu.memory_space<hbm>>, %arg3: memref<6400x128xi32, #tpu.memory_space<hbm>>, %arg4: memref<819200x32xi32, #tpu.memory_space<hbm>>, %arg5: memref<2x8x128xi32, #tpu.memory_space<vmem>>, %arg6: memref<2x1024x32xi32, #tpu.memory_space<vmem>>, %arg7: memref<!tpu.dma_semaphore, #tpu.memory_space<semaphore_mem>>, %arg8: memref<!tpu.dma_semaphore, #tpu.memory_space<semaphore_mem>>, %arg9: memref<!tpu.dma_semaphore, #tpu.memory_space<semaphore_mem>>, %arg10: memref<!tpu.dma_semaphore, #tpu.memory_space<semaphore_mem>>) attributes {dimension_semantics = [#tpu.dimension_semantics<core_parallel>, #tpu.dimension_semantics<subcore_parallel>], iteration_bounds = array<i64: 2, 16>, scalar_prefetch = 0 : i64, scratch_operands = 6 : i64, tpu.core_type = #tpu.core_type<sc_vector_subcore>, window_params = [{transform_indices = #map}, {transform_indices = #map}, {transform_indices = #map}]} {
    %mul3A = arith.constant 2 : i32
    %mul3A_0 = arith.muli %arg1, %mul3A : i32
    %add3A = arith.addi %mul3A_0, %arg0 : i32
    %mul3A_1 = arith.constant 25600 : i32
    %mul3A_2 = arith.muli %add3A, %mul3A_1 : i32
    %add3A_3 = arith.constant 0 : i32
    %add3A_4 = arith.addi %mul3A_2, %add3A_3 : i32
    %multiple_of3A = tpu.assume_multiple %add3A_4, 1024 : i32
    %jit3A = arith.constant 128 : i32
    %div3A = arith.divsi %multiple_of3A, %jit3A : i32
    %sign3A = arith.constant 0 : i32
    %sign3A_5 = arith.cmpi sgt, %multiple_of3A, %sign3A : i32
    %sign3A_6 = arith.extui %sign3A_5 : i1 to i32
    %sign3A_7 = arith.constant 0 : i32
    %sign3A_8 = arith.cmpi slt, %multiple_of3A, %sign3A_7 : i32
    %sign3A_9 = arith.extui %sign3A_8 : i1 to i32
    %sign3A_10 = arith.subi %sign3A_6, %sign3A_9 : i32
    %sign3A_11 = arith.constant 0 : i32
    %sign3A_12 = arith.cmpi sgt, %jit3A, %sign3A_11 : i32
    %sign3A_13 = arith.extui %sign3A_12 : i1 to i32
    %sign3A_14 = arith.constant 0 : i32
    %sign3A_15 = arith.cmpi slt, %jit3A, %sign3A_14 : i32
    %sign3A_16 = arith.extui %sign3A_15 : i1 to i32
    %sign3A_17 = arith.subi %sign3A_13, %sign3A_16 : i32
    %ne3A = arith.cmpi ne, %sign3A_10, %sign3A_17 : i32
    %rem3A = arith.remsi %multiple_of3A, %jit3A : i32
    %ne3A_18 = arith.constant 0 : i32
    %ne3A_19 = arith.cmpi ne, %rem3A, %ne3A_18 : i32
    %and3A = arith.andi %ne3A, %ne3A_19 : i1
    %sub3A = arith.constant 1 : i32
    %sub3A_20 = arith.subi %div3A, %sub3A : i32
    %select_n3A = arith.select %and3A, %sub3A_20, %div3A : i32
    %multiple_of3A_21 = tpu.assume_multiple %select_n3A, 8 : i32
    %run_scoped3A = arith.constant 0 : i32
    "tpu.region"() ({
      %run_scoped3A_365 = tpu.sem_alloc : memref<!tpu.dma_semaphore, #tpu.memory_space<semaphore_mem>>
      %dma_start3A_366 = arith.constant 0 : i32
      %dma_start3A_367 = arith.constant 0 : i32
      %dma_start3A_368 = tpu.memref_slice %arg5[%run_scoped3A, %dma_start3A_366, %dma_start3A_367] : memref<2x8x128xi32, #tpu.memory_space<vmem>> -> memref<1x8x128xi32, #tpu.memory_space<vmem>>
      %dma_start3A_369 = tpu.memref_squeeze %dma_start3A_368 : memref<1x8x128xi32, #tpu.memory_space<vmem>> -> memref<8x128xi32, #tpu.memory_space<vmem>>
      %dma_start3A_370 = arith.constant 0 : i32
      %dma_start3A_371 = tpu.memref_slice %arg3[%multiple_of3A_21, %dma_start3A_370] : memref<6400x128xi32, #tpu.memory_space<hbm>> -> memref<8x128xi32, #tpu.memory_space<hbm>>
      %dma_start3A_372 = arith.constant 0 : i32
      %dma_start3A_373 = arith.constant 0 : i32
      %dma_start3A_374 = tpu.memref_slice %arg5[%run_scoped3A, %dma_start3A_372, %dma_start3A_373] : memref<2x8x128xi32, #tpu.memory_space<vmem>> -> memref<1x8x128xi32, #tpu.memory_space<vmem>>
      %dma_start3A_375 = tpu.memref_squeeze %dma_start3A_374 : memref<1x8x128xi32, #tpu.memory_space<vmem>> -> memref<8x128xi32, #tpu.memory_space<vmem>>
      %dma_start3A_376 = arith.constant 0 : i32
      %dma_start3A_377 = tpu.memref_slice %arg3[%multiple_of3A_21, %dma_start3A_376] : memref<6400x128xi32, #tpu.memory_space<hbm>> -> memref<8x128xi32, #tpu.memory_space<hbm>>
      tpu.enqueue_dma source(%dma_start3A_377 : memref<8x128xi32, #tpu.memory_space<hbm>>) target(%dma_start3A_375 : memref<8x128xi32, #tpu.memory_space<vmem>>) target_semaphore(%run_scoped3A_365 : memref<!tpu.dma_semaphore, #tpu.memory_space<semaphore_mem>>)
      %dma_wait3A_378 = arith.constant 0 : i32
      %dma_wait3A_379 = arith.constant 0 : i32
      %dma_wait3A_380 = tpu.memref_slice %arg5[%run_scoped3A, %dma_wait3A_378, %dma_wait3A_379] : memref<2x8x128xi32, #tpu.memory_space<vmem>> -> memref<1x8x128xi32, #tpu.memory_space<vmem>>
      %dma_wait3A_381 = tpu.memref_squeeze %dma_wait3A_380 : memref<1x8x128xi32, #tpu.memory_space<vmem>> -> memref<8x128xi32, #tpu.memory_space<vmem>>
      %dma_wait3A_382 = arith.constant 0 : i32
      %dma_wait3A_383 = tpu.memref_slice %arg3[%multiple_of3A_21, %dma_wait3A_382] : memref<6400x128xi32, #tpu.memory_space<hbm>> -> memref<8x128xi32, #tpu.memory_space<hbm>>
      %dma_wait3A_384 = arith.constant 0 : i32
      %dma_wait3A_385 = arith.constant 0 : i32
      %dma_wait3A_386 = tpu.memref_slice %arg5[%run_scoped3A, %dma_wait3A_384, %dma_wait3A_385] : memref<2x8x128xi32, #tpu.memory_space<vmem>> -> memref<1x8x128xi32, #tpu.memory_space<vmem>>
      %dma_wait3A_387 = tpu.memref_squeeze %dma_wait3A_386 : memref<1x8x128xi32, #tpu.memory_space<vmem>> -> memref<8x128xi32, #tpu.memory_space<vmem>>
      %dma_wait3A_388 = arith.constant 0 : i32
      %dma_wait3A_389 = tpu.memref_slice %arg3[%multiple_of3A_21, %dma_wait3A_388] : memref<6400x128xi32, #tpu.memory_space<hbm>> -> memref<8x128xi32, #tpu.memory_space<hbm>>
      tpu.wait_dma2 semaphore(%run_scoped3A_365 : memref<!tpu.dma_semaphore, #tpu.memory_space<semaphore_mem>>) src(%dma_wait3A_389 : memref<8x128xi32, #tpu.memory_space<hbm>>) dst(%dma_wait3A_387 : memref<8x128xi32, #tpu.memory_space<vmem>>)
      tpu.yield
    }) : () -> ()
    %dma_start3A = arith.constant 0 : i32
    %dma_start3A_22 = arith.constant 0 : i32
    %dma_start3A_23 = arith.constant 0 : i32
    %dma_start3A_24 = arith.constant 0 : i32
    %dma_start3A_25 = arith.constant 0 : i32
    %dma_start3A_26 = tpu.memref_slice %arg6[%dma_start3A_23, %dma_start3A_24, %dma_start3A_25] : memref<2x1024x32xi32, #tpu.memory_space<vmem>> -> memref<1x1024x32xi32, #tpu.memory_space<vmem>>
    %dma_start3A_27 = tpu.memref_squeeze %dma_start3A_26 : memref<1x1024x32xi32, #tpu.memory_space<vmem>> -> memref<1024x32xi32, #tpu.memory_space<vmem>>
    %dma_start3A_28 = arith.constant 0 : i32
    %dma_start3A_29 = arith.constant 0 : i32
    %dma_start3A_30 = tpu.memref_slice %dma_start3A_27[%dma_start3A_28, %dma_start3A_29] : memref<1024x32xi32, #tpu.memory_space<vmem>> -> memref<128x32xi32, #tpu.memory_space<vmem>>
    %dma_start3A_31 = arith.constant 0 : i32
    %dma_start3A_32 = arith.constant 0 : i32
    %dma_start3A_33 = tpu.memref_slice %arg5[%dma_start3A, %dma_start3A_31, %dma_start3A_32] : memref<2x8x128xi32, #tpu.memory_space<vmem>> -> memref<1x8x128xi32, #tpu.memory_space<vmem>>
    %dma_start3A_34 = tpu.memref_squeeze %dma_start3A_33 : memref<1x8x128xi32, #tpu.memory_space<vmem>> -> memref<8x128xi32, #tpu.memory_space<vmem>>
    %dma_start3A_35 = arith.constant 0 : i32
    %dma_start3A_36 = tpu.memref_slice %dma_start3A_34[%dma_start3A_22, %dma_start3A_35] : memref<8x128xi32, #tpu.memory_space<vmem>> -> memref<1x128xi32, #tpu.memory_space<vmem>>
    %dma_start3A_37 = tpu.memref_squeeze %dma_start3A_36 : memref<1x128xi32, #tpu.memory_space<vmem>> -> memref<128xi32, #tpu.memory_space<vmem>>
    %dma_start3A_38 = arith.constant 0 : i32
    %dma_start3A_39 = arith.constant 0 : i32
    %dma_start3A_40 = tpu.memref_slice %arg2[%dma_start3A_38, %dma_start3A_39] : memref<100352x32xi32, #tpu.memory_space<hbm>> -> memref<100352x32xi32, #tpu.memory_space<hbm>>
    tpu.enqueue_indirect_dma source(%dma_start3A_40 : memref<100352x32xi32, #tpu.memory_space<hbm>>) target(%dma_start3A_30 : memref<128x32xi32, #tpu.memory_space<vmem>>) offsets(%dma_start3A_37 : memref<128xi32, #tpu.memory_space<vmem>>) semaphore(%arg7 : memref<!tpu.dma_semaphore, #tpu.memory_space<semaphore_mem>>)
    %dma_start3A_41 = arith.constant 0 : i32
    %dma_start3A_42 = arith.constant 1 : i32
    %dma_start3A_43 = arith.constant 0 : i32
    %dma_start3A_44 = arith.constant 0 : i32
    %dma_start3A_45 = arith.constant 0 : i32
    %dma_start3A_46 = tpu.memref_slice %arg6[%dma_start3A_43, %dma_start3A_44, %dma_start3A_45] : memref<2x1024x32xi32, #tpu.memory_space<vmem>> -> memref<1x1024x32xi32, #tpu.memory_space<vmem>>
    %dma_start3A_47 = tpu.memref_squeeze %dma_start3A_46 : memref<1x1024x32xi32, #tpu.memory_space<vmem>> -> memref<1024x32xi32, #tpu.memory_space<vmem>>
    %dma_start3A_48 = arith.constant 128 : i32
    %dma_start3A_49 = arith.constant 0 : i32
    %dma_start3A_50 = tpu.memref_slice %dma_start3A_47[%dma_start3A_48, %dma_start3A_49] : memref<1024x32xi32, #tpu.memory_space<vmem>> -> memref<128x32xi32, #tpu.memory_space<vmem>>
    %dma_start3A_51 = arith.constant 0 : i32
    %dma_start3A_52 = arith.constant 0 : i32
    %dma_start3A_53 = tpu.memref_slice %arg5[%dma_start3A_41, %dma_start3A_51, %dma_start3A_52] : memref<2x8x128xi32, #tpu.memory_space<vmem>> -> memref<1x8x128xi32, #tpu.memory_space<vmem>>
    %dma_start3A_54 = tpu.memref_squeeze %dma_start3A_53 : memref<1x8x128xi32, #tpu.memory_space<vmem>> -> memref<8x128xi32, #tpu.memory_space<vmem>>
    %dma_start3A_55 = arith.constant 0 : i32
    %dma_start3A_56 = tpu.memref_slice %dma_start3A_54[%dma_start3A_42, %dma_start3A_55] : memref<8x128xi32, #tpu.memory_space<vmem>> -> memref<1x128xi32, #tpu.memory_space<vmem>>
    %dma_start3A_57 = tpu.memref_squeeze %dma_start3A_56 : memref<1x128xi32, #tpu.memory_space<vmem>> -> memref<128xi32, #tpu.memory_space<vmem>>
    %dma_start3A_58 = arith.constant 0 : i32
    %dma_start3A_59 = arith.constant 0 : i32
    %dma_start3A_60 = tpu.memref_slice %arg2[%dma_start3A_58, %dma_start3A_59] : memref<100352x32xi32, #tpu.memory_space<hbm>> -> memref<100352x32xi32, #tpu.memory_space<hbm>>
    tpu.enqueue_indirect_dma source(%dma_start3A_60 : memref<100352x32xi32, #tpu.memory_space<hbm>>) target(%dma_start3A_50 : memref<128x32xi32, #tpu.memory_space<vmem>>) offsets(%dma_start3A_57 : memref<128xi32, #tpu.memory_space<vmem>>) semaphore(%arg7 : memref<!tpu.dma_semaphore, #tpu.memory_space<semaphore_mem>>)
    %dma_start3A_61 = arith.constant 0 : i32
    %dma_start3A_62 = arith.constant 2 : i32
    %dma_start3A_63 = arith.constant 0 : i32
    %dma_start3A_64 = arith.constant 0 : i32
    %dma_start3A_65 = arith.constant 0 : i32
    %dma_start3A_66 = tpu.memref_slice %arg6[%dma_start3A_63, %dma_start3A_64, %dma_start3A_65] : memref<2x1024x32xi32, #tpu.memory_space<vmem>> -> memref<1x1024x32xi32, #tpu.memory_space<vmem>>
    %dma_start3A_67 = tpu.memref_squeeze %dma_start3A_66 : memref<1x1024x32xi32, #tpu.memory_space<vmem>> -> memref<1024x32xi32, #tpu.memory_space<vmem>>
    %dma_start3A_68 = arith.constant 256 : i32
    %dma_start3A_69 = arith.constant 0 : i32
    %dma_start3A_70 = tpu.memref_slice %dma_start3A_67[%dma_start3A_68, %dma_start3A_69] : memref<1024x32xi32, #tpu.memory_space<vmem>> -> memref<128x32xi32, #tpu.memory_space<vmem>>
    %dma_start3A_71 = arith.constant 0 : i32
    %dma_start3A_72 = arith.constant 0 : i32
    %dma_start3A_73 = tpu.memref_slice %arg5[%dma_start3A_61, %dma_start3A_71, %dma_start3A_72] : memref<2x8x128xi32, #tpu.memory_space<vmem>> -> memref<1x8x128xi32, #tpu.memory_space<vmem>>
    %dma_start3A_74 = tpu.memref_squeeze %dma_start3A_73 : memref<1x8x128xi32, #tpu.memory_space<vmem>> -> memref<8x128xi32, #tpu.memory_space<vmem>>
    %dma_start3A_75 = arith.constant 0 : i32
    %dma_start3A_76 = tpu.memref_slice %dma_start3A_74[%dma_start3A_62, %dma_start3A_75] : memref<8x128xi32, #tpu.memory_space<vmem>> -> memref<1x128xi32, #tpu.memory_space<vmem>>
    %dma_start3A_77 = tpu.memref_squeeze %dma_start3A_76 : memref<1x128xi32, #tpu.memory_space<vmem>> -> memref<128xi32, #tpu.memory_space<vmem>>
    %dma_start3A_78 = arith.constant 0 : i32
    %dma_start3A_79 = arith.constant 0 : i32
    %dma_start3A_80 = tpu.memref_slice %arg2[%dma_start3A_78, %dma_start3A_79] : memref<100352x32xi32, #tpu.memory_space<hbm>> -> memref<100352x32xi32, #tpu.memory_space<hbm>>
    tpu.enqueue_indirect_dma source(%dma_start3A_80 : memref<100352x32xi32, #tpu.memory_space<hbm>>) target(%dma_start3A_70 : memref<128x32xi32, #tpu.memory_space<vmem>>) offsets(%dma_start3A_77 : memref<128xi32, #tpu.memory_space<vmem>>) semaphore(%arg7 : memref<!tpu.dma_semaphore, #tpu.memory_space<semaphore_mem>>)
    %dma_start3A_81 = arith.constant 0 : i32
    %dma_start3A_82 = arith.constant 3 : i32
    %dma_start3A_83 = arith.constant 0 : i32
    %dma_start3A_84 = arith.constant 0 : i32
    %dma_start3A_85 = arith.constant 0 : i32
    %dma_start3A_86 = tpu.memref_slice %arg6[%dma_start3A_83, %dma_start3A_84, %dma_start3A_85] : memref<2x1024x32xi32, #tpu.memory_space<vmem>> -> memref<1x1024x32xi32, #tpu.memory_space<vmem>>
    %dma_start3A_87 = tpu.memref_squeeze %dma_start3A_86 : memref<1x1024x32xi32, #tpu.memory_space<vmem>> -> memref<1024x32xi32, #tpu.memory_space<vmem>>
    %dma_start3A_88 = arith.constant 384 : i32
    %dma_start3A_89 = arith.constant 0 : i32
    %dma_start3A_90 = tpu.memref_slice %dma_start3A_87[%dma_start3A_88, %dma_start3A_89] : memref<1024x32xi32, #tpu.memory_space<vmem>> -> memref<128x32xi32, #tpu.memory_space<vmem>>
    %dma_start3A_91 = arith.constant 0 : i32
    %dma_start3A_92 = arith.constant 0 : i32
    %dma_start3A_93 = tpu.memref_slice %arg5[%dma_start3A_81, %dma_start3A_91, %dma_start3A_92] : memref<2x8x128xi32, #tpu.memory_space<vmem>> -> memref<1x8x128xi32, #tpu.memory_space<vmem>>
    %dma_start3A_94 = tpu.memref_squeeze %dma_start3A_93 : memref<1x8x128xi32, #tpu.memory_space<vmem>> -> memref<8x128xi32, #tpu.memory_space<vmem>>
    %dma_start3A_95 = arith.constant 0 : i32
    %dma_start3A_96 = tpu.memref_slice %dma_start3A_94[%dma_start3A_82, %dma_start3A_95] : memref<8x128xi32, #tpu.memory_space<vmem>> -> memref<1x128xi32, #tpu.memory_space<vmem>>
    %dma_start3A_97 = tpu.memref_squeeze %dma_start3A_96 : memref<1x128xi32, #tpu.memory_space<vmem>> -> memref<128xi32, #tpu.memory_space<vmem>>
    %dma_start3A_98 = arith.constant 0 : i32
    %dma_start3A_99 = arith.constant 0 : i32
    %dma_start3A_100 = tpu.memref_slice %arg2[%dma_start3A_98, %dma_start3A_99] : memref<100352x32xi32, #tpu.memory_space<hbm>> -> memref<100352x32xi32, #tpu.memory_space<hbm>>
    tpu.enqueue_indirect_dma source(%dma_start3A_100 : memref<100352x32xi32, #tpu.memory_space<hbm>>) target(%dma_start3A_90 : memref<128x32xi32, #tpu.memory_space<vmem>>) offsets(%dma_start3A_97 : memref<128xi32, #tpu.memory_space<vmem>>) semaphore(%arg7 : memref<!tpu.dma_semaphore, #tpu.memory_space<semaphore_mem>>)
    %dma_start3A_101 = arith.constant 0 : i32
    %dma_start3A_102 = arith.constant 4 : i32
    %dma_start3A_103 = arith.constant 0 : i32
    %dma_start3A_104 = arith.constant 0 : i32
    %dma_start3A_105 = arith.constant 0 : i32
    %dma_start3A_106 = tpu.memref_slice %arg6[%dma_start3A_103, %dma_start3A_104, %dma_start3A_105] : memref<2x1024x32xi32, #tpu.memory_space<vmem>> -> memref<1x1024x32xi32, #tpu.memory_space<vmem>>
    %dma_start3A_107 = tpu.memref_squeeze %dma_start3A_106 : memref<1x1024x32xi32, #tpu.memory_space<vmem>> -> memref<1024x32xi32, #tpu.memory_space<vmem>>
    %dma_start3A_108 = arith.constant 512 : i32
    %dma_start3A_109 = arith.constant 0 : i32
    %dma_start3A_110 = tpu.memref_slice %dma_start3A_107[%dma_start3A_108, %dma_start3A_109] : memref<1024x32xi32, #tpu.memory_space<vmem>> -> memref<128x32xi32, #tpu.memory_space<vmem>>
    %dma_start3A_111 = arith.constant 0 : i32
    %dma_start3A_112 = arith.constant 0 : i32
    %dma_start3A_113 = tpu.memref_slice %arg5[%dma_start3A_101, %dma_start3A_111, %dma_start3A_112] : memref<2x8x128xi32, #tpu.memory_space<vmem>> -> memref<1x8x128xi32, #tpu.memory_space<vmem>>
    %dma_start3A_114 = tpu.memref_squeeze %dma_start3A_113 : memref<1x8x128xi32, #tpu.memory_space<vmem>> -> memref<8x128xi32, #tpu.memory_space<vmem>>
    %dma_start3A_115 = arith.constant 0 : i32
    %dma_start3A_116 = tpu.memref_slice %dma_start3A_114[%dma_start3A_102, %dma_start3A_115] : memref<8x128xi32, #tpu.memory_space<vmem>> -> memref<1x128xi32, #tpu.memory_space<vmem>>
    %dma_start3A_117 = tpu.memref_squeeze %dma_start3A_116 : memref<1x128xi32, #tpu.memory_space<vmem>> -> memref<128xi32, #tpu.memory_space<vmem>>
    %dma_start3A_118 = arith.constant 0 : i32
    %dma_start3A_119 = arith.constant 0 : i32
    %dma_start3A_120 = tpu.memref_slice %arg2[%dma_start3A_118, %dma_start3A_119] : memref<100352x32xi32, #tpu.memory_space<hbm>> -> memref<100352x32xi32, #tpu.memory_space<hbm>>
    tpu.enqueue_indirect_dma source(%dma_start3A_120 : memref<100352x32xi32, #tpu.memory_space<hbm>>) target(%dma_start3A_110 : memref<128x32xi32, #tpu.memory_space<vmem>>) offsets(%dma_start3A_117 : memref<128xi32, #tpu.memory_space<vmem>>) semaphore(%arg7 : memref<!tpu.dma_semaphore, #tpu.memory_space<semaphore_mem>>)
    %dma_start3A_121 = arith.constant 0 : i32
    %dma_start3A_122 = arith.constant 5 : i32
    %dma_start3A_123 = arith.constant 0 : i32
    %dma_start3A_124 = arith.constant 0 : i32
    %dma_start3A_125 = arith.constant 0 : i32
    %dma_start3A_126 = tpu.memref_slice %arg6[%dma_start3A_123, %dma_start3A_124, %dma_start3A_125] : memref<2x1024x32xi32, #tpu.memory_space<vmem>> -> memref<1x1024x32xi32, #tpu.memory_space<vmem>>
    %dma_start3A_127 = tpu.memref_squeeze %dma_start3A_126 : memref<1x1024x32xi32, #tpu.memory_space<vmem>> -> memref<1024x32xi32, #tpu.memory_space<vmem>>
    %dma_start3A_128 = arith.constant 640 : i32
    %dma_start3A_129 = arith.constant 0 : i32
    %dma_start3A_130 = tpu.memref_slice %dma_start3A_127[%dma_start3A_128, %dma_start3A_129] : memref<1024x32xi32, #tpu.memory_space<vmem>> -> memref<128x32xi32, #tpu.memory_space<vmem>>
    %dma_start3A_131 = arith.constant 0 : i32
    %dma_start3A_132 = arith.constant 0 : i32
    %dma_start3A_133 = tpu.memref_slice %arg5[%dma_start3A_121, %dma_start3A_131, %dma_start3A_132] : memref<2x8x128xi32, #tpu.memory_space<vmem>> -> memref<1x8x128xi32, #tpu.memory_space<vmem>>
    %dma_start3A_134 = tpu.memref_squeeze %dma_start3A_133 : memref<1x8x128xi32, #tpu.memory_space<vmem>> -> memref<8x128xi32, #tpu.memory_space<vmem>>
    %dma_start3A_135 = arith.constant 0 : i32
    %dma_start3A_136 = tpu.memref_slice %dma_start3A_134[%dma_start3A_122, %dma_start3A_135] : memref<8x128xi32, #tpu.memory_space<vmem>> -> memref<1x128xi32, #tpu.memory_space<vmem>>
    %dma_start3A_137 = tpu.memref_squeeze %dma_start3A_136 : memref<1x128xi32, #tpu.memory_space<vmem>> -> memref<128xi32, #tpu.memory_space<vmem>>
    %dma_start3A_138 = arith.constant 0 : i32
    %dma_start3A_139 = arith.constant 0 : i32
    %dma_start3A_140 = tpu.memref_slice %arg2[%dma_start3A_138, %dma_start3A_139] : memref<100352x32xi32, #tpu.memory_space<hbm>> -> memref<100352x32xi32, #tpu.memory_space<hbm>>
    tpu.enqueue_indirect_dma source(%dma_start3A_140 : memref<100352x32xi32, #tpu.memory_space<hbm>>) target(%dma_start3A_130 : memref<128x32xi32, #tpu.memory_space<vmem>>) offsets(%dma_start3A_137 : memref<128xi32, #tpu.memory_space<vmem>>) semaphore(%arg7 : memref<!tpu.dma_semaphore, #tpu.memory_space<semaphore_mem>>)
    %dma_start3A_141 = arith.constant 0 : i32
    %dma_start3A_142 = arith.constant 6 : i32
    %dma_start3A_143 = arith.constant 0 : i32
    %dma_start3A_144 = arith.constant 0 : i32
    %dma_start3A_145 = arith.constant 0 : i32
    %dma_start3A_146 = tpu.memref_slice %arg6[%dma_start3A_143, %dma_start3A_144, %dma_start3A_145] : memref<2x1024x32xi32, #tpu.memory_space<vmem>> -> memref<1x1024x32xi32, #tpu.memory_space<vmem>>
    %dma_start3A_147 = tpu.memref_squeeze %dma_start3A_146 : memref<1x1024x32xi32, #tpu.memory_space<vmem>> -> memref<1024x32xi32, #tpu.memory_space<vmem>>
    %dma_start3A_148 = arith.constant 768 : i32
    %dma_start3A_149 = arith.constant 0 : i32
    %dma_start3A_150 = tpu.memref_slice %dma_start3A_147[%dma_start3A_148, %dma_start3A_149] : memref<1024x32xi32, #tpu.memory_space<vmem>> -> memref<128x32xi32, #tpu.memory_space<vmem>>
    %dma_start3A_151 = arith.constant 0 : i32
    %dma_start3A_152 = arith.constant 0 : i32
    %dma_start3A_153 = tpu.memref_slice %arg5[%dma_start3A_141, %dma_start3A_151, %dma_start3A_152] : memref<2x8x128xi32, #tpu.memory_space<vmem>> -> memref<1x8x128xi32, #tpu.memory_space<vmem>>
    %dma_start3A_154 = tpu.memref_squeeze %dma_start3A_153 : memref<1x8x128xi32, #tpu.memory_space<vmem>> -> memref<8x128xi32, #tpu.memory_space<vmem>>
    %dma_start3A_155 = arith.constant 0 : i32
    %dma_start3A_156 = tpu.memref_slice %dma_start3A_154[%dma_start3A_142, %dma_start3A_155] : memref<8x128xi32, #tpu.memory_space<vmem>> -> memref<1x128xi32, #tpu.memory_space<vmem>>
    %dma_start3A_157 = tpu.memref_squeeze %dma_start3A_156 : memref<1x128xi32, #tpu.memory_space<vmem>> -> memref<128xi32, #tpu.memory_space<vmem>>
    %dma_start3A_158 = arith.constant 0 : i32
    %dma_start3A_159 = arith.constant 0 : i32
    %dma_start3A_160 = tpu.memref_slice %arg2[%dma_start3A_158, %dma_start3A_159] : memref<100352x32xi32, #tpu.memory_space<hbm>> -> memref<100352x32xi32, #tpu.memory_space<hbm>>
    tpu.enqueue_indirect_dma source(%dma_start3A_160 : memref<100352x32xi32, #tpu.memory_space<hbm>>) target(%dma_start3A_150 : memref<128x32xi32, #tpu.memory_space<vmem>>) offsets(%dma_start3A_157 : memref<128xi32, #tpu.memory_space<vmem>>) semaphore(%arg7 : memref<!tpu.dma_semaphore, #tpu.memory_space<semaphore_mem>>)
    %dma_start3A_161 = arith.constant 0 : i32
    %dma_start3A_162 = arith.constant 7 : i32
    %dma_start3A_163 = arith.constant 0 : i32
    %dma_start3A_164 = arith.constant 0 : i32
    %dma_start3A_165 = arith.constant 0 : i32
    %dma_start3A_166 = tpu.memref_slice %arg6[%dma_start3A_163, %dma_start3A_164, %dma_start3A_165] : memref<2x1024x32xi32, #tpu.memory_space<vmem>> -> memref<1x1024x32xi32, #tpu.memory_space<vmem>>
    %dma_start3A_167 = tpu.memref_squeeze %dma_start3A_166 : memref<1x1024x32xi32, #tpu.memory_space<vmem>> -> memref<1024x32xi32, #tpu.memory_space<vmem>>
    %dma_start3A_168 = arith.constant 896 : i32
    %dma_start3A_169 = arith.constant 0 : i32
    %dma_start3A_170 = tpu.memref_slice %dma_start3A_167[%dma_start3A_168, %dma_start3A_169] : memref<1024x32xi32, #tpu.memory_space<vmem>> -> memref<128x32xi32, #tpu.memory_space<vmem>>
    %dma_start3A_171 = arith.constant 0 : i32
    %dma_start3A_172 = arith.constant 0 : i32
    %dma_start3A_173 = tpu.memref_slice %arg5[%dma_start3A_161, %dma_start3A_171, %dma_start3A_172] : memref<2x8x128xi32, #tpu.memory_space<vmem>> -> memref<1x8x128xi32, #tpu.memory_space<vmem>>
    %dma_start3A_174 = tpu.memref_squeeze %dma_start3A_173 : memref<1x8x128xi32, #tpu.memory_space<vmem>> -> memref<8x128xi32, #tpu.memory_space<vmem>>
    %dma_start3A_175 = arith.constant 0 : i32
    %dma_start3A_176 = tpu.memref_slice %dma_start3A_174[%dma_start3A_162, %dma_start3A_175] : memref<8x128xi32, #tpu.memory_space<vmem>> -> memref<1x128xi32, #tpu.memory_space<vmem>>
    %dma_start3A_177 = tpu.memref_squeeze %dma_start3A_176 : memref<1x128xi32, #tpu.memory_space<vmem>> -> memref<128xi32, #tpu.memory_space<vmem>>
    %dma_start3A_178 = arith.constant 0 : i32
    %dma_start3A_179 = arith.constant 0 : i32
    %dma_start3A_180 = tpu.memref_slice %arg2[%dma_start3A_178, %dma_start3A_179] : memref<100352x32xi32, #tpu.memory_space<hbm>> -> memref<100352x32xi32, #tpu.memory_space<hbm>>
    tpu.enqueue_indirect_dma source(%dma_start3A_180 : memref<100352x32xi32, #tpu.memory_space<hbm>>) target(%dma_start3A_170 : memref<128x32xi32, #tpu.memory_space<vmem>>) offsets(%dma_start3A_177 : memref<128xi32, #tpu.memory_space<vmem>>) semaphore(%arg7 : memref<!tpu.dma_semaphore, #tpu.memory_space<semaphore_mem>>)
    %scan3A = arith.constant 0 : i32
    %scan3A_181 = arith.constant 0 : i32
    %scan3A_182 = arith.constant 12 : i32
    %scan3A_183 = arith.addi %scan3A_181, %scan3A_182 : i32
    %scan3A_184 = arith.constant 1 : i32
    scf.for %scan3A_365 = %scan3A_181 to %scan3A_183 step %scan3A_184  : i32 {
      %mul3A_366 = arith.constant 2 : i32
      %mul3A_367 = arith.muli %mul3A_366, %scan3A_365 : i32
      %add3A_368 = arith.constant 1 : i32
      %add3A_369 = arith.addi %mul3A_367, %add3A_368 : i32
      %add3A_370 = arith.constant 0 : i32
      %add3A_371 = arith.addi %add3A_369, %add3A_370 : i32
      %gt3A = arith.constant 0 : i32
      %gt3A_372 = arith.cmpi sgt, %scan3A_365, %gt3A : i32
      %convert_element_type3A = arith.extui %gt3A_372 : i1 to i32
      %cond3A = arith.constant 0 : i32
      %cond3A_373 = arith.cmpi ne, %convert_element_type3A, %cond3A : i32
      scf.if %cond3A_373 {
        %sub3A_1137 = arith.constant 2 : i32
        %sub3A_1138 = arith.subi %add3A_371, %sub3A_1137 : i32
        %mul3A_1139 = arith.constant 1024 : i32
        %mul3A_1140 = arith.muli %sub3A_1138, %mul3A_1139 : i32
        %add3A_1141 = arith.addi %mul3A_2, %mul3A_1140 : i32
        %multiple_of3A_1142 = tpu.assume_multiple %add3A_1141, 1024 : i32
        %dma_wait3A_1143 = arith.constant 1 : i32
        %dma_wait3A_1144 = arith.constant 0 : i32
        %dma_wait3A_1145 = arith.constant 0 : i32
        %dma_wait3A_1146 = tpu.memref_slice %arg6[%dma_wait3A_1143, %dma_wait3A_1144, %dma_wait3A_1145] : memref<2x1024x32xi32, #tpu.memory_space<vmem>> -> memref<1x1024x32xi32, #tpu.memory_space<vmem>>
        %dma_wait3A_1147 = tpu.memref_squeeze %dma_wait3A_1146 : memref<1x1024x32xi32, #tpu.memory_space<vmem>> -> memref<1024x32xi32, #tpu.memory_space<vmem>>
        %dma_wait3A_1148 = arith.constant 0 : i32
        %dma_wait3A_1149 = tpu.memref_slice %arg4[%multiple_of3A_1142, %dma_wait3A_1148] : memref<819200x32xi32, #tpu.memory_space<hbm>> -> memref<1024x32xi32, #tpu.memory_space<hbm>>
        %dma_wait3A_1150 = arith.constant 0 : i32
        %dma_wait3A_1151 = tpu.memref_slice %arg4[%multiple_of3A_1142, %dma_wait3A_1150] : memref<819200x32xi32, #tpu.memory_space<hbm>> -> memref<1024x32xi32, #tpu.memory_space<hbm>>
        %dma_wait3A_1152 = arith.constant 0 : i32
        %dma_wait3A_1153 = arith.constant 0 : i32
        %dma_wait3A_1154 = tpu.memref_slice %arg6[%dma_wait3A_1143, %dma_wait3A_1152, %dma_wait3A_1153] : memref<2x1024x32xi32, #tpu.memory_space<vmem>> -> memref<1x1024x32xi32, #tpu.memory_space<vmem>>
        %dma_wait3A_1155 = tpu.memref_squeeze %dma_wait3A_1154 : memref<1x1024x32xi32, #tpu.memory_space<vmem>> -> memref<1024x32xi32, #tpu.memory_space<vmem>>
        tpu.wait_dma2 semaphore(%arg10 : memref<!tpu.dma_semaphore, #tpu.memory_space<semaphore_mem>>) src(%dma_wait3A_1155 : memref<1024x32xi32, #tpu.memory_space<vmem>>) dst(%dma_wait3A_1151 : memref<1024x32xi32, #tpu.memory_space<hbm>>)
      } else {
      }
      %mul3A_374 = arith.constant 1024 : i32
      %mul3A_375 = arith.muli %add3A_371, %mul3A_374 : i32
      %add3A_376 = arith.addi %mul3A_2, %mul3A_375 : i32
      %multiple_of3A_377 = tpu.assume_multiple %add3A_376, 1024 : i32
      %jit3A_378 = arith.constant 128 : i32
      %div3A_379 = arith.divsi %multiple_of3A_377, %jit3A_378 : i32
      %sign3A_380 = arith.constant 0 : i32
      %sign3A_381 = arith.cmpi sgt, %multiple_of3A_377, %sign3A_380 : i32
      %sign3A_382 = arith.extui %sign3A_381 : i1 to i32
      %sign3A_383 = arith.constant 0 : i32
      %sign3A_384 = arith.cmpi slt, %multiple_of3A_377, %sign3A_383 : i32
      %sign3A_385 = arith.extui %sign3A_384 : i1 to i32
      %sign3A_386 = arith.subi %sign3A_382, %sign3A_385 : i32
      %sign3A_387 = arith.constant 0 : i32
      %sign3A_388 = arith.cmpi sgt, %jit3A_378, %sign3A_387 : i32
      %sign3A_389 = arith.extui %sign3A_388 : i1 to i32
      %sign3A_390 = arith.constant 0 : i32
      %sign3A_391 = arith.cmpi slt, %jit3A_378, %sign3A_390 : i32
      %sign3A_392 = arith.extui %sign3A_391 : i1 to i32
      %sign3A_393 = arith.subi %sign3A_389, %sign3A_392 : i32
      %ne3A_394 = arith.cmpi ne, %sign3A_386, %sign3A_393 : i32
      %rem3A_395 = arith.remsi %multiple_of3A_377, %jit3A_378 : i32
      %ne3A_396 = arith.constant 0 : i32
      %ne3A_397 = arith.cmpi ne, %rem3A_395, %ne3A_396 : i32
      %and3A_398 = arith.andi %ne3A_394, %ne3A_397 : i1
      %sub3A_399 = arith.constant 1 : i32
      %sub3A_400 = arith.subi %div3A_379, %sub3A_399 : i32
      %select_n3A_401 = arith.select %and3A_398, %sub3A_400, %div3A_379 : i32
      %multiple_of3A_402 = tpu.assume_multiple %select_n3A_401, 8 : i32
      %run_scoped3A_403 = arith.constant 1 : i32
      "tpu.region"() ({
        %run_scoped3A_1137 = tpu.sem_alloc : memref<!tpu.dma_semaphore, #tpu.memory_space<semaphore_mem>>
        %dma_start3A_1138 = arith.constant 0 : i32
        %dma_start3A_1139 = arith.constant 0 : i32
        %dma_start3A_1140 = tpu.memref_slice %arg5[%run_scoped3A_403, %dma_start3A_1138, %dma_start3A_1139] : memref<2x8x128xi32, #tpu.memory_space<vmem>> -> memref<1x8x128xi32, #tpu.memory_space<vmem>>
        %dma_start3A_1141 = tpu.memref_squeeze %dma_start3A_1140 : memref<1x8x128xi32, #tpu.memory_space<vmem>> -> memref<8x128xi32, #tpu.memory_space<vmem>>
        %dma_start3A_1142 = arith.constant 0 : i32
        %dma_start3A_1143 = tpu.memref_slice %arg3[%multiple_of3A_402, %dma_start3A_1142] : memref<6400x128xi32, #tpu.memory_space<hbm>> -> memref<8x128xi32, #tpu.memory_space<hbm>>
        %dma_start3A_1144 = arith.constant 0 : i32
        %dma_start3A_1145 = arith.constant 0 : i32
        %dma_start3A_1146 = tpu.memref_slice %arg5[%run_scoped3A_403, %dma_start3A_1144, %dma_start3A_1145] : memref<2x8x128xi32, #tpu.memory_space<vmem>> -> memref<1x8x128xi32, #tpu.memory_space<vmem>>
        %dma_start3A_1147 = tpu.memref_squeeze %dma_start3A_1146 : memref<1x8x128xi32, #tpu.memory_space<vmem>> -> memref<8x128xi32, #tpu.memory_space<vmem>>
        %dma_start3A_1148 = arith.constant 0 : i32
        %dma_start3A_1149 = tpu.memref_slice %arg3[%multiple_of3A_402, %dma_start3A_1148] : memref<6400x128xi32, #tpu.memory_space<hbm>> -> memref<8x128xi32, #tpu.memory_space<hbm>>
        tpu.enqueue_dma source(%dma_start3A_1149 : memref<8x128xi32, #tpu.memory_space<hbm>>) target(%dma_start3A_1147 : memref<8x128xi32, #tpu.memory_space<vmem>>) target_semaphore(%run_scoped3A_1137 : memref<!tpu.dma_semaphore, #tpu.memory_space<semaphore_mem>>)
        %dma_wait3A_1150 = arith.constant 0 : i32
        %dma_wait3A_1151 = arith.constant 0 : i32
        %dma_wait3A_1152 = tpu.memref_slice %arg5[%run_scoped3A_403, %dma_wait3A_1150, %dma_wait3A_1151] : memref<2x8x128xi32, #tpu.memory_space<vmem>> -> memref<1x8x128xi32, #tpu.memory_space<vmem>>
        %dma_wait3A_1153 = tpu.memref_squeeze %dma_wait3A_1152 : memref<1x8x128xi32, #tpu.memory_space<vmem>> -> memref<8x128xi32, #tpu.memory_space<vmem>>
        %dma_wait3A_1154 = arith.constant 0 : i32
        %dma_wait3A_1155 = tpu.memref_slice %arg3[%multiple_of3A_402, %dma_wait3A_1154] : memref<6400x128xi32, #tpu.memory_space<hbm>> -> memref<8x128xi32, #tpu.memory_space<hbm>>
        %dma_wait3A_1156 = arith.constant 0 : i32
        %dma_wait3A_1157 = arith.constant 0 : i32
        %dma_wait3A_1158 = tpu.memref_slice %arg5[%run_scoped3A_403, %dma_wait3A_1156, %dma_wait3A_1157] : memref<2x8x128xi32, #tpu.memory_space<vmem>> -> memref<1x8x128xi32, #tpu.memory_space<vmem>>
        %dma_wait3A_1159 = tpu.memref_squeeze %dma_wait3A_1158 : memref<1x8x128xi32, #tpu.memory_space<vmem>> -> memref<8x128xi32, #tpu.memory_space<vmem>>
        %dma_wait3A_1160 = arith.constant 0 : i32
        %dma_wait3A_1161 = tpu.memref_slice %arg3[%multiple_of3A_402, %dma_wait3A_1160] : memref<6400x128xi32, #tpu.memory_space<hbm>> -> memref<8x128xi32, #tpu.memory_space<hbm>>
        tpu.wait_dma2 semaphore(%run_scoped3A_1137 : memref<!tpu.dma_semaphore, #tpu.memory_space<semaphore_mem>>) src(%dma_wait3A_1161 : memref<8x128xi32, #tpu.memory_space<hbm>>) dst(%dma_wait3A_1159 : memref<8x128xi32, #tpu.memory_space<vmem>>)
        tpu.yield
      }) : () -> ()
      %dma_start3A_404 = arith.constant 1 : i32
      %dma_start3A_405 = arith.constant 0 : i32
      %dma_start3A_406 = arith.constant 1 : i32
      %dma_start3A_407 = arith.constant 0 : i32
      %dma_start3A_408 = arith.constant 0 : i32
      %dma_start3A_409 = tpu.memref_slice %arg6[%dma_start3A_406, %dma_start3A_407, %dma_start3A_408] : memref<2x1024x32xi32, #tpu.memory_space<vmem>> -> memref<1x1024x32xi32, #tpu.memory_space<vmem>>
      %dma_start3A_410 = tpu.memref_squeeze %dma_start3A_409 : memref<1x1024x32xi32, #tpu.memory_space<vmem>> -> memref<1024x32xi32, #tpu.memory_space<vmem>>
      %dma_start3A_411 = arith.constant 0 : i32
      %dma_start3A_412 = arith.constant 0 : i32
      %dma_start3A_413 = tpu.memref_slice %dma_start3A_410[%dma_start3A_411, %dma_start3A_412] : memref<1024x32xi32, #tpu.memory_space<vmem>> -> memref<128x32xi32, #tpu.memory_space<vmem>>
      %dma_start3A_414 = arith.constant 0 : i32
      %dma_start3A_415 = arith.constant 0 : i32
      %dma_start3A_416 = tpu.memref_slice %arg5[%dma_start3A_404, %dma_start3A_414, %dma_start3A_415] : memref<2x8x128xi32, #tpu.memory_space<vmem>> -> memref<1x8x128xi32, #tpu.memory_space<vmem>>
      %dma_start3A_417 = tpu.memref_squeeze %dma_start3A_416 : memref<1x8x128xi32, #tpu.memory_space<vmem>> -> memref<8x128xi32, #tpu.memory_space<vmem>>
      %dma_start3A_418 = arith.constant 0 : i32
      %dma_start3A_419 = tpu.memref_slice %dma_start3A_417[%dma_start3A_405, %dma_start3A_418] : memref<8x128xi32, #tpu.memory_space<vmem>> -> memref<1x128xi32, #tpu.memory_space<vmem>>
      %dma_start3A_420 = tpu.memref_squeeze %dma_start3A_419 : memref<1x128xi32, #tpu.memory_space<vmem>> -> memref<128xi32, #tpu.memory_space<vmem>>
      %dma_start3A_421 = arith.constant 0 : i32
      %dma_start3A_422 = arith.constant 0 : i32
      %dma_start3A_423 = tpu.memref_slice %arg2[%dma_start3A_421, %dma_start3A_422] : memref<100352x32xi32, #tpu.memory_space<hbm>> -> memref<100352x32xi32, #tpu.memory_space<hbm>>
      tpu.enqueue_indirect_dma source(%dma_start3A_423 : memref<100352x32xi32, #tpu.memory_space<hbm>>) target(%dma_start3A_413 : memref<128x32xi32, #tpu.memory_space<vmem>>) offsets(%dma_start3A_420 : memref<128xi32, #tpu.memory_space<vmem>>) semaphore(%arg8 : memref<!tpu.dma_semaphore, #tpu.memory_space<semaphore_mem>>)
      %dma_start3A_424 = arith.constant 1 : i32
      %dma_start3A_425 = arith.constant 1 : i32
      %dma_start3A_426 = arith.constant 1 : i32
      %dma_start3A_427 = arith.constant 0 : i32
      %dma_start3A_428 = arith.constant 0 : i32
      %dma_start3A_429 = tpu.memref_slice %arg6[%dma_start3A_426, %dma_start3A_427, %dma_start3A_428] : memref<2x1024x32xi32, #tpu.memory_space<vmem>> -> memref<1x1024x32xi32, #tpu.memory_space<vmem>>
      %dma_start3A_430 = tpu.memref_squeeze %dma_start3A_429 : memref<1x1024x32xi32, #tpu.memory_space<vmem>> -> memref<1024x32xi32, #tpu.memory_space<vmem>>
      %dma_start3A_431 = arith.constant 128 : i32
      %dma_start3A_432 = arith.constant 0 : i32
      %dma_start3A_433 = tpu.memref_slice %dma_start3A_430[%dma_start3A_431, %dma_start3A_432] : memref<1024x32xi32, #tpu.memory_space<vmem>> -> memref<128x32xi32, #tpu.memory_space<vmem>>
      %dma_start3A_434 = arith.constant 0 : i32
      %dma_start3A_435 = arith.constant 0 : i32
      %dma_start3A_436 = tpu.memref_slice %arg5[%dma_start3A_424, %dma_start3A_434, %dma_start3A_435] : memref<2x8x128xi32, #tpu.memory_space<vmem>> -> memref<1x8x128xi32, #tpu.memory_space<vmem>>
      %dma_start3A_437 = tpu.memref_squeeze %dma_start3A_436 : memref<1x8x128xi32, #tpu.memory_space<vmem>> -> memref<8x128xi32, #tpu.memory_space<vmem>>
      %dma_start3A_438 = arith.constant 0 : i32
      %dma_start3A_439 = tpu.memref_slice %dma_start3A_437[%dma_start3A_425, %dma_start3A_438] : memref<8x128xi32, #tpu.memory_space<vmem>> -> memref<1x128xi32, #tpu.memory_space<vmem>>
      %dma_start3A_440 = tpu.memref_squeeze %dma_start3A_439 : memref<1x128xi32, #tpu.memory_space<vmem>> -> memref<128xi32, #tpu.memory_space<vmem>>
      %dma_start3A_441 = arith.constant 0 : i32
      %dma_start3A_442 = arith.constant 0 : i32
      %dma_start3A_443 = tpu.memref_slice %arg2[%dma_start3A_441, %dma_start3A_442] : memref<100352x32xi32, #tpu.memory_space<hbm>> -> memref<100352x32xi32, #tpu.memory_space<hbm>>
      tpu.enqueue_indirect_dma source(%dma_start3A_443 : memref<100352x32xi32, #tpu.memory_space<hbm>>) target(%dma_start3A_433 : memref<128x32xi32, #tpu.memory_space<vmem>>) offsets(%dma_start3A_440 : memref<128xi32, #tpu.memory_space<vmem>>) semaphore(%arg8 : memref<!tpu.dma_semaphore, #tpu.memory_space<semaphore_mem>>)
      %dma_start3A_444 = arith.constant 1 : i32
      %dma_start3A_445 = arith.constant 2 : i32
      %dma_start3A_446 = arith.constant 1 : i32
      %dma_start3A_447 = arith.constant 0 : i32
      %dma_start3A_448 = arith.constant 0 : i32
      %dma_start3A_449 = tpu.memref_slice %arg6[%dma_start3A_446, %dma_start3A_447, %dma_start3A_448] : memref<2x1024x32xi32, #tpu.memory_space<vmem>> -> memref<1x1024x32xi32, #tpu.memory_space<vmem>>
      %dma_start3A_450 = tpu.memref_squeeze %dma_start3A_449 : memref<1x1024x32xi32, #tpu.memory_space<vmem>> -> memref<1024x32xi32, #tpu.memory_space<vmem>>
      %dma_start3A_451 = arith.constant 256 : i32
      %dma_start3A_452 = arith.constant 0 : i32
      %dma_start3A_453 = tpu.memref_slice %dma_start3A_450[%dma_start3A_451, %dma_start3A_452] : memref<1024x32xi32, #tpu.memory_space<vmem>> -> memref<128x32xi32, #tpu.memory_space<vmem>>
      %dma_start3A_454 = arith.constant 0 : i32
      %dma_start3A_455 = arith.constant 0 : i32
      %dma_start3A_456 = tpu.memref_slice %arg5[%dma_start3A_444, %dma_start3A_454, %dma_start3A_455] : memref<2x8x128xi32, #tpu.memory_space<vmem>> -> memref<1x8x128xi32, #tpu.memory_space<vmem>>
      %dma_start3A_457 = tpu.memref_squeeze %dma_start3A_456 : memref<1x8x128xi32, #tpu.memory_space<vmem>> -> memref<8x128xi32, #tpu.memory_space<vmem>>
      %dma_start3A_458 = arith.constant 0 : i32
      %dma_start3A_459 = tpu.memref_slice %dma_start3A_457[%dma_start3A_445, %dma_start3A_458] : memref<8x128xi32, #tpu.memory_space<vmem>> -> memref<1x128xi32, #tpu.memory_space<vmem>>
      %dma_start3A_460 = tpu.memref_squeeze %dma_start3A_459 : memref<1x128xi32, #tpu.memory_space<vmem>> -> memref<128xi32, #tpu.memory_space<vmem>>
      %dma_start3A_461 = arith.constant 0 : i32
      %dma_start3A_462 = arith.constant 0 : i32
      %dma_start3A_463 = tpu.memref_slice %arg2[%dma_start3A_461, %dma_start3A_462] : memref<100352x32xi32, #tpu.memory_space<hbm>> -> memref<100352x32xi32, #tpu.memory_space<hbm>>
      tpu.enqueue_indirect_dma source(%dma_start3A_463 : memref<100352x32xi32, #tpu.memory_space<hbm>>) target(%dma_start3A_453 : memref<128x32xi32, #tpu.memory_space<vmem>>) offsets(%dma_start3A_460 : memref<128xi32, #tpu.memory_space<vmem>>) semaphore(%arg8 : memref<!tpu.dma_semaphore, #tpu.memory_space<semaphore_mem>>)
      %dma_start3A_464 = arith.constant 1 : i32
      %dma_start3A_465 = arith.constant 3 : i32
      %dma_start3A_466 = arith.constant 1 : i32
      %dma_start3A_467 = arith.constant 0 : i32
      %dma_start3A_468 = arith.constant 0 : i32
      %dma_start3A_469 = tpu.memref_slice %arg6[%dma_start3A_466, %dma_start3A_467, %dma_start3A_468] : memref<2x1024x32xi32, #tpu.memory_space<vmem>> -> memref<1x1024x32xi32, #tpu.memory_space<vmem>>
      %dma_start3A_470 = tpu.memref_squeeze %dma_start3A_469 : memref<1x1024x32xi32, #tpu.memory_space<vmem>> -> memref<1024x32xi32, #tpu.memory_space<vmem>>
      %dma_start3A_471 = arith.constant 384 : i32
      %dma_start3A_472 = arith.constant 0 : i32
      %dma_start3A_473 = tpu.memref_slice %dma_start3A_470[%dma_start3A_471, %dma_start3A_472] : memref<1024x32xi32, #tpu.memory_space<vmem>> -> memref<128x32xi32, #tpu.memory_space<vmem>>
      %dma_start3A_474 = arith.constant 0 : i32
      %dma_start3A_475 = arith.constant 0 : i32
      %dma_start3A_476 = tpu.memref_slice %arg5[%dma_start3A_464, %dma_start3A_474, %dma_start3A_475] : memref<2x8x128xi32, #tpu.memory_space<vmem>> -> memref<1x8x128xi32, #tpu.memory_space<vmem>>
      %dma_start3A_477 = tpu.memref_squeeze %dma_start3A_476 : memref<1x8x128xi32, #tpu.memory_space<vmem>> -> memref<8x128xi32, #tpu.memory_space<vmem>>
      %dma_start3A_478 = arith.constant 0 : i32
      %dma_start3A_479 = tpu.memref_slice %dma_start3A_477[%dma_start3A_465, %dma_start3A_478] : memref<8x128xi32, #tpu.memory_space<vmem>> -> memref<1x128xi32, #tpu.memory_space<vmem>>
      %dma_start3A_480 = tpu.memref_squeeze %dma_start3A_479 : memref<1x128xi32, #tpu.memory_space<vmem>> -> memref<128xi32, #tpu.memory_space<vmem>>
      %dma_start3A_481 = arith.constant 0 : i32
      %dma_start3A_482 = arith.constant 0 : i32
      %dma_start3A_483 = tpu.memref_slice %arg2[%dma_start3A_481, %dma_start3A_482] : memref<100352x32xi32, #tpu.memory_space<hbm>> -> memref<100352x32xi32, #tpu.memory_space<hbm>>
      tpu.enqueue_indirect_dma source(%dma_start3A_483 : memref<100352x32xi32, #tpu.memory_space<hbm>>) target(%dma_start3A_473 : memref<128x32xi32, #tpu.memory_space<vmem>>) offsets(%dma_start3A_480 : memref<128xi32, #tpu.memory_space<vmem>>) semaphore(%arg8 : memref<!tpu.dma_semaphore, #tpu.memory_space<semaphore_mem>>)
      %dma_start3A_484 = arith.constant 1 : i32
      %dma_start3A_485 = arith.constant 4 : i32
      %dma_start3A_486 = arith.constant 1 : i32
      %dma_start3A_487 = arith.constant 0 : i32
      %dma_start3A_488 = arith.constant 0 : i32
      %dma_start3A_489 = tpu.memref_slice %arg6[%dma_start3A_486, %dma_start3A_487, %dma_start3A_488] : memref<2x1024x32xi32, #tpu.memory_space<vmem>> -> memref<1x1024x32xi32, #tpu.memory_space<vmem>>
      %dma_start3A_490 = tpu.memref_squeeze %dma_start3A_489 : memref<1x1024x32xi32, #tpu.memory_space<vmem>> -> memref<1024x32xi32, #tpu.memory_space<vmem>>
      %dma_start3A_491 = arith.constant 512 : i32
      %dma_start3A_492 = arith.constant 0 : i32
      %dma_start3A_493 = tpu.memref_slice %dma_start3A_490[%dma_start3A_491, %dma_start3A_492] : memref<1024x32xi32, #tpu.memory_space<vmem>> -> memref<128x32xi32, #tpu.memory_space<vmem>>
      %dma_start3A_494 = arith.constant 0 : i32
      %dma_start3A_495 = arith.constant 0 : i32
      %dma_start3A_496 = tpu.memref_slice %arg5[%dma_start3A_484, %dma_start3A_494, %dma_start3A_495] : memref<2x8x128xi32, #tpu.memory_space<vmem>> -> memref<1x8x128xi32, #tpu.memory_space<vmem>>
      %dma_start3A_497 = tpu.memref_squeeze %dma_start3A_496 : memref<1x8x128xi32, #tpu.memory_space<vmem>> -> memref<8x128xi32, #tpu.memory_space<vmem>>
      %dma_start3A_498 = arith.constant 0 : i32
      %dma_start3A_499 = tpu.memref_slice %dma_start3A_497[%dma_start3A_485, %dma_start3A_498] : memref<8x128xi32, #tpu.memory_space<vmem>> -> memref<1x128xi32, #tpu.memory_space<vmem>>
      %dma_start3A_500 = tpu.memref_squeeze %dma_start3A_499 : memref<1x128xi32, #tpu.memory_space<vmem>> -> memref<128xi32, #tpu.memory_space<vmem>>
      %dma_start3A_501 = arith.constant 0 : i32
      %dma_start3A_502 = arith.constant 0 : i32
      %dma_start3A_503 = tpu.memref_slice %arg2[%dma_start3A_501, %dma_start3A_502] : memref<100352x32xi32, #tpu.memory_space<hbm>> -> memref<100352x32xi32, #tpu.memory_space<hbm>>
      tpu.enqueue_indirect_dma source(%dma_start3A_503 : memref<100352x32xi32, #tpu.memory_space<hbm>>) target(%dma_start3A_493 : memref<128x32xi32, #tpu.memory_space<vmem>>) offsets(%dma_start3A_500 : memref<128xi32, #tpu.memory_space<vmem>>) semaphore(%arg8 : memref<!tpu.dma_semaphore, #tpu.memory_space<semaphore_mem>>)
      %dma_start3A_504 = arith.constant 1 : i32
      %dma_start3A_505 = arith.constant 5 : i32
      %dma_start3A_506 = arith.constant 1 : i32
      %dma_start3A_507 = arith.constant 0 : i32
      %dma_start3A_508 = arith.constant 0 : i32
      %dma_start3A_509 = tpu.memref_slice %arg6[%dma_start3A_506, %dma_start3A_507, %dma_start3A_508] : memref<2x1024x32xi32, #tpu.memory_space<vmem>> -> memref<1x1024x32xi32, #tpu.memory_space<vmem>>
      %dma_start3A_510 = tpu.memref_squeeze %dma_start3A_509 : memref<1x1024x32xi32, #tpu.memory_space<vmem>> -> memref<1024x32xi32, #tpu.memory_space<vmem>>
      %dma_start3A_511 = arith.constant 640 : i32
      %dma_start3A_512 = arith.constant 0 : i32
      %dma_start3A_513 = tpu.memref_slice %dma_start3A_510[%dma_start3A_511, %dma_start3A_512] : memref<1024x32xi32, #tpu.memory_space<vmem>> -> memref<128x32xi32, #tpu.memory_space<vmem>>
      %dma_start3A_514 = arith.constant 0 : i32
      %dma_start3A_515 = arith.constant 0 : i32
      %dma_start3A_516 = tpu.memref_slice %arg5[%dma_start3A_504, %dma_start3A_514, %dma_start3A_515] : memref<2x8x128xi32, #tpu.memory_space<vmem>> -> memref<1x8x128xi32, #tpu.memory_space<vmem>>
      %dma_start3A_517 = tpu.memref_squeeze %dma_start3A_516 : memref<1x8x128xi32, #tpu.memory_space<vmem>> -> memref<8x128xi32, #tpu.memory_space<vmem>>
      %dma_start3A_518 = arith.constant 0 : i32
      %dma_start3A_519 = tpu.memref_slice %dma_start3A_517[%dma_start3A_505, %dma_start3A_518] : memref<8x128xi32, #tpu.memory_space<vmem>> -> memref<1x128xi32, #tpu.memory_space<vmem>>
      %dma_start3A_520 = tpu.memref_squeeze %dma_start3A_519 : memref<1x128xi32, #tpu.memory_space<vmem>> -> memref<128xi32, #tpu.memory_space<vmem>>
      %dma_start3A_521 = arith.constant 0 : i32
      %dma_start3A_522 = arith.constant 0 : i32
      %dma_start3A_523 = tpu.memref_slice %arg2[%dma_start3A_521, %dma_start3A_522] : memref<100352x32xi32, #tpu.memory_space<hbm>> -> memref<100352x32xi32, #tpu.memory_space<hbm>>
      tpu.enqueue_indirect_dma source(%dma_start3A_523 : memref<100352x32xi32, #tpu.memory_space<hbm>>) target(%dma_start3A_513 : memref<128x32xi32, #tpu.memory_space<vmem>>) offsets(%dma_start3A_520 : memref<128xi32, #tpu.memory_space<vmem>>) semaphore(%arg8 : memref<!tpu.dma_semaphore, #tpu.memory_space<semaphore_mem>>)
      %dma_start3A_524 = arith.constant 1 : i32
      %dma_start3A_525 = arith.constant 6 : i32
      %dma_start3A_526 = arith.constant 1 : i32
      %dma_start3A_527 = arith.constant 0 : i32
      %dma_start3A_528 = arith.constant 0 : i32
      %dma_start3A_529 = tpu.memref_slice %arg6[%dma_start3A_526, %dma_start3A_527, %dma_start3A_528] : memref<2x1024x32xi32, #tpu.memory_space<vmem>> -> memref<1x1024x32xi32, #tpu.memory_space<vmem>>
      %dma_start3A_530 = tpu.memref_squeeze %dma_start3A_529 : memref<1x1024x32xi32, #tpu.memory_space<vmem>> -> memref<1024x32xi32, #tpu.memory_space<vmem>>
      %dma_start3A_531 = arith.constant 768 : i32
      %dma_start3A_532 = arith.constant 0 : i32
      %dma_start3A_533 = tpu.memref_slice %dma_start3A_530[%dma_start3A_531, %dma_start3A_532] : memref<1024x32xi32, #tpu.memory_space<vmem>> -> memref<128x32xi32, #tpu.memory_space<vmem>>
      %dma_start3A_534 = arith.constant 0 : i32
      %dma_start3A_535 = arith.constant 0 : i32
      %dma_start3A_536 = tpu.memref_slice %arg5[%dma_start3A_524, %dma_start3A_534, %dma_start3A_535] : memref<2x8x128xi32, #tpu.memory_space<vmem>> -> memref<1x8x128xi32, #tpu.memory_space<vmem>>
      %dma_start3A_537 = tpu.memref_squeeze %dma_start3A_536 : memref<1x8x128xi32, #tpu.memory_space<vmem>> -> memref<8x128xi32, #tpu.memory_space<vmem>>
      %dma_start3A_538 = arith.constant 0 : i32
      %dma_start3A_539 = tpu.memref_slice %dma_start3A_537[%dma_start3A_525, %dma_start3A_538] : memref<8x128xi32, #tpu.memory_space<vmem>> -> memref<1x128xi32, #tpu.memory_space<vmem>>
      %dma_start3A_540 = tpu.memref_squeeze %dma_start3A_539 : memref<1x128xi32, #tpu.memory_space<vmem>> -> memref<128xi32, #tpu.memory_space<vmem>>
      %dma_start3A_541 = arith.constant 0 : i32
      %dma_start3A_542 = arith.constant 0 : i32
      %dma_start3A_543 = tpu.memref_slice %arg2[%dma_start3A_541, %dma_start3A_542] : memref<100352x32xi32, #tpu.memory_space<hbm>> -> memref<100352x32xi32, #tpu.memory_space<hbm>>
      tpu.enqueue_indirect_dma source(%dma_start3A_543 : memref<100352x32xi32, #tpu.memory_space<hbm>>) target(%dma_start3A_533 : memref<128x32xi32, #tpu.memory_space<vmem>>) offsets(%dma_start3A_540 : memref<128xi32, #tpu.memory_space<vmem>>) semaphore(%arg8 : memref<!tpu.dma_semaphore, #tpu.memory_space<semaphore_mem>>)
      %dma_start3A_544 = arith.constant 1 : i32
      %dma_start3A_545 = arith.constant 7 : i32
      %dma_start3A_546 = arith.constant 1 : i32
      %dma_start3A_547 = arith.constant 0 : i32
      %dma_start3A_548 = arith.constant 0 : i32
      %dma_start3A_549 = tpu.memref_slice %arg6[%dma_start3A_546, %dma_start3A_547, %dma_start3A_548] : memref<2x1024x32xi32, #tpu.memory_space<vmem>> -> memref<1x1024x32xi32, #tpu.memory_space<vmem>>
      %dma_start3A_550 = tpu.memref_squeeze %dma_start3A_549 : memref<1x1024x32xi32, #tpu.memory_space<vmem>> -> memref<1024x32xi32, #tpu.memory_space<vmem>>
      %dma_start3A_551 = arith.constant 896 : i32
      %dma_start3A_552 = arith.constant 0 : i32
      %dma_start3A_553 = tpu.memref_slice %dma_start3A_550[%dma_start3A_551, %dma_start3A_552] : memref<1024x32xi32, #tpu.memory_space<vmem>> -> memref<128x32xi32, #tpu.memory_space<vmem>>
      %dma_start3A_554 = arith.constant 0 : i32
      %dma_start3A_555 = arith.constant 0 : i32
      %dma_start3A_556 = tpu.memref_slice %arg5[%dma_start3A_544, %dma_start3A_554, %dma_start3A_555] : memref<2x8x128xi32, #tpu.memory_space<vmem>> -> memref<1x8x128xi32, #tpu.memory_space<vmem>>
      %dma_start3A_557 = tpu.memref_squeeze %dma_start3A_556 : memref<1x8x128xi32, #tpu.memory_space<vmem>> -> memref<8x128xi32, #tpu.memory_space<vmem>>
      %dma_start3A_558 = arith.constant 0 : i32
      %dma_start3A_559 = tpu.memref_slice %dma_start3A_557[%dma_start3A_545, %dma_start3A_558] : memref<8x128xi32, #tpu.memory_space<vmem>> -> memref<1x128xi32, #tpu.memory_space<vmem>>
      %dma_start3A_560 = tpu.memref_squeeze %dma_start3A_559 : memref<1x128xi32, #tpu.memory_space<vmem>> -> memref<128xi32, #tpu.memory_space<vmem>>
      %dma_start3A_561 = arith.constant 0 : i32
      %dma_start3A_562 = arith.constant 0 : i32
      %dma_start3A_563 = tpu.memref_slice %arg2[%dma_start3A_561, %dma_start3A_562] : memref<100352x32xi32, #tpu.memory_space<hbm>> -> memref<100352x32xi32, #tpu.memory_space<hbm>>
      tpu.enqueue_indirect_dma source(%dma_start3A_563 : memref<100352x32xi32, #tpu.memory_space<hbm>>) target(%dma_start3A_553 : memref<128x32xi32, #tpu.memory_space<vmem>>) offsets(%dma_start3A_560 : memref<128xi32, #tpu.memory_space<vmem>>) semaphore(%arg8 : memref<!tpu.dma_semaphore, #tpu.memory_space<semaphore_mem>>)
      %dma_wait3A_564 = arith.constant 0 : i32
      %dma_wait3A_565 = arith.constant 0 : i32
      %dma_wait3A_566 = arith.constant 0 : i32
      %dma_wait3A_567 = arith.constant 0 : i32
      %dma_wait3A_568 = arith.constant 0 : i32
      %dma_wait3A_569 = tpu.memref_slice %arg6[%dma_wait3A_566, %dma_wait3A_567, %dma_wait3A_568] : memref<2x1024x32xi32, #tpu.memory_space<vmem>> -> memref<1x1024x32xi32, #tpu.memory_space<vmem>>
      %dma_wait3A_570 = tpu.memref_squeeze %dma_wait3A_569 : memref<1x1024x32xi32, #tpu.memory_space<vmem>> -> memref<1024x32xi32, #tpu.memory_space<vmem>>
      %dma_wait3A_571 = arith.constant 0 : i32
      %dma_wait3A_572 = arith.constant 0 : i32
      %dma_wait3A_573 = tpu.memref_slice %dma_wait3A_570[%dma_wait3A_571, %dma_wait3A_572] : memref<1024x32xi32, #tpu.memory_space<vmem>> -> memref<128x32xi32, #tpu.memory_space<vmem>>
      %dma_wait3A_574 = arith.constant 0 : i32
      %dma_wait3A_575 = arith.constant 0 : i32
      %dma_wait3A_576 = tpu.memref_slice %arg5[%dma_wait3A_564, %dma_wait3A_574, %dma_wait3A_575] : memref<2x8x128xi32, #tpu.memory_space<vmem>> -> memref<1x8x128xi32, #tpu.memory_space<vmem>>
      %dma_wait3A_577 = tpu.memref_squeeze %dma_wait3A_576 : memref<1x8x128xi32, #tpu.memory_space<vmem>> -> memref<8x128xi32, #tpu.memory_space<vmem>>
      %dma_wait3A_578 = arith.constant 0 : i32
      %dma_wait3A_579 = tpu.memref_slice %dma_wait3A_577[%dma_wait3A_565, %dma_wait3A_578] : memref<8x128xi32, #tpu.memory_space<vmem>> -> memref<1x128xi32, #tpu.memory_space<vmem>>
      %dma_wait3A_580 = tpu.memref_squeeze %dma_wait3A_579 : memref<1x128xi32, #tpu.memory_space<vmem>> -> memref<128xi32, #tpu.memory_space<vmem>>
      %dma_wait3A_581 = arith.constant 0 : i32
      %dma_wait3A_582 = arith.constant 0 : i32
      %dma_wait3A_583 = tpu.memref_slice %arg2[%dma_wait3A_581, %dma_wait3A_582] : memref<100352x32xi32, #tpu.memory_space<hbm>> -> memref<100352x32xi32, #tpu.memory_space<hbm>>
      tpu.wait_indirect_dma semaphore(%arg7 : memref<!tpu.dma_semaphore, #tpu.memory_space<semaphore_mem>>) src(%dma_wait3A_583 : memref<100352x32xi32, #tpu.memory_space<hbm>>) dst(%dma_wait3A_573 : memref<128x32xi32, #tpu.memory_space<vmem>>)
      %dma_wait3A_584 = arith.constant 0 : i32
      %dma_wait3A_585 = arith.constant 1 : i32
      %dma_wait3A_586 = arith.constant 0 : i32
      %dma_wait3A_587 = arith.constant 0 : i32
      %dma_wait3A_588 = arith.constant 0 : i32
      %dma_wait3A_589 = tpu.memref_slice %arg6[%dma_wait3A_586, %dma_wait3A_587, %dma_wait3A_588] : memref<2x1024x32xi32, #tpu.memory_space<vmem>> -> memref<1x1024x32xi32, #tpu.memory_space<vmem>>
      %dma_wait3A_590 = tpu.memref_squeeze %dma_wait3A_589 : memref<1x1024x32xi32, #tpu.memory_space<vmem>> -> memref<1024x32xi32, #tpu.memory_space<vmem>>
      %dma_wait3A_591 = arith.constant 128 : i32
      %dma_wait3A_592 = arith.constant 0 : i32
      %dma_wait3A_593 = tpu.memref_slice %dma_wait3A_590[%dma_wait3A_591, %dma_wait3A_592] : memref<1024x32xi32, #tpu.memory_space<vmem>> -> memref<128x32xi32, #tpu.memory_space<vmem>>
      %dma_wait3A_594 = arith.constant 0 : i32
      %dma_wait3A_595 = arith.constant 0 : i32
      %dma_wait3A_596 = tpu.memref_slice %arg5[%dma_wait3A_584, %dma_wait3A_594, %dma_wait3A_595] : memref<2x8x128xi32, #tpu.memory_space<vmem>> -> memref<1x8x128xi32, #tpu.memory_space<vmem>>
      %dma_wait3A_597 = tpu.memref_squeeze %dma_wait3A_596 : memref<1x8x128xi32, #tpu.memory_space<vmem>> -> memref<8x128xi32, #tpu.memory_space<vmem>>
      %dma_wait3A_598 = arith.constant 0 : i32
      %dma_wait3A_599 = tpu.memref_slice %dma_wait3A_597[%dma_wait3A_585, %dma_wait3A_598] : memref<8x128xi32, #tpu.memory_space<vmem>> -> memref<1x128xi32, #tpu.memory_space<vmem>>
      %dma_wait3A_600 = tpu.memref_squeeze %dma_wait3A_599 : memref<1x128xi32, #tpu.memory_space<vmem>> -> memref<128xi32, #tpu.memory_space<vmem>>
      %dma_wait3A_601 = arith.constant 0 : i32
      %dma_wait3A_602 = arith.constant 0 : i32
      %dma_wait3A_603 = tpu.memref_slice %arg2[%dma_wait3A_601, %dma_wait3A_602] : memref<100352x32xi32, #tpu.memory_space<hbm>> -> memref<100352x32xi32, #tpu.memory_space<hbm>>
      tpu.wait_indirect_dma semaphore(%arg7 : memref<!tpu.dma_semaphore, #tpu.memory_space<semaphore_mem>>) src(%dma_wait3A_603 : memref<100352x32xi32, #tpu.memory_space<hbm>>) dst(%dma_wait3A_593 : memref<128x32xi32, #tpu.memory_space<vmem>>)
      %dma_wait3A_604 = arith.constant 0 : i32
      %dma_wait3A_605 = arith.constant 2 : i32
      %dma_wait3A_606 = arith.constant 0 : i32
      %dma_wait3A_607 = arith.constant 0 : i32
      %dma_wait3A_608 = arith.constant 0 : i32
      %dma_wait3A_609 = tpu.memref_slice %arg6[%dma_wait3A_606, %dma_wait3A_607, %dma_wait3A_608] : memref<2x1024x32xi32, #tpu.memory_space<vmem>> -> memref<1x1024x32xi32, #tpu.memory_space<vmem>>
      %dma_wait3A_610 = tpu.memref_squeeze %dma_wait3A_609 : memref<1x1024x32xi32, #tpu.memory_space<vmem>> -> memref<1024x32xi32, #tpu.memory_space<vmem>>
      %dma_wait3A_611 = arith.constant 256 : i32
      %dma_wait3A_612 = arith.constant 0 : i32
      %dma_wait3A_613 = tpu.memref_slice %dma_wait3A_610[%dma_wait3A_611, %dma_wait3A_612] : memref<1024x32xi32, #tpu.memory_space<vmem>> -> memref<128x32xi32, #tpu.memory_space<vmem>>
      %dma_wait3A_614 = arith.constant 0 : i32
      %dma_wait3A_615 = arith.constant 0 : i32
      %dma_wait3A_616 = tpu.memref_slice %arg5[%dma_wait3A_604, %dma_wait3A_614, %dma_wait3A_615] : memref<2x8x128xi32, #tpu.memory_space<vmem>> -> memref<1x8x128xi32, #tpu.memory_space<vmem>>
      %dma_wait3A_617 = tpu.memref_squeeze %dma_wait3A_616 : memref<1x8x128xi32, #tpu.memory_space<vmem>> -> memref<8x128xi32, #tpu.memory_space<vmem>>
      %dma_wait3A_618 = arith.constant 0 : i32
      %dma_wait3A_619 = tpu.memref_slice %dma_wait3A_617[%dma_wait3A_605, %dma_wait3A_618] : memref<8x128xi32, #tpu.memory_space<vmem>> -> memref<1x128xi32, #tpu.memory_space<vmem>>
      %dma_wait3A_620 = tpu.memref_squeeze %dma_wait3A_619 : memref<1x128xi32, #tpu.memory_space<vmem>> -> memref<128xi32, #tpu.memory_space<vmem>>
      %dma_wait3A_621 = arith.constant 0 : i32
      %dma_wait3A_622 = arith.constant 0 : i32
      %dma_wait3A_623 = tpu.memref_slice %arg2[%dma_wait3A_621, %dma_wait3A_622] : memref<100352x32xi32, #tpu.memory_space<hbm>> -> memref<100352x32xi32, #tpu.memory_space<hbm>>
      tpu.wait_indirect_dma semaphore(%arg7 : memref<!tpu.dma_semaphore, #tpu.memory_space<semaphore_mem>>) src(%dma_wait3A_623 : memref<100352x32xi32, #tpu.memory_space<hbm>>) dst(%dma_wait3A_613 : memref<128x32xi32, #tpu.memory_space<vmem>>)
      %dma_wait3A_624 = arith.constant 0 : i32
      %dma_wait3A_625 = arith.constant 3 : i32
      %dma_wait3A_626 = arith.constant 0 : i32
      %dma_wait3A_627 = arith.constant 0 : i32
      %dma_wait3A_628 = arith.constant 0 : i32
      %dma_wait3A_629 = tpu.memref_slice %arg6[%dma_wait3A_626, %dma_wait3A_627, %dma_wait3A_628] : memref<2x1024x32xi32, #tpu.memory_space<vmem>> -> memref<1x1024x32xi32, #tpu.memory_space<vmem>>
      %dma_wait3A_630 = tpu.memref_squeeze %dma_wait3A_629 : memref<1x1024x32xi32, #tpu.memory_space<vmem>> -> memref<1024x32xi32, #tpu.memory_space<vmem>>
      %dma_wait3A_631 = arith.constant 384 : i32
      %dma_wait3A_632 = arith.constant 0 : i32
      %dma_wait3A_633 = tpu.memref_slice %dma_wait3A_630[%dma_wait3A_631, %dma_wait3A_632] : memref<1024x32xi32, #tpu.memory_space<vmem>> -> memref<128x32xi32, #tpu.memory_space<vmem>>
      %dma_wait3A_634 = arith.constant 0 : i32
      %dma_wait3A_635 = arith.constant 0 : i32
      %dma_wait3A_636 = tpu.memref_slice %arg5[%dma_wait3A_624, %dma_wait3A_634, %dma_wait3A_635] : memref<2x8x128xi32, #tpu.memory_space<vmem>> -> memref<1x8x128xi32, #tpu.memory_space<vmem>>
      %dma_wait3A_637 = tpu.memref_squeeze %dma_wait3A_636 : memref<1x8x128xi32, #tpu.memory_space<vmem>> -> memref<8x128xi32, #tpu.memory_space<vmem>>
      %dma_wait3A_638 = arith.constant 0 : i32
      %dma_wait3A_639 = tpu.memref_slice %dma_wait3A_637[%dma_wait3A_625, %dma_wait3A_638] : memref<8x128xi32, #tpu.memory_space<vmem>> -> memref<1x128xi32, #tpu.memory_space<vmem>>
      %dma_wait3A_640 = tpu.memref_squeeze %dma_wait3A_639 : memref<1x128xi32, #tpu.memory_space<vmem>> -> memref<128xi32, #tpu.memory_space<vmem>>
      %dma_wait3A_641 = arith.constant 0 : i32
      %dma_wait3A_642 = arith.constant 0 : i32
      %dma_wait3A_643 = tpu.memref_slice %arg2[%dma_wait3A_641, %dma_wait3A_642] : memref<100352x32xi32, #tpu.memory_space<hbm>> -> memref<100352x32xi32, #tpu.memory_space<hbm>>
      tpu.wait_indirect_dma semaphore(%arg7 : memref<!tpu.dma_semaphore, #tpu.memory_space<semaphore_mem>>) src(%dma_wait3A_643 : memref<100352x32xi32, #tpu.memory_space<hbm>>) dst(%dma_wait3A_633 : memref<128x32xi32, #tpu.memory_space<vmem>>)
      %dma_wait3A_644 = arith.constant 0 : i32
      %dma_wait3A_645 = arith.constant 4 : i32
      %dma_wait3A_646 = arith.constant 0 : i32
      %dma_wait3A_647 = arith.constant 0 : i32
      %dma_wait3A_648 = arith.constant 0 : i32
      %dma_wait3A_649 = tpu.memref_slice %arg6[%dma_wait3A_646, %dma_wait3A_647, %dma_wait3A_648] : memref<2x1024x32xi32, #tpu.memory_space<vmem>> -> memref<1x1024x32xi32, #tpu.memory_space<vmem>>
      %dma_wait3A_650 = tpu.memref_squeeze %dma_wait3A_649 : memref<1x1024x32xi32, #tpu.memory_space<vmem>> -> memref<1024x32xi32, #tpu.memory_space<vmem>>
      %dma_wait3A_651 = arith.constant 512 : i32
      %dma_wait3A_652 = arith.constant 0 : i32
      %dma_wait3A_653 = tpu.memref_slice %dma_wait3A_650[%dma_wait3A_651, %dma_wait3A_652] : memref<1024x32xi32, #tpu.memory_space<vmem>> -> memref<128x32xi32, #tpu.memory_space<vmem>>
      %dma_wait3A_654 = arith.constant 0 : i32
      %dma_wait3A_655 = arith.constant 0 : i32
      %dma_wait3A_656 = tpu.memref_slice %arg5[%dma_wait3A_644, %dma_wait3A_654, %dma_wait3A_655] : memref<2x8x128xi32, #tpu.memory_space<vmem>> -> memref<1x8x128xi32, #tpu.memory_space<vmem>>
      %dma_wait3A_657 = tpu.memref_squeeze %dma_wait3A_656 : memref<1x8x128xi32, #tpu.memory_space<vmem>> -> memref<8x128xi32, #tpu.memory_space<vmem>>
      %dma_wait3A_658 = arith.constant 0 : i32
      %dma_wait3A_659 = tpu.memref_slice %dma_wait3A_657[%dma_wait3A_645, %dma_wait3A_658] : memref<8x128xi32, #tpu.memory_space<vmem>> -> memref<1x128xi32, #tpu.memory_space<vmem>>
      %dma_wait3A_660 = tpu.memref_squeeze %dma_wait3A_659 : memref<1x128xi32, #tpu.memory_space<vmem>> -> memref<128xi32, #tpu.memory_space<vmem>>
      %dma_wait3A_661 = arith.constant 0 : i32
      %dma_wait3A_662 = arith.constant 0 : i32
      %dma_wait3A_663 = tpu.memref_slice %arg2[%dma_wait3A_661, %dma_wait3A_662] : memref<100352x32xi32, #tpu.memory_space<hbm>> -> memref<100352x32xi32, #tpu.memory_space<hbm>>
      tpu.wait_indirect_dma semaphore(%arg7 : memref<!tpu.dma_semaphore, #tpu.memory_space<semaphore_mem>>) src(%dma_wait3A_663 : memref<100352x32xi32, #tpu.memory_space<hbm>>) dst(%dma_wait3A_653 : memref<128x32xi32, #tpu.memory_space<vmem>>)
      %dma_wait3A_664 = arith.constant 0 : i32
      %dma_wait3A_665 = arith.constant 5 : i32
      %dma_wait3A_666 = arith.constant 0 : i32
      %dma_wait3A_667 = arith.constant 0 : i32
      %dma_wait3A_668 = arith.constant 0 : i32
      %dma_wait3A_669 = tpu.memref_slice %arg6[%dma_wait3A_666, %dma_wait3A_667, %dma_wait3A_668] : memref<2x1024x32xi32, #tpu.memory_space<vmem>> -> memref<1x1024x32xi32, #tpu.memory_space<vmem>>
      %dma_wait3A_670 = tpu.memref_squeeze %dma_wait3A_669 : memref<1x1024x32xi32, #tpu.memory_space<vmem>> -> memref<1024x32xi32, #tpu.memory_space<vmem>>
      %dma_wait3A_671 = arith.constant 640 : i32
      %dma_wait3A_672 = arith.constant 0 : i32
      %dma_wait3A_673 = tpu.memref_slice %dma_wait3A_670[%dma_wait3A_671, %dma_wait3A_672] : memref<1024x32xi32, #tpu.memory_space<vmem>> -> memref<128x32xi32, #tpu.memory_space<vmem>>
      %dma_wait3A_674 = arith.constant 0 : i32
      %dma_wait3A_675 = arith.constant 0 : i32
      %dma_wait3A_676 = tpu.memref_slice %arg5[%dma_wait3A_664, %dma_wait3A_674, %dma_wait3A_675] : memref<2x8x128xi32, #tpu.memory_space<vmem>> -> memref<1x8x128xi32, #tpu.memory_space<vmem>>
      %dma_wait3A_677 = tpu.memref_squeeze %dma_wait3A_676 : memref<1x8x128xi32, #tpu.memory_space<vmem>> -> memref<8x128xi32, #tpu.memory_space<vmem>>
      %dma_wait3A_678 = arith.constant 0 : i32
      %dma_wait3A_679 = tpu.memref_slice %dma_wait3A_677[%dma_wait3A_665, %dma_wait3A_678] : memref<8x128xi32, #tpu.memory_space<vmem>> -> memref<1x128xi32, #tpu.memory_space<vmem>>
      %dma_wait3A_680 = tpu.memref_squeeze %dma_wait3A_679 : memref<1x128xi32, #tpu.memory_space<vmem>> -> memref<128xi32, #tpu.memory_space<vmem>>
      %dma_wait3A_681 = arith.constant 0 : i32
      %dma_wait3A_682 = arith.constant 0 : i32
      %dma_wait3A_683 = tpu.memref_slice %arg2[%dma_wait3A_681, %dma_wait3A_682] : memref<100352x32xi32, #tpu.memory_space<hbm>> -> memref<100352x32xi32, #tpu.memory_space<hbm>>
      tpu.wait_indirect_dma semaphore(%arg7 : memref<!tpu.dma_semaphore, #tpu.memory_space<semaphore_mem>>) src(%dma_wait3A_683 : memref<100352x32xi32, #tpu.memory_space<hbm>>) dst(%dma_wait3A_673 : memref<128x32xi32, #tpu.memory_space<vmem>>)
      %dma_wait3A_684 = arith.constant 0 : i32
      %dma_wait3A_685 = arith.constant 6 : i32
      %dma_wait3A_686 = arith.constant 0 : i32
      %dma_wait3A_687 = arith.constant 0 : i32
      %dma_wait3A_688 = arith.constant 0 : i32
      %dma_wait3A_689 = tpu.memref_slice %arg6[%dma_wait3A_686, %dma_wait3A_687, %dma_wait3A_688] : memref<2x1024x32xi32, #tpu.memory_space<vmem>> -> memref<1x1024x32xi32, #tpu.memory_space<vmem>>
      %dma_wait3A_690 = tpu.memref_squeeze %dma_wait3A_689 : memref<1x1024x32xi32, #tpu.memory_space<vmem>> -> memref<1024x32xi32, #tpu.memory_space<vmem>>
      %dma_wait3A_691 = arith.constant 768 : i32
      %dma_wait3A_692 = arith.constant 0 : i32
      %dma_wait3A_693 = tpu.memref_slice %dma_wait3A_690[%dma_wait3A_691, %dma_wait3A_692] : memref<1024x32xi32, #tpu.memory_space<vmem>> -> memref<128x32xi32, #tpu.memory_space<vmem>>
      %dma_wait3A_694 = arith.constant 0 : i32
      %dma_wait3A_695 = arith.constant 0 : i32
      %dma_wait3A_696 = tpu.memref_slice %arg5[%dma_wait3A_684, %dma_wait3A_694, %dma_wait3A_695] : memref<2x8x128xi32, #tpu.memory_space<vmem>> -> memref<1x8x128xi32, #tpu.memory_space<vmem>>
      %dma_wait3A_697 = tpu.memref_squeeze %dma_wait3A_696 : memref<1x8x128xi32, #tpu.memory_space<vmem>> -> memref<8x128xi32, #tpu.memory_space<vmem>>
      %dma_wait3A_698 = arith.constant 0 : i32
      %dma_wait3A_699 = tpu.memref_slice %dma_wait3A_697[%dma_wait3A_685, %dma_wait3A_698] : memref<8x128xi32, #tpu.memory_space<vmem>> -> memref<1x128xi32, #tpu.memory_space<vmem>>
      %dma_wait3A_700 = tpu.memref_squeeze %dma_wait3A_699 : memref<1x128xi32, #tpu.memory_space<vmem>> -> memref<128xi32, #tpu.memory_space<vmem>>
      %dma_wait3A_701 = arith.constant 0 : i32
      %dma_wait3A_702 = arith.constant 0 : i32
      %dma_wait3A_703 = tpu.memref_slice %arg2[%dma_wait3A_701, %dma_wait3A_702] : memref<100352x32xi32, #tpu.memory_space<hbm>> -> memref<100352x32xi32, #tpu.memory_space<hbm>>
      tpu.wait_indirect_dma semaphore(%arg7 : memref<!tpu.dma_semaphore, #tpu.memory_space<semaphore_mem>>) src(%dma_wait3A_703 : memref<100352x32xi32, #tpu.memory_space<hbm>>) dst(%dma_wait3A_693 : memref<128x32xi32, #tpu.memory_space<vmem>>)
      %dma_wait3A_704 = arith.constant 0 : i32
      %dma_wait3A_705 = arith.constant 7 : i32
      %dma_wait3A_706 = arith.constant 0 : i32
      %dma_wait3A_707 = arith.constant 0 : i32
      %dma_wait3A_708 = arith.constant 0 : i32
      %dma_wait3A_709 = tpu.memref_slice %arg6[%dma_wait3A_706, %dma_wait3A_707, %dma_wait3A_708] : memref<2x1024x32xi32, #tpu.memory_space<vmem>> -> memref<1x1024x32xi32, #tpu.memory_space<vmem>>
      %dma_wait3A_710 = tpu.memref_squeeze %dma_wait3A_709 : memref<1x1024x32xi32, #tpu.memory_space<vmem>> -> memref<1024x32xi32, #tpu.memory_space<vmem>>
      %dma_wait3A_711 = arith.constant 896 : i32
      %dma_wait3A_712 = arith.constant 0 : i32
      %dma_wait3A_713 = tpu.memref_slice %dma_wait3A_710[%dma_wait3A_711, %dma_wait3A_712] : memref<1024x32xi32, #tpu.memory_space<vmem>> -> memref<128x32xi32, #tpu.memory_space<vmem>>
      %dma_wait3A_714 = arith.constant 0 : i32
      %dma_wait3A_715 = arith.constant 0 : i32
      %dma_wait3A_716 = tpu.memref_slice %arg5[%dma_wait3A_704, %dma_wait3A_714, %dma_wait3A_715] : memref<2x8x128xi32, #tpu.memory_space<vmem>> -> memref<1x8x128xi32, #tpu.memory_space<vmem>>
      %dma_wait3A_717 = tpu.memref_squeeze %dma_wait3A_716 : memref<1x8x128xi32, #tpu.memory_space<vmem>> -> memref<8x128xi32, #tpu.memory_space<vmem>>
      %dma_wait3A_718 = arith.constant 0 : i32
      %dma_wait3A_719 = tpu.memref_slice %dma_wait3A_717[%dma_wait3A_705, %dma_wait3A_718] : memref<8x128xi32, #tpu.memory_space<vmem>> -> memref<1x128xi32, #tpu.memory_space<vmem>>
      %dma_wait3A_720 = tpu.memref_squeeze %dma_wait3A_719 : memref<1x128xi32, #tpu.memory_space<vmem>> -> memref<128xi32, #tpu.memory_space<vmem>>
      %dma_wait3A_721 = arith.constant 0 : i32
      %dma_wait3A_722 = arith.constant 0 : i32
      %dma_wait3A_723 = tpu.memref_slice %arg2[%dma_wait3A_721, %dma_wait3A_722] : memref<100352x32xi32, #tpu.memory_space<hbm>> -> memref<100352x32xi32, #tpu.memory_space<hbm>>
      tpu.wait_indirect_dma semaphore(%arg7 : memref<!tpu.dma_semaphore, #tpu.memory_space<semaphore_mem>>) src(%dma_wait3A_723 : memref<100352x32xi32, #tpu.memory_space<hbm>>) dst(%dma_wait3A_713 : memref<128x32xi32, #tpu.memory_space<vmem>>)
      %sub3A_724 = arith.constant 1 : i32
      %sub3A_725 = arith.subi %add3A_371, %sub3A_724 : i32
      %mul3A_726 = arith.constant 1024 : i32
      %mul3A_727 = arith.muli %sub3A_725, %mul3A_726 : i32
      %add3A_728 = arith.addi %mul3A_2, %mul3A_727 : i32
      %multiple_of3A_729 = tpu.assume_multiple %add3A_728, 1024 : i32
      %dma_start3A_730 = arith.constant 0 : i32
      %dma_start3A_731 = arith.constant 0 : i32
      %dma_start3A_732 = arith.constant 0 : i32
      %dma_start3A_733 = tpu.memref_slice %arg6[%dma_start3A_730, %dma_start3A_731, %dma_start3A_732] : memref<2x1024x32xi32, #tpu.memory_space<vmem>> -> memref<1x1024x32xi32, #tpu.memory_space<vmem>>
      %dma_start3A_734 = tpu.memref_squeeze %dma_start3A_733 : memref<1x1024x32xi32, #tpu.memory_space<vmem>> -> memref<1024x32xi32, #tpu.memory_space<vmem>>
      %dma_start3A_735 = arith.constant 0 : i32
      %dma_start3A_736 = tpu.memref_slice %arg4[%multiple_of3A_729, %dma_start3A_735] : memref<819200x32xi32, #tpu.memory_space<hbm>> -> memref<1024x32xi32, #tpu.memory_space<hbm>>
      %dma_start3A_737 = arith.constant 0 : i32
      %dma_start3A_738 = tpu.memref_slice %arg4[%multiple_of3A_729, %dma_start3A_737] : memref<819200x32xi32, #tpu.memory_space<hbm>> -> memref<1024x32xi32, #tpu.memory_space<hbm>>
      %dma_start3A_739 = arith.constant 0 : i32
      %dma_start3A_740 = arith.constant 0 : i32
      %dma_start3A_741 = tpu.memref_slice %arg6[%dma_start3A_730, %dma_start3A_739, %dma_start3A_740] : memref<2x1024x32xi32, #tpu.memory_space<vmem>> -> memref<1x1024x32xi32, #tpu.memory_space<vmem>>
      %dma_start3A_742 = tpu.memref_squeeze %dma_start3A_741 : memref<1x1024x32xi32, #tpu.memory_space<vmem>> -> memref<1024x32xi32, #tpu.memory_space<vmem>>
      tpu.enqueue_dma source(%dma_start3A_742 : memref<1024x32xi32, #tpu.memory_space<vmem>>) target(%dma_start3A_738 : memref<1024x32xi32, #tpu.memory_space<hbm>>) target_semaphore(%arg9 : memref<!tpu.dma_semaphore, #tpu.memory_space<semaphore_mem>>)
      %mul3A_743 = arith.constant 2 : i32
      %mul3A_744 = arith.muli %mul3A_743, %scan3A_365 : i32
      %add3A_745 = arith.constant 1 : i32
      %add3A_746 = arith.addi %mul3A_744, %add3A_745 : i32
      %add3A_747 = arith.constant 1 : i32
      %add3A_748 = arith.addi %add3A_746, %add3A_747 : i32
      %sub3A_749 = arith.constant 2 : i32
      %sub3A_750 = arith.subi %add3A_748, %sub3A_749 : i32
      %mul3A_751 = arith.constant 1024 : i32
      %mul3A_752 = arith.muli %sub3A_750, %mul3A_751 : i32
      %add3A_753 = arith.addi %mul3A_2, %mul3A_752 : i32
      %multiple_of3A_754 = tpu.assume_multiple %add3A_753, 1024 : i32
      %dma_wait3A_755 = arith.constant 0 : i32
      %dma_wait3A_756 = arith.constant 0 : i32
      %dma_wait3A_757 = arith.constant 0 : i32
      %dma_wait3A_758 = tpu.memref_slice %arg6[%dma_wait3A_755, %dma_wait3A_756, %dma_wait3A_757] : memref<2x1024x32xi32, #tpu.memory_space<vmem>> -> memref<1x1024x32xi32, #tpu.memory_space<vmem>>
      %dma_wait3A_759 = tpu.memref_squeeze %dma_wait3A_758 : memref<1x1024x32xi32, #tpu.memory_space<vmem>> -> memref<1024x32xi32, #tpu.memory_space<vmem>>
      %dma_wait3A_760 = arith.constant 0 : i32
      %dma_wait3A_761 = tpu.memref_slice %arg4[%multiple_of3A_754, %dma_wait3A_760] : memref<819200x32xi32, #tpu.memory_space<hbm>> -> memref<1024x32xi32, #tpu.memory_space<hbm>>
      %dma_wait3A_762 = arith.constant 0 : i32
      %dma_wait3A_763 = tpu.memref_slice %arg4[%multiple_of3A_754, %dma_wait3A_762] : memref<819200x32xi32, #tpu.memory_space<hbm>> -> memref<1024x32xi32, #tpu.memory_space<hbm>>
      %dma_wait3A_764 = arith.constant 0 : i32
      %dma_wait3A_765 = arith.constant 0 : i32
      %dma_wait3A_766 = tpu.memref_slice %arg6[%dma_wait3A_755, %dma_wait3A_764, %dma_wait3A_765] : memref<2x1024x32xi32, #tpu.memory_space<vmem>> -> memref<1x1024x32xi32, #tpu.memory_space<vmem>>
      %dma_wait3A_767 = tpu.memref_squeeze %dma_wait3A_766 : memref<1x1024x32xi32, #tpu.memory_space<vmem>> -> memref<1024x32xi32, #tpu.memory_space<vmem>>
      tpu.wait_dma2 semaphore(%arg9 : memref<!tpu.dma_semaphore, #tpu.memory_space<semaphore_mem>>) src(%dma_wait3A_767 : memref<1024x32xi32, #tpu.memory_space<vmem>>) dst(%dma_wait3A_763 : memref<1024x32xi32, #tpu.memory_space<hbm>>)
      %mul3A_768 = arith.constant 1024 : i32
      %mul3A_769 = arith.muli %add3A_748, %mul3A_768 : i32
      %add3A_770 = arith.addi %mul3A_2, %mul3A_769 : i32
      %multiple_of3A_771 = tpu.assume_multiple %add3A_770, 1024 : i32
      %jit3A_772 = arith.constant 128 : i32
      %div3A_773 = arith.divsi %multiple_of3A_771, %jit3A_772 : i32
      %sign3A_774 = arith.constant 0 : i32
      %sign3A_775 = arith.cmpi sgt, %multiple_of3A_771, %sign3A_774 : i32
      %sign3A_776 = arith.extui %sign3A_775 : i1 to i32
      %sign3A_777 = arith.constant 0 : i32
      %sign3A_778 = arith.cmpi slt, %multiple_of3A_771, %sign3A_777 : i32
      %sign3A_779 = arith.extui %sign3A_778 : i1 to i32
      %sign3A_780 = arith.subi %sign3A_776, %sign3A_779 : i32
      %sign3A_781 = arith.constant 0 : i32
      %sign3A_782 = arith.cmpi sgt, %jit3A_772, %sign3A_781 : i32
      %sign3A_783 = arith.extui %sign3A_782 : i1 to i32
      %sign3A_784 = arith.constant 0 : i32
      %sign3A_785 = arith.cmpi slt, %jit3A_772, %sign3A_784 : i32
      %sign3A_786 = arith.extui %sign3A_785 : i1 to i32
      %sign3A_787 = arith.subi %sign3A_783, %sign3A_786 : i32
      %ne3A_788 = arith.cmpi ne, %sign3A_780, %sign3A_787 : i32
      %rem3A_789 = arith.remsi %multiple_of3A_771, %jit3A_772 : i32
      %ne3A_790 = arith.constant 0 : i32
      %ne3A_791 = arith.cmpi ne, %rem3A_789, %ne3A_790 : i32
      %and3A_792 = arith.andi %ne3A_788, %ne3A_791 : i1
      %sub3A_793 = arith.constant 1 : i32
      %sub3A_794 = arith.subi %div3A_773, %sub3A_793 : i32
      %select_n3A_795 = arith.select %and3A_792, %sub3A_794, %div3A_773 : i32
      %multiple_of3A_796 = tpu.assume_multiple %select_n3A_795, 8 : i32
      %run_scoped3A_797 = arith.constant 0 : i32
      "tpu.region"() ({
        %run_scoped3A_1137 = tpu.sem_alloc : memref<!tpu.dma_semaphore, #tpu.memory_space<semaphore_mem>>
        %dma_start3A_1138 = arith.constant 0 : i32
        %dma_start3A_1139 = arith.constant 0 : i32
        %dma_start3A_1140 = tpu.memref_slice %arg5[%run_scoped3A_797, %dma_start3A_1138, %dma_start3A_1139] : memref<2x8x128xi32, #tpu.memory_space<vmem>> -> memref<1x8x128xi32, #tpu.memory_space<vmem>>
        %dma_start3A_1141 = tpu.memref_squeeze %dma_start3A_1140 : memref<1x8x128xi32, #tpu.memory_space<vmem>> -> memref<8x128xi32, #tpu.memory_space<vmem>>
        %dma_start3A_1142 = arith.constant 0 : i32
        %dma_start3A_1143 = tpu.memref_slice %arg3[%multiple_of3A_796, %dma_start3A_1142] : memref<6400x128xi32, #tpu.memory_space<hbm>> -> memref<8x128xi32, #tpu.memory_space<hbm>>
        %dma_start3A_1144 = arith.constant 0 : i32
        %dma_start3A_1145 = arith.constant 0 : i32
        %dma_start3A_1146 = tpu.memref_slice %arg5[%run_scoped3A_797, %dma_start3A_1144, %dma_start3A_1145] : memref<2x8x128xi32, #tpu.memory_space<vmem>> -> memref<1x8x128xi32, #tpu.memory_space<vmem>>
        %dma_start3A_1147 = tpu.memref_squeeze %dma_start3A_1146 : memref<1x8x128xi32, #tpu.memory_space<vmem>> -> memref<8x128xi32, #tpu.memory_space<vmem>>
        %dma_start3A_1148 = arith.constant 0 : i32
        %dma_start3A_1149 = tpu.memref_slice %arg3[%multiple_of3A_796, %dma_start3A_1148] : memref<6400x128xi32, #tpu.memory_space<hbm>> -> memref<8x128xi32, #tpu.memory_space<hbm>>
        tpu.enqueue_dma source(%dma_start3A_1149 : memref<8x128xi32, #tpu.memory_space<hbm>>) target(%dma_start3A_1147 : memref<8x128xi32, #tpu.memory_space<vmem>>) target_semaphore(%run_scoped3A_1137 : memref<!tpu.dma_semaphore, #tpu.memory_space<semaphore_mem>>)
        %dma_wait3A_1150 = arith.constant 0 : i32
        %dma_wait3A_1151 = arith.constant 0 : i32
        %dma_wait3A_1152 = tpu.memref_slice %arg5[%run_scoped3A_797, %dma_wait3A_1150, %dma_wait3A_1151] : memref<2x8x128xi32, #tpu.memory_space<vmem>> -> memref<1x8x128xi32, #tpu.memory_space<vmem>>
        %dma_wait3A_1153 = tpu.memref_squeeze %dma_wait3A_1152 : memref<1x8x128xi32, #tpu.memory_space<vmem>> -> memref<8x128xi32, #tpu.memory_space<vmem>>
        %dma_wait3A_1154 = arith.constant 0 : i32
        %dma_wait3A_1155 = tpu.memref_slice %arg3[%multiple_of3A_796, %dma_wait3A_1154] : memref<6400x128xi32, #tpu.memory_space<hbm>> -> memref<8x128xi32, #tpu.memory_space<hbm>>
        %dma_wait3A_1156 = arith.constant 0 : i32
        %dma_wait3A_1157 = arith.constant 0 : i32
        %dma_wait3A_1158 = tpu.memref_slice %arg5[%run_scoped3A_797, %dma_wait3A_1156, %dma_wait3A_1157] : memref<2x8x128xi32, #tpu.memory_space<vmem>> -> memref<1x8x128xi32, #tpu.memory_space<vmem>>
        %dma_wait3A_1159 = tpu.memref_squeeze %dma_wait3A_1158 : memref<1x8x128xi32, #tpu.memory_space<vmem>> -> memref<8x128xi32, #tpu.memory_space<vmem>>
        %dma_wait3A_1160 = arith.constant 0 : i32
        %dma_wait3A_1161 = tpu.memref_slice %arg3[%multiple_of3A_796, %dma_wait3A_1160] : memref<6400x128xi32, #tpu.memory_space<hbm>> -> memref<8x128xi32, #tpu.memory_space<hbm>>
        tpu.wait_dma2 semaphore(%run_scoped3A_1137 : memref<!tpu.dma_semaphore, #tpu.memory_space<semaphore_mem>>) src(%dma_wait3A_1161 : memref<8x128xi32, #tpu.memory_space<hbm>>) dst(%dma_wait3A_1159 : memref<8x128xi32, #tpu.memory_space<vmem>>)
        tpu.yield
      }) : () -> ()
      %dma_start3A_798 = arith.constant 0 : i32
      %dma_start3A_799 = arith.constant 0 : i32
      %dma_start3A_800 = arith.constant 0 : i32
      %dma_start3A_801 = arith.constant 0 : i32
      %dma_start3A_802 = arith.constant 0 : i32
      %dma_start3A_803 = tpu.memref_slice %arg6[%dma_start3A_800, %dma_start3A_801, %dma_start3A_802] : memref<2x1024x32xi32, #tpu.memory_space<vmem>> -> memref<1x1024x32xi32, #tpu.memory_space<vmem>>
      %dma_start3A_804 = tpu.memref_squeeze %dma_start3A_803 : memref<1x1024x32xi32, #tpu.memory_space<vmem>> -> memref<1024x32xi32, #tpu.memory_space<vmem>>
      %dma_start3A_805 = arith.constant 0 : i32
      %dma_start3A_806 = arith.constant 0 : i32
      %dma_start3A_807 = tpu.memref_slice %dma_start3A_804[%dma_start3A_805, %dma_start3A_806] : memref<1024x32xi32, #tpu.memory_space<vmem>> -> memref<128x32xi32, #tpu.memory_space<vmem>>
      %dma_start3A_808 = arith.constant 0 : i32
      %dma_start3A_809 = arith.constant 0 : i32
      %dma_start3A_810 = tpu.memref_slice %arg5[%dma_start3A_798, %dma_start3A_808, %dma_start3A_809] : memref<2x8x128xi32, #tpu.memory_space<vmem>> -> memref<1x8x128xi32, #tpu.memory_space<vmem>>
      %dma_start3A_811 = tpu.memref_squeeze %dma_start3A_810 : memref<1x8x128xi32, #tpu.memory_space<vmem>> -> memref<8x128xi32, #tpu.memory_space<vmem>>
      %dma_start3A_812 = arith.constant 0 : i32
      %dma_start3A_813 = tpu.memref_slice %dma_start3A_811[%dma_start3A_799, %dma_start3A_812] : memref<8x128xi32, #tpu.memory_space<vmem>> -> memref<1x128xi32, #tpu.memory_space<vmem>>
      %dma_start3A_814 = tpu.memref_squeeze %dma_start3A_813 : memref<1x128xi32, #tpu.memory_space<vmem>> -> memref<128xi32, #tpu.memory_space<vmem>>
      %dma_start3A_815 = arith.constant 0 : i32
      %dma_start3A_816 = arith.constant 0 : i32
      %dma_start3A_817 = tpu.memref_slice %arg2[%dma_start3A_815, %dma_start3A_816] : memref<100352x32xi32, #tpu.memory_space<hbm>> -> memref<100352x32xi32, #tpu.memory_space<hbm>>
      tpu.enqueue_indirect_dma source(%dma_start3A_817 : memref<100352x32xi32, #tpu.memory_space<hbm>>) target(%dma_start3A_807 : memref<128x32xi32, #tpu.memory_space<vmem>>) offsets(%dma_start3A_814 : memref<128xi32, #tpu.memory_space<vmem>>) semaphore(%arg7 : memref<!tpu.dma_semaphore, #tpu.memory_space<semaphore_mem>>)
      %dma_start3A_818 = arith.constant 0 : i32
      %dma_start3A_819 = arith.constant 1 : i32
      %dma_start3A_820 = arith.constant 0 : i32
      %dma_start3A_821 = arith.constant 0 : i32
      %dma_start3A_822 = arith.constant 0 : i32
      %dma_start3A_823 = tpu.memref_slice %arg6[%dma_start3A_820, %dma_start3A_821, %dma_start3A_822] : memref<2x1024x32xi32, #tpu.memory_space<vmem>> -> memref<1x1024x32xi32, #tpu.memory_space<vmem>>
      %dma_start3A_824 = tpu.memref_squeeze %dma_start3A_823 : memref<1x1024x32xi32, #tpu.memory_space<vmem>> -> memref<1024x32xi32, #tpu.memory_space<vmem>>
      %dma_start3A_825 = arith.constant 128 : i32
      %dma_start3A_826 = arith.constant 0 : i32
      %dma_start3A_827 = tpu.memref_slice %dma_start3A_824[%dma_start3A_825, %dma_start3A_826] : memref<1024x32xi32, #tpu.memory_space<vmem>> -> memref<128x32xi32, #tpu.memory_space<vmem>>
      %dma_start3A_828 = arith.constant 0 : i32
      %dma_start3A_829 = arith.constant 0 : i32
      %dma_start3A_830 = tpu.memref_slice %arg5[%dma_start3A_818, %dma_start3A_828, %dma_start3A_829] : memref<2x8x128xi32, #tpu.memory_space<vmem>> -> memref<1x8x128xi32, #tpu.memory_space<vmem>>
      %dma_start3A_831 = tpu.memref_squeeze %dma_start3A_830 : memref<1x8x128xi32, #tpu.memory_space<vmem>> -> memref<8x128xi32, #tpu.memory_space<vmem>>
      %dma_start3A_832 = arith.constant 0 : i32
      %dma_start3A_833 = tpu.memref_slice %dma_start3A_831[%dma_start3A_819, %dma_start3A_832] : memref<8x128xi32, #tpu.memory_space<vmem>> -> memref<1x128xi32, #tpu.memory_space<vmem>>
      %dma_start3A_834 = tpu.memref_squeeze %dma_start3A_833 : memref<1x128xi32, #tpu.memory_space<vmem>> -> memref<128xi32, #tpu.memory_space<vmem>>
      %dma_start3A_835 = arith.constant 0 : i32
      %dma_start3A_836 = arith.constant 0 : i32
      %dma_start3A_837 = tpu.memref_slice %arg2[%dma_start3A_835, %dma_start3A_836] : memref<100352x32xi32, #tpu.memory_space<hbm>> -> memref<100352x32xi32, #tpu.memory_space<hbm>>
      tpu.enqueue_indirect_dma source(%dma_start3A_837 : memref<100352x32xi32, #tpu.memory_space<hbm>>) target(%dma_start3A_827 : memref<128x32xi32, #tpu.memory_space<vmem>>) offsets(%dma_start3A_834 : memref<128xi32, #tpu.memory_space<vmem>>) semaphore(%arg7 : memref<!tpu.dma_semaphore, #tpu.memory_space<semaphore_mem>>)
      %dma_start3A_838 = arith.constant 0 : i32
      %dma_start3A_839 = arith.constant 2 : i32
      %dma_start3A_840 = arith.constant 0 : i32
      %dma_start3A_841 = arith.constant 0 : i32
      %dma_start3A_842 = arith.constant 0 : i32
      %dma_start3A_843 = tpu.memref_slice %arg6[%dma_start3A_840, %dma_start3A_841, %dma_start3A_842] : memref<2x1024x32xi32, #tpu.memory_space<vmem>> -> memref<1x1024x32xi32, #tpu.memory_space<vmem>>
      %dma_start3A_844 = tpu.memref_squeeze %dma_start3A_843 : memref<1x1024x32xi32, #tpu.memory_space<vmem>> -> memref<1024x32xi32, #tpu.memory_space<vmem>>
      %dma_start3A_845 = arith.constant 256 : i32
      %dma_start3A_846 = arith.constant 0 : i32
      %dma_start3A_847 = tpu.memref_slice %dma_start3A_844[%dma_start3A_845, %dma_start3A_846] : memref<1024x32xi32, #tpu.memory_space<vmem>> -> memref<128x32xi32, #tpu.memory_space<vmem>>
      %dma_start3A_848 = arith.constant 0 : i32
      %dma_start3A_849 = arith.constant 0 : i32
      %dma_start3A_850 = tpu.memref_slice %arg5[%dma_start3A_838, %dma_start3A_848, %dma_start3A_849] : memref<2x8x128xi32, #tpu.memory_space<vmem>> -> memref<1x8x128xi32, #tpu.memory_space<vmem>>
      %dma_start3A_851 = tpu.memref_squeeze %dma_start3A_850 : memref<1x8x128xi32, #tpu.memory_space<vmem>> -> memref<8x128xi32, #tpu.memory_space<vmem>>
      %dma_start3A_852 = arith.constant 0 : i32
      %dma_start3A_853 = tpu.memref_slice %dma_start3A_851[%dma_start3A_839, %dma_start3A_852] : memref<8x128xi32, #tpu.memory_space<vmem>> -> memref<1x128xi32, #tpu.memory_space<vmem>>
      %dma_start3A_854 = tpu.memref_squeeze %dma_start3A_853 : memref<1x128xi32, #tpu.memory_space<vmem>> -> memref<128xi32, #tpu.memory_space<vmem>>
      %dma_start3A_855 = arith.constant 0 : i32
      %dma_start3A_856 = arith.constant 0 : i32
      %dma_start3A_857 = tpu.memref_slice %arg2[%dma_start3A_855, %dma_start3A_856] : memref<100352x32xi32, #tpu.memory_space<hbm>> -> memref<100352x32xi32, #tpu.memory_space<hbm>>
      tpu.enqueue_indirect_dma source(%dma_start3A_857 : memref<100352x32xi32, #tpu.memory_space<hbm>>) target(%dma_start3A_847 : memref<128x32xi32, #tpu.memory_space<vmem>>) offsets(%dma_start3A_854 : memref<128xi32, #tpu.memory_space<vmem>>) semaphore(%arg7 : memref<!tpu.dma_semaphore, #tpu.memory_space<semaphore_mem>>)
      %dma_start3A_858 = arith.constant 0 : i32
      %dma_start3A_859 = arith.constant 3 : i32
      %dma_start3A_860 = arith.constant 0 : i32
      %dma_start3A_861 = arith.constant 0 : i32
      %dma_start3A_862 = arith.constant 0 : i32
      %dma_start3A_863 = tpu.memref_slice %arg6[%dma_start3A_860, %dma_start3A_861, %dma_start3A_862] : memref<2x1024x32xi32, #tpu.memory_space<vmem>> -> memref<1x1024x32xi32, #tpu.memory_space<vmem>>
      %dma_start3A_864 = tpu.memref_squeeze %dma_start3A_863 : memref<1x1024x32xi32, #tpu.memory_space<vmem>> -> memref<1024x32xi32, #tpu.memory_space<vmem>>
      %dma_start3A_865 = arith.constant 384 : i32
      %dma_start3A_866 = arith.constant 0 : i32
      %dma_start3A_867 = tpu.memref_slice %dma_start3A_864[%dma_start3A_865, %dma_start3A_866] : memref<1024x32xi32, #tpu.memory_space<vmem>> -> memref<128x32xi32, #tpu.memory_space<vmem>>
      %dma_start3A_868 = arith.constant 0 : i32
      %dma_start3A_869 = arith.constant 0 : i32
      %dma_start3A_870 = tpu.memref_slice %arg5[%dma_start3A_858, %dma_start3A_868, %dma_start3A_869] : memref<2x8x128xi32, #tpu.memory_space<vmem>> -> memref<1x8x128xi32, #tpu.memory_space<vmem>>
      %dma_start3A_871 = tpu.memref_squeeze %dma_start3A_870 : memref<1x8x128xi32, #tpu.memory_space<vmem>> -> memref<8x128xi32, #tpu.memory_space<vmem>>
      %dma_start3A_872 = arith.constant 0 : i32
      %dma_start3A_873 = tpu.memref_slice %dma_start3A_871[%dma_start3A_859, %dma_start3A_872] : memref<8x128xi32, #tpu.memory_space<vmem>> -> memref<1x128xi32, #tpu.memory_space<vmem>>
      %dma_start3A_874 = tpu.memref_squeeze %dma_start3A_873 : memref<1x128xi32, #tpu.memory_space<vmem>> -> memref<128xi32, #tpu.memory_space<vmem>>
      %dma_start3A_875 = arith.constant 0 : i32
      %dma_start3A_876 = arith.constant 0 : i32
      %dma_start3A_877 = tpu.memref_slice %arg2[%dma_start3A_875, %dma_start3A_876] : memref<100352x32xi32, #tpu.memory_space<hbm>> -> memref<100352x32xi32, #tpu.memory_space<hbm>>
      tpu.enqueue_indirect_dma source(%dma_start3A_877 : memref<100352x32xi32, #tpu.memory_space<hbm>>) target(%dma_start3A_867 : memref<128x32xi32, #tpu.memory_space<vmem>>) offsets(%dma_start3A_874 : memref<128xi32, #tpu.memory_space<vmem>>) semaphore(%arg7 : memref<!tpu.dma_semaphore, #tpu.memory_space<semaphore_mem>>)
      %dma_start3A_878 = arith.constant 0 : i32
      %dma_start3A_879 = arith.constant 4 : i32
      %dma_start3A_880 = arith.constant 0 : i32
      %dma_start3A_881 = arith.constant 0 : i32
      %dma_start3A_882 = arith.constant 0 : i32
      %dma_start3A_883 = tpu.memref_slice %arg6[%dma_start3A_880, %dma_start3A_881, %dma_start3A_882] : memref<2x1024x32xi32, #tpu.memory_space<vmem>> -> memref<1x1024x32xi32, #tpu.memory_space<vmem>>
      %dma_start3A_884 = tpu.memref_squeeze %dma_start3A_883 : memref<1x1024x32xi32, #tpu.memory_space<vmem>> -> memref<1024x32xi32, #tpu.memory_space<vmem>>
      %dma_start3A_885 = arith.constant 512 : i32
      %dma_start3A_886 = arith.constant 0 : i32
      %dma_start3A_887 = tpu.memref_slice %dma_start3A_884[%dma_start3A_885, %dma_start3A_886] : memref<1024x32xi32, #tpu.memory_space<vmem>> -> memref<128x32xi32, #tpu.memory_space<vmem>>
      %dma_start3A_888 = arith.constant 0 : i32
      %dma_start3A_889 = arith.constant 0 : i32
      %dma_start3A_890 = tpu.memref_slice %arg5[%dma_start3A_878, %dma_start3A_888, %dma_start3A_889] : memref<2x8x128xi32, #tpu.memory_space<vmem>> -> memref<1x8x128xi32, #tpu.memory_space<vmem>>
      %dma_start3A_891 = tpu.memref_squeeze %dma_start3A_890 : memref<1x8x128xi32, #tpu.memory_space<vmem>> -> memref<8x128xi32, #tpu.memory_space<vmem>>
      %dma_start3A_892 = arith.constant 0 : i32
      %dma_start3A_893 = tpu.memref_slice %dma_start3A_891[%dma_start3A_879, %dma_start3A_892] : memref<8x128xi32, #tpu.memory_space<vmem>> -> memref<1x128xi32, #tpu.memory_space<vmem>>
      %dma_start3A_894 = tpu.memref_squeeze %dma_start3A_893 : memref<1x128xi32, #tpu.memory_space<vmem>> -> memref<128xi32, #tpu.memory_space<vmem>>
      %dma_start3A_895 = arith.constant 0 : i32
      %dma_start3A_896 = arith.constant 0 : i32
      %dma_start3A_897 = tpu.memref_slice %arg2[%dma_start3A_895, %dma_start3A_896] : memref<100352x32xi32, #tpu.memory_space<hbm>> -> memref<100352x32xi32, #tpu.memory_space<hbm>>
      tpu.enqueue_indirect_dma source(%dma_start3A_897 : memref<100352x32xi32, #tpu.memory_space<hbm>>) target(%dma_start3A_887 : memref<128x32xi32, #tpu.memory_space<vmem>>) offsets(%dma_start3A_894 : memref<128xi32, #tpu.memory_space<vmem>>) semaphore(%arg7 : memref<!tpu.dma_semaphore, #tpu.memory_space<semaphore_mem>>)
      %dma_start3A_898 = arith.constant 0 : i32
      %dma_start3A_899 = arith.constant 5 : i32
      %dma_start3A_900 = arith.constant 0 : i32
      %dma_start3A_901 = arith.constant 0 : i32
      %dma_start3A_902 = arith.constant 0 : i32
      %dma_start3A_903 = tpu.memref_slice %arg6[%dma_start3A_900, %dma_start3A_901, %dma_start3A_902] : memref<2x1024x32xi32, #tpu.memory_space<vmem>> -> memref<1x1024x32xi32, #tpu.memory_space<vmem>>
      %dma_start3A_904 = tpu.memref_squeeze %dma_start3A_903 : memref<1x1024x32xi32, #tpu.memory_space<vmem>> -> memref<1024x32xi32, #tpu.memory_space<vmem>>
      %dma_start3A_905 = arith.constant 640 : i32
      %dma_start3A_906 = arith.constant 0 : i32
      %dma_start3A_907 = tpu.memref_slice %dma_start3A_904[%dma_start3A_905, %dma_start3A_906] : memref<1024x32xi32, #tpu.memory_space<vmem>> -> memref<128x32xi32, #tpu.memory_space<vmem>>
      %dma_start3A_908 = arith.constant 0 : i32
      %dma_start3A_909 = arith.constant 0 : i32
      %dma_start3A_910 = tpu.memref_slice %arg5[%dma_start3A_898, %dma_start3A_908, %dma_start3A_909] : memref<2x8x128xi32, #tpu.memory_space<vmem>> -> memref<1x8x128xi32, #tpu.memory_space<vmem>>
      %dma_start3A_911 = tpu.memref_squeeze %dma_start3A_910 : memref<1x8x128xi32, #tpu.memory_space<vmem>> -> memref<8x128xi32, #tpu.memory_space<vmem>>
      %dma_start3A_912 = arith.constant 0 : i32
      %dma_start3A_913 = tpu.memref_slice %dma_start3A_911[%dma_start3A_899, %dma_start3A_912] : memref<8x128xi32, #tpu.memory_space<vmem>> -> memref<1x128xi32, #tpu.memory_space<vmem>>
      %dma_start3A_914 = tpu.memref_squeeze %dma_start3A_913 : memref<1x128xi32, #tpu.memory_space<vmem>> -> memref<128xi32, #tpu.memory_space<vmem>>
      %dma_start3A_915 = arith.constant 0 : i32
      %dma_start3A_916 = arith.constant 0 : i32
      %dma_start3A_917 = tpu.memref_slice %arg2[%dma_start3A_915, %dma_start3A_916] : memref<100352x32xi32, #tpu.memory_space<hbm>> -> memref<100352x32xi32, #tpu.memory_space<hbm>>
      tpu.enqueue_indirect_dma source(%dma_start3A_917 : memref<100352x32xi32, #tpu.memory_space<hbm>>) target(%dma_start3A_907 : memref<128x32xi32, #tpu.memory_space<vmem>>) offsets(%dma_start3A_914 : memref<128xi32, #tpu.memory_space<vmem>>) semaphore(%arg7 : memref<!tpu.dma_semaphore, #tpu.memory_space<semaphore_mem>>)
      %dma_start3A_918 = arith.constant 0 : i32
      %dma_start3A_919 = arith.constant 6 : i32
      %dma_start3A_920 = arith.constant 0 : i32
      %dma_start3A_921 = arith.constant 0 : i32
      %dma_start3A_922 = arith.constant 0 : i32
      %dma_start3A_923 = tpu.memref_slice %arg6[%dma_start3A_920, %dma_start3A_921, %dma_start3A_922] : memref<2x1024x32xi32, #tpu.memory_space<vmem>> -> memref<1x1024x32xi32, #tpu.memory_space<vmem>>
      %dma_start3A_924 = tpu.memref_squeeze %dma_start3A_923 : memref<1x1024x32xi32, #tpu.memory_space<vmem>> -> memref<1024x32xi32, #tpu.memory_space<vmem>>
      %dma_start3A_925 = arith.constant 768 : i32
      %dma_start3A_926 = arith.constant 0 : i32
      %dma_start3A_927 = tpu.memref_slice %dma_start3A_924[%dma_start3A_925, %dma_start3A_926] : memref<1024x32xi32, #tpu.memory_space<vmem>> -> memref<128x32xi32, #tpu.memory_space<vmem>>
      %dma_start3A_928 = arith.constant 0 : i32
      %dma_start3A_929 = arith.constant 0 : i32
      %dma_start3A_930 = tpu.memref_slice %arg5[%dma_start3A_918, %dma_start3A_928, %dma_start3A_929] : memref<2x8x128xi32, #tpu.memory_space<vmem>> -> memref<1x8x128xi32, #tpu.memory_space<vmem>>
      %dma_start3A_931 = tpu.memref_squeeze %dma_start3A_930 : memref<1x8x128xi32, #tpu.memory_space<vmem>> -> memref<8x128xi32, #tpu.memory_space<vmem>>
      %dma_start3A_932 = arith.constant 0 : i32
      %dma_start3A_933 = tpu.memref_slice %dma_start3A_931[%dma_start3A_919, %dma_start3A_932] : memref<8x128xi32, #tpu.memory_space<vmem>> -> memref<1x128xi32, #tpu.memory_space<vmem>>
      %dma_start3A_934 = tpu.memref_squeeze %dma_start3A_933 : memref<1x128xi32, #tpu.memory_space<vmem>> -> memref<128xi32, #tpu.memory_space<vmem>>
      %dma_start3A_935 = arith.constant 0 : i32
      %dma_start3A_936 = arith.constant 0 : i32
      %dma_start3A_937 = tpu.memref_slice %arg2[%dma_start3A_935, %dma_start3A_936] : memref<100352x32xi32, #tpu.memory_space<hbm>> -> memref<100352x32xi32, #tpu.memory_space<hbm>>
      tpu.enqueue_indirect_dma source(%dma_start3A_937 : memref<100352x32xi32, #tpu.memory_space<hbm>>) target(%dma_start3A_927 : memref<128x32xi32, #tpu.memory_space<vmem>>) offsets(%dma_start3A_934 : memref<128xi32, #tpu.memory_space<vmem>>) semaphore(%arg7 : memref<!tpu.dma_semaphore, #tpu.memory_space<semaphore_mem>>)
      %dma_start3A_938 = arith.constant 0 : i32
      %dma_start3A_939 = arith.constant 7 : i32
      %dma_start3A_940 = arith.constant 0 : i32
      %dma_start3A_941 = arith.constant 0 : i32
      %dma_start3A_942 = arith.constant 0 : i32
      %dma_start3A_943 = tpu.memref_slice %arg6[%dma_start3A_940, %dma_start3A_941, %dma_start3A_942] : memref<2x1024x32xi32, #tpu.memory_space<vmem>> -> memref<1x1024x32xi32, #tpu.memory_space<vmem>>
      %dma_start3A_944 = tpu.memref_squeeze %dma_start3A_943 : memref<1x1024x32xi32, #tpu.memory_space<vmem>> -> memref<1024x32xi32, #tpu.memory_space<vmem>>
      %dma_start3A_945 = arith.constant 896 : i32
      %dma_start3A_946 = arith.constant 0 : i32
      %dma_start3A_947 = tpu.memref_slice %dma_start3A_944[%dma_start3A_945, %dma_start3A_946] : memref<1024x32xi32, #tpu.memory_space<vmem>> -> memref<128x32xi32, #tpu.memory_space<vmem>>
      %dma_start3A_948 = arith.constant 0 : i32
      %dma_start3A_949 = arith.constant 0 : i32
      %dma_start3A_950 = tpu.memref_slice %arg5[%dma_start3A_938, %dma_start3A_948, %dma_start3A_949] : memref<2x8x128xi32, #tpu.memory_space<vmem>> -> memref<1x8x128xi32, #tpu.memory_space<vmem>>
      %dma_start3A_951 = tpu.memref_squeeze %dma_start3A_950 : memref<1x8x128xi32, #tpu.memory_space<vmem>> -> memref<8x128xi32, #tpu.memory_space<vmem>>
      %dma_start3A_952 = arith.constant 0 : i32
      %dma_start3A_953 = tpu.memref_slice %dma_start3A_951[%dma_start3A_939, %dma_start3A_952] : memref<8x128xi32, #tpu.memory_space<vmem>> -> memref<1x128xi32, #tpu.memory_space<vmem>>
      %dma_start3A_954 = tpu.memref_squeeze %dma_start3A_953 : memref<1x128xi32, #tpu.memory_space<vmem>> -> memref<128xi32, #tpu.memory_space<vmem>>
      %dma_start3A_955 = arith.constant 0 : i32
      %dma_start3A_956 = arith.constant 0 : i32
      %dma_start3A_957 = tpu.memref_slice %arg2[%dma_start3A_955, %dma_start3A_956] : memref<100352x32xi32, #tpu.memory_space<hbm>> -> memref<100352x32xi32, #tpu.memory_space<hbm>>
      tpu.enqueue_indirect_dma source(%dma_start3A_957 : memref<100352x32xi32, #tpu.memory_space<hbm>>) target(%dma_start3A_947 : memref<128x32xi32, #tpu.memory_space<vmem>>) offsets(%dma_start3A_954 : memref<128xi32, #tpu.memory_space<vmem>>) semaphore(%arg7 : memref<!tpu.dma_semaphore, #tpu.memory_space<semaphore_mem>>)
      %dma_wait3A_958 = arith.constant 1 : i32
      %dma_wait3A_959 = arith.constant 0 : i32
      %dma_wait3A_960 = arith.constant 1 : i32
      %dma_wait3A_961 = arith.constant 0 : i32
      %dma_wait3A_962 = arith.constant 0 : i32
      %dma_wait3A_963 = tpu.memref_slice %arg6[%dma_wait3A_960, %dma_wait3A_961, %dma_wait3A_962] : memref<2x1024x32xi32, #tpu.memory_space<vmem>> -> memref<1x1024x32xi32, #tpu.memory_space<vmem>>
      %dma_wait3A_964 = tpu.memref_squeeze %dma_wait3A_963 : memref<1x1024x32xi32, #tpu.memory_space<vmem>> -> memref<1024x32xi32, #tpu.memory_space<vmem>>
      %dma_wait3A_965 = arith.constant 0 : i32
      %dma_wait3A_966 = arith.constant 0 : i32
      %dma_wait3A_967 = tpu.memref_slice %dma_wait3A_964[%dma_wait3A_965, %dma_wait3A_966] : memref<1024x32xi32, #tpu.memory_space<vmem>> -> memref<128x32xi32, #tpu.memory_space<vmem>>
      %dma_wait3A_968 = arith.constant 0 : i32
      %dma_wait3A_969 = arith.constant 0 : i32
      %dma_wait3A_970 = tpu.memref_slice %arg5[%dma_wait3A_958, %dma_wait3A_968, %dma_wait3A_969] : memref<2x8x128xi32, #tpu.memory_space<vmem>> -> memref<1x8x128xi32, #tpu.memory_space<vmem>>
      %dma_wait3A_971 = tpu.memref_squeeze %dma_wait3A_970 : memref<1x8x128xi32, #tpu.memory_space<vmem>> -> memref<8x128xi32, #tpu.memory_space<vmem>>
      %dma_wait3A_972 = arith.constant 0 : i32
      %dma_wait3A_973 = tpu.memref_slice %dma_wait3A_971[%dma_wait3A_959, %dma_wait3A_972] : memref<8x128xi32, #tpu.memory_space<vmem>> -> memref<1x128xi32, #tpu.memory_space<vmem>>
      %dma_wait3A_974 = tpu.memref_squeeze %dma_wait3A_973 : memref<1x128xi32, #tpu.memory_space<vmem>> -> memref<128xi32, #tpu.memory_space<vmem>>
      %dma_wait3A_975 = arith.constant 0 : i32
      %dma_wait3A_976 = arith.constant 0 : i32
      %dma_wait3A_977 = tpu.memref_slice %arg2[%dma_wait3A_975, %dma_wait3A_976] : memref<100352x32xi32, #tpu.memory_space<hbm>> -> memref<100352x32xi32, #tpu.memory_space<hbm>>
      tpu.wait_indirect_dma semaphore(%arg8 : memref<!tpu.dma_semaphore, #tpu.memory_space<semaphore_mem>>) src(%dma_wait3A_977 : memref<100352x32xi32, #tpu.memory_space<hbm>>) dst(%dma_wait3A_967 : memref<128x32xi32, #tpu.memory_space<vmem>>)
      %dma_wait3A_978 = arith.constant 1 : i32
      %dma_wait3A_979 = arith.constant 1 : i32
      %dma_wait3A_980 = arith.constant 1 : i32
      %dma_wait3A_981 = arith.constant 0 : i32
      %dma_wait3A_982 = arith.constant 0 : i32
      %dma_wait3A_983 = tpu.memref_slice %arg6[%dma_wait3A_980, %dma_wait3A_981, %dma_wait3A_982] : memref<2x1024x32xi32, #tpu.memory_space<vmem>> -> memref<1x1024x32xi32, #tpu.memory_space<vmem>>
      %dma_wait3A_984 = tpu.memref_squeeze %dma_wait3A_983 : memref<1x1024x32xi32, #tpu.memory_space<vmem>> -> memref<1024x32xi32, #tpu.memory_space<vmem>>
      %dma_wait3A_985 = arith.constant 128 : i32
      %dma_wait3A_986 = arith.constant 0 : i32
      %dma_wait3A_987 = tpu.memref_slice %dma_wait3A_984[%dma_wait3A_985, %dma_wait3A_986] : memref<1024x32xi32, #tpu.memory_space<vmem>> -> memref<128x32xi32, #tpu.memory_space<vmem>>
      %dma_wait3A_988 = arith.constant 0 : i32
      %dma_wait3A_989 = arith.constant 0 : i32
      %dma_wait3A_990 = tpu.memref_slice %arg5[%dma_wait3A_978, %dma_wait3A_988, %dma_wait3A_989] : memref<2x8x128xi32, #tpu.memory_space<vmem>> -> memref<1x8x128xi32, #tpu.memory_space<vmem>>
      %dma_wait3A_991 = tpu.memref_squeeze %dma_wait3A_990 : memref<1x8x128xi32, #tpu.memory_space<vmem>> -> memref<8x128xi32, #tpu.memory_space<vmem>>
      %dma_wait3A_992 = arith.constant 0 : i32
      %dma_wait3A_993 = tpu.memref_slice %dma_wait3A_991[%dma_wait3A_979, %dma_wait3A_992] : memref<8x128xi32, #tpu.memory_space<vmem>> -> memref<1x128xi32, #tpu.memory_space<vmem>>
      %dma_wait3A_994 = tpu.memref_squeeze %dma_wait3A_993 : memref<1x128xi32, #tpu.memory_space<vmem>> -> memref<128xi32, #tpu.memory_space<vmem>>
      %dma_wait3A_995 = arith.constant 0 : i32
      %dma_wait3A_996 = arith.constant 0 : i32
      %dma_wait3A_997 = tpu.memref_slice %arg2[%dma_wait3A_995, %dma_wait3A_996] : memref<100352x32xi32, #tpu.memory_space<hbm>> -> memref<100352x32xi32, #tpu.memory_space<hbm>>
      tpu.wait_indirect_dma semaphore(%arg8 : memref<!tpu.dma_semaphore, #tpu.memory_space<semaphore_mem>>) src(%dma_wait3A_997 : memref<100352x32xi32, #tpu.memory_space<hbm>>) dst(%dma_wait3A_987 : memref<128x32xi32, #tpu.memory_space<vmem>>)
      %dma_wait3A_998 = arith.constant 1 : i32
      %dma_wait3A_999 = arith.constant 2 : i32
      %dma_wait3A_1000 = arith.constant 1 : i32
      %dma_wait3A_1001 = arith.constant 0 : i32
      %dma_wait3A_1002 = arith.constant 0 : i32
      %dma_wait3A_1003 = tpu.memref_slice %arg6[%dma_wait3A_1000, %dma_wait3A_1001, %dma_wait3A_1002] : memref<2x1024x32xi32, #tpu.memory_space<vmem>> -> memref<1x1024x32xi32, #tpu.memory_space<vmem>>
      %dma_wait3A_1004 = tpu.memref_squeeze %dma_wait3A_1003 : memref<1x1024x32xi32, #tpu.memory_space<vmem>> -> memref<1024x32xi32, #tpu.memory_space<vmem>>
      %dma_wait3A_1005 = arith.constant 256 : i32
      %dma_wait3A_1006 = arith.constant 0 : i32
      %dma_wait3A_1007 = tpu.memref_slice %dma_wait3A_1004[%dma_wait3A_1005, %dma_wait3A_1006] : memref<1024x32xi32, #tpu.memory_space<vmem>> -> memref<128x32xi32, #tpu.memory_space<vmem>>
      %dma_wait3A_1008 = arith.constant 0 : i32
      %dma_wait3A_1009 = arith.constant 0 : i32
      %dma_wait3A_1010 = tpu.memref_slice %arg5[%dma_wait3A_998, %dma_wait3A_1008, %dma_wait3A_1009] : memref<2x8x128xi32, #tpu.memory_space<vmem>> -> memref<1x8x128xi32, #tpu.memory_space<vmem>>
      %dma_wait3A_1011 = tpu.memref_squeeze %dma_wait3A_1010 : memref<1x8x128xi32, #tpu.memory_space<vmem>> -> memref<8x128xi32, #tpu.memory_space<vmem>>
      %dma_wait3A_1012 = arith.constant 0 : i32
      %dma_wait3A_1013 = tpu.memref_slice %dma_wait3A_1011[%dma_wait3A_999, %dma_wait3A_1012] : memref<8x128xi32, #tpu.memory_space<vmem>> -> memref<1x128xi32, #tpu.memory_space<vmem>>
      %dma_wait3A_1014 = tpu.memref_squeeze %dma_wait3A_1013 : memref<1x128xi32, #tpu.memory_space<vmem>> -> memref<128xi32, #tpu.memory_space<vmem>>
      %dma_wait3A_1015 = arith.constant 0 : i32
      %dma_wait3A_1016 = arith.constant 0 : i32
      %dma_wait3A_1017 = tpu.memref_slice %arg2[%dma_wait3A_1015, %dma_wait3A_1016] : memref<100352x32xi32, #tpu.memory_space<hbm>> -> memref<100352x32xi32, #tpu.memory_space<hbm>>
      tpu.wait_indirect_dma semaphore(%arg8 : memref<!tpu.dma_semaphore, #tpu.memory_space<semaphore_mem>>) src(%dma_wait3A_1017 : memref<100352x32xi32, #tpu.memory_space<hbm>>) dst(%dma_wait3A_1007 : memref<128x32xi32, #tpu.memory_space<vmem>>)
      %dma_wait3A_1018 = arith.constant 1 : i32
      %dma_wait3A_1019 = arith.constant 3 : i32
      %dma_wait3A_1020 = arith.constant 1 : i32
      %dma_wait3A_1021 = arith.constant 0 : i32
      %dma_wait3A_1022 = arith.constant 0 : i32
      %dma_wait3A_1023 = tpu.memref_slice %arg6[%dma_wait3A_1020, %dma_wait3A_1021, %dma_wait3A_1022] : memref<2x1024x32xi32, #tpu.memory_space<vmem>> -> memref<1x1024x32xi32, #tpu.memory_space<vmem>>
      %dma_wait3A_1024 = tpu.memref_squeeze %dma_wait3A_1023 : memref<1x1024x32xi32, #tpu.memory_space<vmem>> -> memref<1024x32xi32, #tpu.memory_space<vmem>>
      %dma_wait3A_1025 = arith.constant 384 : i32
      %dma_wait3A_1026 = arith.constant 0 : i32
      %dma_wait3A_1027 = tpu.memref_slice %dma_wait3A_1024[%dma_wait3A_1025, %dma_wait3A_1026] : memref<1024x32xi32, #tpu.memory_space<vmem>> -> memref<128x32xi32, #tpu.memory_space<vmem>>
      %dma_wait3A_1028 = arith.constant 0 : i32
      %dma_wait3A_1029 = arith.constant 0 : i32
      %dma_wait3A_1030 = tpu.memref_slice %arg5[%dma_wait3A_1018, %dma_wait3A_1028, %dma_wait3A_1029] : memref<2x8x128xi32, #tpu.memory_space<vmem>> -> memref<1x8x128xi32, #tpu.memory_space<vmem>>
      %dma_wait3A_1031 = tpu.memref_squeeze %dma_wait3A_1030 : memref<1x8x128xi32, #tpu.memory_space<vmem>> -> memref<8x128xi32, #tpu.memory_space<vmem>>
      %dma_wait3A_1032 = arith.constant 0 : i32
      %dma_wait3A_1033 = tpu.memref_slice %dma_wait3A_1031[%dma_wait3A_1019, %dma_wait3A_1032] : memref<8x128xi32, #tpu.memory_space<vmem>> -> memref<1x128xi32, #tpu.memory_space<vmem>>
      %dma_wait3A_1034 = tpu.memref_squeeze %dma_wait3A_1033 : memref<1x128xi32, #tpu.memory_space<vmem>> -> memref<128xi32, #tpu.memory_space<vmem>>
      %dma_wait3A_1035 = arith.constant 0 : i32
      %dma_wait3A_1036 = arith.constant 0 : i32
      %dma_wait3A_1037 = tpu.memref_slice %arg2[%dma_wait3A_1035, %dma_wait3A_1036] : memref<100352x32xi32, #tpu.memory_space<hbm>> -> memref<100352x32xi32, #tpu.memory_space<hbm>>
      tpu.wait_indirect_dma semaphore(%arg8 : memref<!tpu.dma_semaphore, #tpu.memory_space<semaphore_mem>>) src(%dma_wait3A_1037 : memref<100352x32xi32, #tpu.memory_space<hbm>>) dst(%dma_wait3A_1027 : memref<128x32xi32, #tpu.memory_space<vmem>>)
      %dma_wait3A_1038 = arith.constant 1 : i32
      %dma_wait3A_1039 = arith.constant 4 : i32
      %dma_wait3A_1040 = arith.constant 1 : i32
      %dma_wait3A_1041 = arith.constant 0 : i32
      %dma_wait3A_1042 = arith.constant 0 : i32
      %dma_wait3A_1043 = tpu.memref_slice %arg6[%dma_wait3A_1040, %dma_wait3A_1041, %dma_wait3A_1042] : memref<2x1024x32xi32, #tpu.memory_space<vmem>> -> memref<1x1024x32xi32, #tpu.memory_space<vmem>>
      %dma_wait3A_1044 = tpu.memref_squeeze %dma_wait3A_1043 : memref<1x1024x32xi32, #tpu.memory_space<vmem>> -> memref<1024x32xi32, #tpu.memory_space<vmem>>
      %dma_wait3A_1045 = arith.constant 512 : i32
      %dma_wait3A_1046 = arith.constant 0 : i32
      %dma_wait3A_1047 = tpu.memref_slice %dma_wait3A_1044[%dma_wait3A_1045, %dma_wait3A_1046] : memref<1024x32xi32, #tpu.memory_space<vmem>> -> memref<128x32xi32, #tpu.memory_space<vmem>>
      %dma_wait3A_1048 = arith.constant 0 : i32
      %dma_wait3A_1049 = arith.constant 0 : i32
      %dma_wait3A_1050 = tpu.memref_slice %arg5[%dma_wait3A_1038, %dma_wait3A_1048, %dma_wait3A_1049] : memref<2x8x128xi32, #tpu.memory_space<vmem>> -> memref<1x8x128xi32, #tpu.memory_space<vmem>>
      %dma_wait3A_1051 = tpu.memref_squeeze %dma_wait3A_1050 : memref<1x8x128xi32, #tpu.memory_space<vmem>> -> memref<8x128xi32, #tpu.memory_space<vmem>>
      %dma_wait3A_1052 = arith.constant 0 : i32
      %dma_wait3A_1053 = tpu.memref_slice %dma_wait3A_1051[%dma_wait3A_1039, %dma_wait3A_1052] : memref<8x128xi32, #tpu.memory_space<vmem>> -> memref<1x128xi32, #tpu.memory_space<vmem>>
      %dma_wait3A_1054 = tpu.memref_squeeze %dma_wait3A_1053 : memref<1x128xi32, #tpu.memory_space<vmem>> -> memref<128xi32, #tpu.memory_space<vmem>>
      %dma_wait3A_1055 = arith.constant 0 : i32
      %dma_wait3A_1056 = arith.constant 0 : i32
      %dma_wait3A_1057 = tpu.memref_slice %arg2[%dma_wait3A_1055, %dma_wait3A_1056] : memref<100352x32xi32, #tpu.memory_space<hbm>> -> memref<100352x32xi32, #tpu.memory_space<hbm>>
      tpu.wait_indirect_dma semaphore(%arg8 : memref<!tpu.dma_semaphore, #tpu.memory_space<semaphore_mem>>) src(%dma_wait3A_1057 : memref<100352x32xi32, #tpu.memory_space<hbm>>) dst(%dma_wait3A_1047 : memref<128x32xi32, #tpu.memory_space<vmem>>)
      %dma_wait3A_1058 = arith.constant 1 : i32
      %dma_wait3A_1059 = arith.constant 5 : i32
      %dma_wait3A_1060 = arith.constant 1 : i32
      %dma_wait3A_1061 = arith.constant 0 : i32
      %dma_wait3A_1062 = arith.constant 0 : i32
      %dma_wait3A_1063 = tpu.memref_slice %arg6[%dma_wait3A_1060, %dma_wait3A_1061, %dma_wait3A_1062] : memref<2x1024x32xi32, #tpu.memory_space<vmem>> -> memref<1x1024x32xi32, #tpu.memory_space<vmem>>
      %dma_wait3A_1064 = tpu.memref_squeeze %dma_wait3A_1063 : memref<1x1024x32xi32, #tpu.memory_space<vmem>> -> memref<1024x32xi32, #tpu.memory_space<vmem>>
      %dma_wait3A_1065 = arith.constant 640 : i32
      %dma_wait3A_1066 = arith.constant 0 : i32
      %dma_wait3A_1067 = tpu.memref_slice %dma_wait3A_1064[%dma_wait3A_1065, %dma_wait3A_1066] : memref<1024x32xi32, #tpu.memory_space<vmem>> -> memref<128x32xi32, #tpu.memory_space<vmem>>
      %dma_wait3A_1068 = arith.constant 0 : i32
      %dma_wait3A_1069 = arith.constant 0 : i32
      %dma_wait3A_1070 = tpu.memref_slice %arg5[%dma_wait3A_1058, %dma_wait3A_1068, %dma_wait3A_1069] : memref<2x8x128xi32, #tpu.memory_space<vmem>> -> memref<1x8x128xi32, #tpu.memory_space<vmem>>
      %dma_wait3A_1071 = tpu.memref_squeeze %dma_wait3A_1070 : memref<1x8x128xi32, #tpu.memory_space<vmem>> -> memref<8x128xi32, #tpu.memory_space<vmem>>
      %dma_wait3A_1072 = arith.constant 0 : i32
      %dma_wait3A_1073 = tpu.memref_slice %dma_wait3A_1071[%dma_wait3A_1059, %dma_wait3A_1072] : memref<8x128xi32, #tpu.memory_space<vmem>> -> memref<1x128xi32, #tpu.memory_space<vmem>>
      %dma_wait3A_1074 = tpu.memref_squeeze %dma_wait3A_1073 : memref<1x128xi32, #tpu.memory_space<vmem>> -> memref<128xi32, #tpu.memory_space<vmem>>
      %dma_wait3A_1075 = arith.constant 0 : i32
      %dma_wait3A_1076 = arith.constant 0 : i32
      %dma_wait3A_1077 = tpu.memref_slice %arg2[%dma_wait3A_1075, %dma_wait3A_1076] : memref<100352x32xi32, #tpu.memory_space<hbm>> -> memref<100352x32xi32, #tpu.memory_space<hbm>>
      tpu.wait_indirect_dma semaphore(%arg8 : memref<!tpu.dma_semaphore, #tpu.memory_space<semaphore_mem>>) src(%dma_wait3A_1077 : memref<100352x32xi32, #tpu.memory_space<hbm>>) dst(%dma_wait3A_1067 : memref<128x32xi32, #tpu.memory_space<vmem>>)
      %dma_wait3A_1078 = arith.constant 1 : i32
      %dma_wait3A_1079 = arith.constant 6 : i32
      %dma_wait3A_1080 = arith.constant 1 : i32
      %dma_wait3A_1081 = arith.constant 0 : i32
      %dma_wait3A_1082 = arith.constant 0 : i32
      %dma_wait3A_1083 = tpu.memref_slice %arg6[%dma_wait3A_1080, %dma_wait3A_1081, %dma_wait3A_1082] : memref<2x1024x32xi32, #tpu.memory_space<vmem>> -> memref<1x1024x32xi32, #tpu.memory_space<vmem>>
      %dma_wait3A_1084 = tpu.memref_squeeze %dma_wait3A_1083 : memref<1x1024x32xi32, #tpu.memory_space<vmem>> -> memref<1024x32xi32, #tpu.memory_space<vmem>>
      %dma_wait3A_1085 = arith.constant 768 : i32
      %dma_wait3A_1086 = arith.constant 0 : i32
      %dma_wait3A_1087 = tpu.memref_slice %dma_wait3A_1084[%dma_wait3A_1085, %dma_wait3A_1086] : memref<1024x32xi32, #tpu.memory_space<vmem>> -> memref<128x32xi32, #tpu.memory_space<vmem>>
      %dma_wait3A_1088 = arith.constant 0 : i32
      %dma_wait3A_1089 = arith.constant 0 : i32
      %dma_wait3A_1090 = tpu.memref_slice %arg5[%dma_wait3A_1078, %dma_wait3A_1088, %dma_wait3A_1089] : memref<2x8x128xi32, #tpu.memory_space<vmem>> -> memref<1x8x128xi32, #tpu.memory_space<vmem>>
      %dma_wait3A_1091 = tpu.memref_squeeze %dma_wait3A_1090 : memref<1x8x128xi32, #tpu.memory_space<vmem>> -> memref<8x128xi32, #tpu.memory_space<vmem>>
      %dma_wait3A_1092 = arith.constant 0 : i32
      %dma_wait3A_1093 = tpu.memref_slice %dma_wait3A_1091[%dma_wait3A_1079, %dma_wait3A_1092] : memref<8x128xi32, #tpu.memory_space<vmem>> -> memref<1x128xi32, #tpu.memory_space<vmem>>
      %dma_wait3A_1094 = tpu.memref_squeeze %dma_wait3A_1093 : memref<1x128xi32, #tpu.memory_space<vmem>> -> memref<128xi32, #tpu.memory_space<vmem>>
      %dma_wait3A_1095 = arith.constant 0 : i32
      %dma_wait3A_1096 = arith.constant 0 : i32
      %dma_wait3A_1097 = tpu.memref_slice %arg2[%dma_wait3A_1095, %dma_wait3A_1096] : memref<100352x32xi32, #tpu.memory_space<hbm>> -> memref<100352x32xi32, #tpu.memory_space<hbm>>
      tpu.wait_indirect_dma semaphore(%arg8 : memref<!tpu.dma_semaphore, #tpu.memory_space<semaphore_mem>>) src(%dma_wait3A_1097 : memref<100352x32xi32, #tpu.memory_space<hbm>>) dst(%dma_wait3A_1087 : memref<128x32xi32, #tpu.memory_space<vmem>>)
      %dma_wait3A_1098 = arith.constant 1 : i32
      %dma_wait3A_1099 = arith.constant 7 : i32
      %dma_wait3A_1100 = arith.constant 1 : i32
      %dma_wait3A_1101 = arith.constant 0 : i32
      %dma_wait3A_1102 = arith.constant 0 : i32
      %dma_wait3A_1103 = tpu.memref_slice %arg6[%dma_wait3A_1100, %dma_wait3A_1101, %dma_wait3A_1102] : memref<2x1024x32xi32, #tpu.memory_space<vmem>> -> memref<1x1024x32xi32, #tpu.memory_space<vmem>>
      %dma_wait3A_1104 = tpu.memref_squeeze %dma_wait3A_1103 : memref<1x1024x32xi32, #tpu.memory_space<vmem>> -> memref<1024x32xi32, #tpu.memory_space<vmem>>
      %dma_wait3A_1105 = arith.constant 896 : i32
      %dma_wait3A_1106 = arith.constant 0 : i32
      %dma_wait3A_1107 = tpu.memref_slice %dma_wait3A_1104[%dma_wait3A_1105, %dma_wait3A_1106] : memref<1024x32xi32, #tpu.memory_space<vmem>> -> memref<128x32xi32, #tpu.memory_space<vmem>>
      %dma_wait3A_1108 = arith.constant 0 : i32
      %dma_wait3A_1109 = arith.constant 0 : i32
      %dma_wait3A_1110 = tpu.memref_slice %arg5[%dma_wait3A_1098, %dma_wait3A_1108, %dma_wait3A_1109] : memref<2x8x128xi32, #tpu.memory_space<vmem>> -> memref<1x8x128xi32, #tpu.memory_space<vmem>>
      %dma_wait3A_1111 = tpu.memref_squeeze %dma_wait3A_1110 : memref<1x8x128xi32, #tpu.memory_space<vmem>> -> memref<8x128xi32, #tpu.memory_space<vmem>>
      %dma_wait3A_1112 = arith.constant 0 : i32
      %dma_wait3A_1113 = tpu.memref_slice %dma_wait3A_1111[%dma_wait3A_1099, %dma_wait3A_1112] : memref<8x128xi32, #tpu.memory_space<vmem>> -> memref<1x128xi32, #tpu.memory_space<vmem>>
      %dma_wait3A_1114 = tpu.memref_squeeze %dma_wait3A_1113 : memref<1x128xi32, #tpu.memory_space<vmem>> -> memref<128xi32, #tpu.memory_space<vmem>>
      %dma_wait3A_1115 = arith.constant 0 : i32
      %dma_wait3A_1116 = arith.constant 0 : i32
      %dma_wait3A_1117 = tpu.memref_slice %arg2[%dma_wait3A_1115, %dma_wait3A_1116] : memref<100352x32xi32, #tpu.memory_space<hbm>> -> memref<100352x32xi32, #tpu.memory_space<hbm>>
      tpu.wait_indirect_dma semaphore(%arg8 : memref<!tpu.dma_semaphore, #tpu.memory_space<semaphore_mem>>) src(%dma_wait3A_1117 : memref<100352x32xi32, #tpu.memory_space<hbm>>) dst(%dma_wait3A_1107 : memref<128x32xi32, #tpu.memory_space<vmem>>)
      %sub3A_1118 = arith.constant 1 : i32
      %sub3A_1119 = arith.subi %add3A_748, %sub3A_1118 : i32
      %mul3A_1120 = arith.constant 1024 : i32
      %mul3A_1121 = arith.muli %sub3A_1119, %mul3A_1120 : i32
      %add3A_1122 = arith.addi %mul3A_2, %mul3A_1121 : i32
      %multiple_of3A_1123 = tpu.assume_multiple %add3A_1122, 1024 : i32
      %dma_start3A_1124 = arith.constant 1 : i32
      %dma_start3A_1125 = arith.constant 0 : i32
      %dma_start3A_1126 = arith.constant 0 : i32
      %dma_start3A_1127 = tpu.memref_slice %arg6[%dma_start3A_1124, %dma_start3A_1125, %dma_start3A_1126] : memref<2x1024x32xi32, #tpu.memory_space<vmem>> -> memref<1x1024x32xi32, #tpu.memory_space<vmem>>
      %dma_start3A_1128 = tpu.memref_squeeze %dma_start3A_1127 : memref<1x1024x32xi32, #tpu.memory_space<vmem>> -> memref<1024x32xi32, #tpu.memory_space<vmem>>
      %dma_start3A_1129 = arith.constant 0 : i32
      %dma_start3A_1130 = tpu.memref_slice %arg4[%multiple_of3A_1123, %dma_start3A_1129] : memref<819200x32xi32, #tpu.memory_space<hbm>> -> memref<1024x32xi32, #tpu.memory_space<hbm>>
      %dma_start3A_1131 = arith.constant 0 : i32
      %dma_start3A_1132 = tpu.memref_slice %arg4[%multiple_of3A_1123, %dma_start3A_1131] : memref<819200x32xi32, #tpu.memory_space<hbm>> -> memref<1024x32xi32, #tpu.memory_space<hbm>>
      %dma_start3A_1133 = arith.constant 0 : i32
      %dma_start3A_1134 = arith.constant 0 : i32
      %dma_start3A_1135 = tpu.memref_slice %arg6[%dma_start3A_1124, %dma_start3A_1133, %dma_start3A_1134] : memref<2x1024x32xi32, #tpu.memory_space<vmem>> -> memref<1x1024x32xi32, #tpu.memory_space<vmem>>
      %dma_start3A_1136 = tpu.memref_squeeze %dma_start3A_1135 : memref<1x1024x32xi32, #tpu.memory_space<vmem>> -> memref<1024x32xi32, #tpu.memory_space<vmem>>
      tpu.enqueue_dma source(%dma_start3A_1136 : memref<1024x32xi32, #tpu.memory_space<vmem>>) target(%dma_start3A_1132 : memref<1024x32xi32, #tpu.memory_space<hbm>>) target_semaphore(%arg10 : memref<!tpu.dma_semaphore, #tpu.memory_space<semaphore_mem>>)
    }
    %scan3A_185 = arith.constant 12 : i32
    %dma_wait3A = arith.constant 0 : i32
    %dma_wait3A_186 = arith.constant 0 : i32
    %dma_wait3A_187 = arith.constant 0 : i32
    %dma_wait3A_188 = arith.constant 0 : i32
    %dma_wait3A_189 = arith.constant 0 : i32
    %dma_wait3A_190 = tpu.memref_slice %arg6[%dma_wait3A_187, %dma_wait3A_188, %dma_wait3A_189] : memref<2x1024x32xi32, #tpu.memory_space<vmem>> -> memref<1x1024x32xi32, #tpu.memory_space<vmem>>
    %dma_wait3A_191 = tpu.memref_squeeze %dma_wait3A_190 : memref<1x1024x32xi32, #tpu.memory_space<vmem>> -> memref<1024x32xi32, #tpu.memory_space<vmem>>
    %dma_wait3A_192 = arith.constant 0 : i32
    %dma_wait3A_193 = arith.constant 0 : i32
    %dma_wait3A_194 = tpu.memref_slice %dma_wait3A_191[%dma_wait3A_192, %dma_wait3A_193] : memref<1024x32xi32, #tpu.memory_space<vmem>> -> memref<128x32xi32, #tpu.memory_space<vmem>>
    %dma_wait3A_195 = arith.constant 0 : i32
    %dma_wait3A_196 = arith.constant 0 : i32
    %dma_wait3A_197 = tpu.memref_slice %arg5[%dma_wait3A, %dma_wait3A_195, %dma_wait3A_196] : memref<2x8x128xi32, #tpu.memory_space<vmem>> -> memref<1x8x128xi32, #tpu.memory_space<vmem>>
    %dma_wait3A_198 = tpu.memref_squeeze %dma_wait3A_197 : memref<1x8x128xi32, #tpu.memory_space<vmem>> -> memref<8x128xi32, #tpu.memory_space<vmem>>
    %dma_wait3A_199 = arith.constant 0 : i32
    %dma_wait3A_200 = tpu.memref_slice %dma_wait3A_198[%dma_wait3A_186, %dma_wait3A_199] : memref<8x128xi32, #tpu.memory_space<vmem>> -> memref<1x128xi32, #tpu.memory_space<vmem>>
    %dma_wait3A_201 = tpu.memref_squeeze %dma_wait3A_200 : memref<1x128xi32, #tpu.memory_space<vmem>> -> memref<128xi32, #tpu.memory_space<vmem>>
    %dma_wait3A_202 = arith.constant 0 : i32
    %dma_wait3A_203 = arith.constant 0 : i32
    %dma_wait3A_204 = tpu.memref_slice %arg2[%dma_wait3A_202, %dma_wait3A_203] : memref<100352x32xi32, #tpu.memory_space<hbm>> -> memref<100352x32xi32, #tpu.memory_space<hbm>>
    tpu.wait_indirect_dma semaphore(%arg7 : memref<!tpu.dma_semaphore, #tpu.memory_space<semaphore_mem>>) src(%dma_wait3A_204 : memref<100352x32xi32, #tpu.memory_space<hbm>>) dst(%dma_wait3A_194 : memref<128x32xi32, #tpu.memory_space<vmem>>)
    %dma_wait3A_205 = arith.constant 0 : i32
    %dma_wait3A_206 = arith.constant 1 : i32
    %dma_wait3A_207 = arith.constant 0 : i32
    %dma_wait3A_208 = arith.constant 0 : i32
    %dma_wait3A_209 = arith.constant 0 : i32
    %dma_wait3A_210 = tpu.memref_slice %arg6[%dma_wait3A_207, %dma_wait3A_208, %dma_wait3A_209] : memref<2x1024x32xi32, #tpu.memory_space<vmem>> -> memref<1x1024x32xi32, #tpu.memory_space<vmem>>
    %dma_wait3A_211 = tpu.memref_squeeze %dma_wait3A_210 : memref<1x1024x32xi32, #tpu.memory_space<vmem>> -> memref<1024x32xi32, #tpu.memory_space<vmem>>
    %dma_wait3A_212 = arith.constant 128 : i32
    %dma_wait3A_213 = arith.constant 0 : i32
    %dma_wait3A_214 = tpu.memref_slice %dma_wait3A_211[%dma_wait3A_212, %dma_wait3A_213] : memref<1024x32xi32, #tpu.memory_space<vmem>> -> memref<128x32xi32, #tpu.memory_space<vmem>>
    %dma_wait3A_215 = arith.constant 0 : i32
    %dma_wait3A_216 = arith.constant 0 : i32
    %dma_wait3A_217 = tpu.memref_slice %arg5[%dma_wait3A_205, %dma_wait3A_215, %dma_wait3A_216] : memref<2x8x128xi32, #tpu.memory_space<vmem>> -> memref<1x8x128xi32, #tpu.memory_space<vmem>>
    %dma_wait3A_218 = tpu.memref_squeeze %dma_wait3A_217 : memref<1x8x128xi32, #tpu.memory_space<vmem>> -> memref<8x128xi32, #tpu.memory_space<vmem>>
    %dma_wait3A_219 = arith.constant 0 : i32
    %dma_wait3A_220 = tpu.memref_slice %dma_wait3A_218[%dma_wait3A_206, %dma_wait3A_219] : memref<8x128xi32, #tpu.memory_space<vmem>> -> memref<1x128xi32, #tpu.memory_space<vmem>>
    %dma_wait3A_221 = tpu.memref_squeeze %dma_wait3A_220 : memref<1x128xi32, #tpu.memory_space<vmem>> -> memref<128xi32, #tpu.memory_space<vmem>>
    %dma_wait3A_222 = arith.constant 0 : i32
    %dma_wait3A_223 = arith.constant 0 : i32
    %dma_wait3A_224 = tpu.memref_slice %arg2[%dma_wait3A_222, %dma_wait3A_223] : memref<100352x32xi32, #tpu.memory_space<hbm>> -> memref<100352x32xi32, #tpu.memory_space<hbm>>
    tpu.wait_indirect_dma semaphore(%arg7 : memref<!tpu.dma_semaphore, #tpu.memory_space<semaphore_mem>>) src(%dma_wait3A_224 : memref<100352x32xi32, #tpu.memory_space<hbm>>) dst(%dma_wait3A_214 : memref<128x32xi32, #tpu.memory_space<vmem>>)
    %dma_wait3A_225 = arith.constant 0 : i32
    %dma_wait3A_226 = arith.constant 2 : i32
    %dma_wait3A_227 = arith.constant 0 : i32
    %dma_wait3A_228 = arith.constant 0 : i32
    %dma_wait3A_229 = arith.constant 0 : i32
    %dma_wait3A_230 = tpu.memref_slice %arg6[%dma_wait3A_227, %dma_wait3A_228, %dma_wait3A_229] : memref<2x1024x32xi32, #tpu.memory_space<vmem>> -> memref<1x1024x32xi32, #tpu.memory_space<vmem>>
    %dma_wait3A_231 = tpu.memref_squeeze %dma_wait3A_230 : memref<1x1024x32xi32, #tpu.memory_space<vmem>> -> memref<1024x32xi32, #tpu.memory_space<vmem>>
    %dma_wait3A_232 = arith.constant 256 : i32
    %dma_wait3A_233 = arith.constant 0 : i32
    %dma_wait3A_234 = tpu.memref_slice %dma_wait3A_231[%dma_wait3A_232, %dma_wait3A_233] : memref<1024x32xi32, #tpu.memory_space<vmem>> -> memref<128x32xi32, #tpu.memory_space<vmem>>
    %dma_wait3A_235 = arith.constant 0 : i32
    %dma_wait3A_236 = arith.constant 0 : i32
    %dma_wait3A_237 = tpu.memref_slice %arg5[%dma_wait3A_225, %dma_wait3A_235, %dma_wait3A_236] : memref<2x8x128xi32, #tpu.memory_space<vmem>> -> memref<1x8x128xi32, #tpu.memory_space<vmem>>
    %dma_wait3A_238 = tpu.memref_squeeze %dma_wait3A_237 : memref<1x8x128xi32, #tpu.memory_space<vmem>> -> memref<8x128xi32, #tpu.memory_space<vmem>>
    %dma_wait3A_239 = arith.constant 0 : i32
    %dma_wait3A_240 = tpu.memref_slice %dma_wait3A_238[%dma_wait3A_226, %dma_wait3A_239] : memref<8x128xi32, #tpu.memory_space<vmem>> -> memref<1x128xi32, #tpu.memory_space<vmem>>
    %dma_wait3A_241 = tpu.memref_squeeze %dma_wait3A_240 : memref<1x128xi32, #tpu.memory_space<vmem>> -> memref<128xi32, #tpu.memory_space<vmem>>
    %dma_wait3A_242 = arith.constant 0 : i32
    %dma_wait3A_243 = arith.constant 0 : i32
    %dma_wait3A_244 = tpu.memref_slice %arg2[%dma_wait3A_242, %dma_wait3A_243] : memref<100352x32xi32, #tpu.memory_space<hbm>> -> memref<100352x32xi32, #tpu.memory_space<hbm>>
    tpu.wait_indirect_dma semaphore(%arg7 : memref<!tpu.dma_semaphore, #tpu.memory_space<semaphore_mem>>) src(%dma_wait3A_244 : memref<100352x32xi32, #tpu.memory_space<hbm>>) dst(%dma_wait3A_234 : memref<128x32xi32, #tpu.memory_space<vmem>>)
    %dma_wait3A_245 = arith.constant 0 : i32
    %dma_wait3A_246 = arith.constant 3 : i32
    %dma_wait3A_247 = arith.constant 0 : i32
    %dma_wait3A_248 = arith.constant 0 : i32
    %dma_wait3A_249 = arith.constant 0 : i32
    %dma_wait3A_250 = tpu.memref_slice %arg6[%dma_wait3A_247, %dma_wait3A_248, %dma_wait3A_249] : memref<2x1024x32xi32, #tpu.memory_space<vmem>> -> memref<1x1024x32xi32, #tpu.memory_space<vmem>>
    %dma_wait3A_251 = tpu.memref_squeeze %dma_wait3A_250 : memref<1x1024x32xi32, #tpu.memory_space<vmem>> -> memref<1024x32xi32, #tpu.memory_space<vmem>>
    %dma_wait3A_252 = arith.constant 384 : i32
    %dma_wait3A_253 = arith.constant 0 : i32
    %dma_wait3A_254 = tpu.memref_slice %dma_wait3A_251[%dma_wait3A_252, %dma_wait3A_253] : memref<1024x32xi32, #tpu.memory_space<vmem>> -> memref<128x32xi32, #tpu.memory_space<vmem>>
    %dma_wait3A_255 = arith.constant 0 : i32
    %dma_wait3A_256 = arith.constant 0 : i32
    %dma_wait3A_257 = tpu.memref_slice %arg5[%dma_wait3A_245, %dma_wait3A_255, %dma_wait3A_256] : memref<2x8x128xi32, #tpu.memory_space<vmem>> -> memref<1x8x128xi32, #tpu.memory_space<vmem>>
    %dma_wait3A_258 = tpu.memref_squeeze %dma_wait3A_257 : memref<1x8x128xi32, #tpu.memory_space<vmem>> -> memref<8x128xi32, #tpu.memory_space<vmem>>
    %dma_wait3A_259 = arith.constant 0 : i32
    %dma_wait3A_260 = tpu.memref_slice %dma_wait3A_258[%dma_wait3A_246, %dma_wait3A_259] : memref<8x128xi32, #tpu.memory_space<vmem>> -> memref<1x128xi32, #tpu.memory_space<vmem>>
    %dma_wait3A_261 = tpu.memref_squeeze %dma_wait3A_260 : memref<1x128xi32, #tpu.memory_space<vmem>> -> memref<128xi32, #tpu.memory_space<vmem>>
    %dma_wait3A_262 = arith.constant 0 : i32
    %dma_wait3A_263 = arith.constant 0 : i32
    %dma_wait3A_264 = tpu.memref_slice %arg2[%dma_wait3A_262, %dma_wait3A_263] : memref<100352x32xi32, #tpu.memory_space<hbm>> -> memref<100352x32xi32, #tpu.memory_space<hbm>>
    tpu.wait_indirect_dma semaphore(%arg7 : memref<!tpu.dma_semaphore, #tpu.memory_space<semaphore_mem>>) src(%dma_wait3A_264 : memref<100352x32xi32, #tpu.memory_space<hbm>>) dst(%dma_wait3A_254 : memref<128x32xi32, #tpu.memory_space<vmem>>)
    %dma_wait3A_265 = arith.constant 0 : i32
    %dma_wait3A_266 = arith.constant 4 : i32
    %dma_wait3A_267 = arith.constant 0 : i32
    %dma_wait3A_268 = arith.constant 0 : i32
    %dma_wait3A_269 = arith.constant 0 : i32
    %dma_wait3A_270 = tpu.memref_slice %arg6[%dma_wait3A_267, %dma_wait3A_268, %dma_wait3A_269] : memref<2x1024x32xi32, #tpu.memory_space<vmem>> -> memref<1x1024x32xi32, #tpu.memory_space<vmem>>
    %dma_wait3A_271 = tpu.memref_squeeze %dma_wait3A_270 : memref<1x1024x32xi32, #tpu.memory_space<vmem>> -> memref<1024x32xi32, #tpu.memory_space<vmem>>
    %dma_wait3A_272 = arith.constant 512 : i32
    %dma_wait3A_273 = arith.constant 0 : i32
    %dma_wait3A_274 = tpu.memref_slice %dma_wait3A_271[%dma_wait3A_272, %dma_wait3A_273] : memref<1024x32xi32, #tpu.memory_space<vmem>> -> memref<128x32xi32, #tpu.memory_space<vmem>>
    %dma_wait3A_275 = arith.constant 0 : i32
    %dma_wait3A_276 = arith.constant 0 : i32
    %dma_wait3A_277 = tpu.memref_slice %arg5[%dma_wait3A_265, %dma_wait3A_275, %dma_wait3A_276] : memref<2x8x128xi32, #tpu.memory_space<vmem>> -> memref<1x8x128xi32, #tpu.memory_space<vmem>>
    %dma_wait3A_278 = tpu.memref_squeeze %dma_wait3A_277 : memref<1x8x128xi32, #tpu.memory_space<vmem>> -> memref<8x128xi32, #tpu.memory_space<vmem>>
    %dma_wait3A_279 = arith.constant 0 : i32
    %dma_wait3A_280 = tpu.memref_slice %dma_wait3A_278[%dma_wait3A_266, %dma_wait3A_279] : memref<8x128xi32, #tpu.memory_space<vmem>> -> memref<1x128xi32, #tpu.memory_space<vmem>>
    %dma_wait3A_281 = tpu.memref_squeeze %dma_wait3A_280 : memref<1x128xi32, #tpu.memory_space<vmem>> -> memref<128xi32, #tpu.memory_space<vmem>>
    %dma_wait3A_282 = arith.constant 0 : i32
    %dma_wait3A_283 = arith.constant 0 : i32
    %dma_wait3A_284 = tpu.memref_slice %arg2[%dma_wait3A_282, %dma_wait3A_283] : memref<100352x32xi32, #tpu.memory_space<hbm>> -> memref<100352x32xi32, #tpu.memory_space<hbm>>
    tpu.wait_indirect_dma semaphore(%arg7 : memref<!tpu.dma_semaphore, #tpu.memory_space<semaphore_mem>>) src(%dma_wait3A_284 : memref<100352x32xi32, #tpu.memory_space<hbm>>) dst(%dma_wait3A_274 : memref<128x32xi32, #tpu.memory_space<vmem>>)
    %dma_wait3A_285 = arith.constant 0 : i32
    %dma_wait3A_286 = arith.constant 5 : i32
    %dma_wait3A_287 = arith.constant 0 : i32
    %dma_wait3A_288 = arith.constant 0 : i32
    %dma_wait3A_289 = arith.constant 0 : i32
    %dma_wait3A_290 = tpu.memref_slice %arg6[%dma_wait3A_287, %dma_wait3A_288, %dma_wait3A_289] : memref<2x1024x32xi32, #tpu.memory_space<vmem>> -> memref<1x1024x32xi32, #tpu.memory_space<vmem>>
    %dma_wait3A_291 = tpu.memref_squeeze %dma_wait3A_290 : memref<1x1024x32xi32, #tpu.memory_space<vmem>> -> memref<1024x32xi32, #tpu.memory_space<vmem>>
    %dma_wait3A_292 = arith.constant 640 : i32
    %dma_wait3A_293 = arith.constant 0 : i32
    %dma_wait3A_294 = tpu.memref_slice %dma_wait3A_291[%dma_wait3A_292, %dma_wait3A_293] : memref<1024x32xi32, #tpu.memory_space<vmem>> -> memref<128x32xi32, #tpu.memory_space<vmem>>
    %dma_wait3A_295 = arith.constant 0 : i32
    %dma_wait3A_296 = arith.constant 0 : i32
    %dma_wait3A_297 = tpu.memref_slice %arg5[%dma_wait3A_285, %dma_wait3A_295, %dma_wait3A_296] : memref<2x8x128xi32, #tpu.memory_space<vmem>> -> memref<1x8x128xi32, #tpu.memory_space<vmem>>
    %dma_wait3A_298 = tpu.memref_squeeze %dma_wait3A_297 : memref<1x8x128xi32, #tpu.memory_space<vmem>> -> memref<8x128xi32, #tpu.memory_space<vmem>>
    %dma_wait3A_299 = arith.constant 0 : i32
    %dma_wait3A_300 = tpu.memref_slice %dma_wait3A_298[%dma_wait3A_286, %dma_wait3A_299] : memref<8x128xi32, #tpu.memory_space<vmem>> -> memref<1x128xi32, #tpu.memory_space<vmem>>
    %dma_wait3A_301 = tpu.memref_squeeze %dma_wait3A_300 : memref<1x128xi32, #tpu.memory_space<vmem>> -> memref<128xi32, #tpu.memory_space<vmem>>
    %dma_wait3A_302 = arith.constant 0 : i32
    %dma_wait3A_303 = arith.constant 0 : i32
    %dma_wait3A_304 = tpu.memref_slice %arg2[%dma_wait3A_302, %dma_wait3A_303] : memref<100352x32xi32, #tpu.memory_space<hbm>> -> memref<100352x32xi32, #tpu.memory_space<hbm>>
    tpu.wait_indirect_dma semaphore(%arg7 : memref<!tpu.dma_semaphore, #tpu.memory_space<semaphore_mem>>) src(%dma_wait3A_304 : memref<100352x32xi32, #tpu.memory_space<hbm>>) dst(%dma_wait3A_294 : memref<128x32xi32, #tpu.memory_space<vmem>>)
    %dma_wait3A_305 = arith.constant 0 : i32
    %dma_wait3A_306 = arith.constant 6 : i32
    %dma_wait3A_307 = arith.constant 0 : i32
    %dma_wait3A_308 = arith.constant 0 : i32
    %dma_wait3A_309 = arith.constant 0 : i32
    %dma_wait3A_310 = tpu.memref_slice %arg6[%dma_wait3A_307, %dma_wait3A_308, %dma_wait3A_309] : memref<2x1024x32xi32, #tpu.memory_space<vmem>> -> memref<1x1024x32xi32, #tpu.memory_space<vmem>>
    %dma_wait3A_311 = tpu.memref_squeeze %dma_wait3A_310 : memref<1x1024x32xi32, #tpu.memory_space<vmem>> -> memref<1024x32xi32, #tpu.memory_space<vmem>>
    %dma_wait3A_312 = arith.constant 768 : i32
    %dma_wait3A_313 = arith.constant 0 : i32
    %dma_wait3A_314 = tpu.memref_slice %dma_wait3A_311[%dma_wait3A_312, %dma_wait3A_313] : memref<1024x32xi32, #tpu.memory_space<vmem>> -> memref<128x32xi32, #tpu.memory_space<vmem>>
    %dma_wait3A_315 = arith.constant 0 : i32
    %dma_wait3A_316 = arith.constant 0 : i32
    %dma_wait3A_317 = tpu.memref_slice %arg5[%dma_wait3A_305, %dma_wait3A_315, %dma_wait3A_316] : memref<2x8x128xi32, #tpu.memory_space<vmem>> -> memref<1x8x128xi32, #tpu.memory_space<vmem>>
    %dma_wait3A_318 = tpu.memref_squeeze %dma_wait3A_317 : memref<1x8x128xi32, #tpu.memory_space<vmem>> -> memref<8x128xi32, #tpu.memory_space<vmem>>
    %dma_wait3A_319 = arith.constant 0 : i32
    %dma_wait3A_320 = tpu.memref_slice %dma_wait3A_318[%dma_wait3A_306, %dma_wait3A_319] : memref<8x128xi32, #tpu.memory_space<vmem>> -> memref<1x128xi32, #tpu.memory_space<vmem>>
    %dma_wait3A_321 = tpu.memref_squeeze %dma_wait3A_320 : memref<1x128xi32, #tpu.memory_space<vmem>> -> memref<128xi32, #tpu.memory_space<vmem>>
    %dma_wait3A_322 = arith.constant 0 : i32
    %dma_wait3A_323 = arith.constant 0 : i32
    %dma_wait3A_324 = tpu.memref_slice %arg2[%dma_wait3A_322, %dma_wait3A_323] : memref<100352x32xi32, #tpu.memory_space<hbm>> -> memref<100352x32xi32, #tpu.memory_space<hbm>>
    tpu.wait_indirect_dma semaphore(%arg7 : memref<!tpu.dma_semaphore, #tpu.memory_space<semaphore_mem>>) src(%dma_wait3A_324 : memref<100352x32xi32, #tpu.memory_space<hbm>>) dst(%dma_wait3A_314 : memref<128x32xi32, #tpu.memory_space<vmem>>)
    %dma_wait3A_325 = arith.constant 0 : i32
    %dma_wait3A_326 = arith.constant 7 : i32
    %dma_wait3A_327 = arith.constant 0 : i32
    %dma_wait3A_328 = arith.constant 0 : i32
    %dma_wait3A_329 = arith.constant 0 : i32
    %dma_wait3A_330 = tpu.memref_slice %arg6[%dma_wait3A_327, %dma_wait3A_328, %dma_wait3A_329] : memref<2x1024x32xi32, #tpu.memory_space<vmem>> -> memref<1x1024x32xi32, #tpu.memory_space<vmem>>
    %dma_wait3A_331 = tpu.memref_squeeze %dma_wait3A_330 : memref<1x1024x32xi32, #tpu.memory_space<vmem>> -> memref<1024x32xi32, #tpu.memory_space<vmem>>
    %dma_wait3A_332 = arith.constant 896 : i32
    %dma_wait3A_333 = arith.constant 0 : i32
    %dma_wait3A_334 = tpu.memref_slice %dma_wait3A_331[%dma_wait3A_332, %dma_wait3A_333] : memref<1024x32xi32, #tpu.memory_space<vmem>> -> memref<128x32xi32, #tpu.memory_space<vmem>>
    %dma_wait3A_335 = arith.constant 0 : i32
    %dma_wait3A_336 = arith.constant 0 : i32
    %dma_wait3A_337 = tpu.memref_slice %arg5[%dma_wait3A_325, %dma_wait3A_335, %dma_wait3A_336] : memref<2x8x128xi32, #tpu.memory_space<vmem>> -> memref<1x8x128xi32, #tpu.memory_space<vmem>>
    %dma_wait3A_338 = tpu.memref_squeeze %dma_wait3A_337 : memref<1x8x128xi32, #tpu.memory_space<vmem>> -> memref<8x128xi32, #tpu.memory_space<vmem>>
    %dma_wait3A_339 = arith.constant 0 : i32
    %dma_wait3A_340 = tpu.memref_slice %dma_wait3A_338[%dma_wait3A_326, %dma_wait3A_339] : memref<8x128xi32, #tpu.memory_space<vmem>> -> memref<1x128xi32, #tpu.memory_space<vmem>>
    %dma_wait3A_341 = tpu.memref_squeeze %dma_wait3A_340 : memref<1x128xi32, #tpu.memory_space<vmem>> -> memref<128xi32, #tpu.memory_space<vmem>>
    %dma_wait3A_342 = arith.constant 0 : i32
    %dma_wait3A_343 = arith.constant 0 : i32
    %dma_wait3A_344 = tpu.memref_slice %arg2[%dma_wait3A_342, %dma_wait3A_343] : memref<100352x32xi32, #tpu.memory_space<hbm>> -> memref<100352x32xi32, #tpu.memory_space<hbm>>
    tpu.wait_indirect_dma semaphore(%arg7 : memref<!tpu.dma_semaphore, #tpu.memory_space<semaphore_mem>>) src(%dma_wait3A_344 : memref<100352x32xi32, #tpu.memory_space<hbm>>) dst(%dma_wait3A_334 : memref<128x32xi32, #tpu.memory_space<vmem>>)
    %add3A_345 = arith.constant 23552 : i32
    %add3A_346 = arith.addi %mul3A_2, %add3A_345 : i32
    %multiple_of3A_347 = tpu.assume_multiple %add3A_346, 1024 : i32
    %dma_wait3A_348 = arith.constant 1 : i32
    %dma_wait3A_349 = arith.constant 0 : i32
    %dma_wait3A_350 = arith.constant 0 : i32
    %dma_wait3A_351 = tpu.memref_slice %arg6[%dma_wait3A_348, %dma_wait3A_349, %dma_wait3A_350] : memref<2x1024x32xi32, #tpu.memory_space<vmem>> -> memref<1x1024x32xi32, #tpu.memory_space<vmem>>
    %dma_wait3A_352 = tpu.memref_squeeze %dma_wait3A_351 : memref<1x1024x32xi32, #tpu.memory_space<vmem>> -> memref<1024x32xi32, #tpu.memory_space<vmem>>
    %dma_wait3A_353 = arith.constant 0 : i32
    %dma_wait3A_354 = tpu.memref_slice %arg4[%multiple_of3A_347, %dma_wait3A_353] : memref<819200x32xi32, #tpu.memory_space<hbm>> -> memref<1024x32xi32, #tpu.memory_space<hbm>>
    %dma_wait3A_355 = arith.constant 0 : i32
    %dma_wait3A_356 = tpu.memref_slice %arg4[%multiple_of3A_347, %dma_wait3A_355] : memref<819200x32xi32, #tpu.memory_space<hbm>> -> memref<1024x32xi32, #tpu.memory_space<hbm>>
    %dma_wait3A_357 = arith.constant 0 : i32
    %dma_wait3A_358 = arith.constant 0 : i32
    %dma_wait3A_359 = tpu.memref_slice %arg6[%dma_wait3A_348, %dma_wait3A_357, %dma_wait3A_358] : memref<2x1024x32xi32, #tpu.memory_space<vmem>> -> memref<1x1024x32xi32, #tpu.memory_space<vmem>>
    %dma_wait3A_360 = tpu.memref_squeeze %dma_wait3A_359 : memref<1x1024x32xi32, #tpu.memory_space<vmem>> -> memref<1024x32xi32, #tpu.memory_space<vmem>>
    tpu.wait_dma2 semaphore(%arg10 : memref<!tpu.dma_semaphore, #tpu.memory_space<semaphore_mem>>) src(%dma_wait3A_360 : memref<1024x32xi32, #tpu.memory_space<vmem>>) dst(%dma_wait3A_356 : memref<1024x32xi32, #tpu.memory_space<hbm>>)
    %add3A_361 = arith.constant 24576 : i32
    %add3A_362 = arith.addi %mul3A_2, %add3A_361 : i32
    %multiple_of3A_363 = tpu.assume_multiple %add3A_362, 1024 : i32
    %run_scoped3A_364 = arith.constant 0 : i32
    "tpu.region"() ({
      %run_scoped3A_365 = tpu.sem_alloc : memref<!tpu.dma_semaphore, #tpu.memory_space<semaphore_mem>>
      %dma_start3A_366 = arith.constant 0 : i32
      %dma_start3A_367 = arith.constant 0 : i32
      %dma_start3A_368 = tpu.memref_slice %arg6[%run_scoped3A_364, %dma_start3A_366, %dma_start3A_367] : memref<2x1024x32xi32, #tpu.memory_space<vmem>> -> memref<1x1024x32xi32, #tpu.memory_space<vmem>>
      %dma_start3A_369 = tpu.memref_squeeze %dma_start3A_368 : memref<1x1024x32xi32, #tpu.memory_space<vmem>> -> memref<1024x32xi32, #tpu.memory_space<vmem>>
      %dma_start3A_370 = arith.constant 0 : i32
      %dma_start3A_371 = tpu.memref_slice %arg4[%multiple_of3A_363, %dma_start3A_370] : memref<819200x32xi32, #tpu.memory_space<hbm>> -> memref<1024x32xi32, #tpu.memory_space<hbm>>
      %dma_start3A_372 = arith.constant 0 : i32
      %dma_start3A_373 = tpu.memref_slice %arg4[%multiple_of3A_363, %dma_start3A_372] : memref<819200x32xi32, #tpu.memory_space<hbm>> -> memref<1024x32xi32, #tpu.memory_space<hbm>>
      %dma_start3A_374 = arith.constant 0 : i32
      %dma_start3A_375 = arith.constant 0 : i32
      %dma_start3A_376 = tpu.memref_slice %arg6[%run_scoped3A_364, %dma_start3A_374, %dma_start3A_375] : memref<2x1024x32xi32, #tpu.memory_space<vmem>> -> memref<1x1024x32xi32, #tpu.memory_space<vmem>>
      %dma_start3A_377 = tpu.memref_squeeze %dma_start3A_376 : memref<1x1024x32xi32, #tpu.memory_space<vmem>> -> memref<1024x32xi32, #tpu.memory_space<vmem>>
      tpu.enqueue_dma source(%dma_start3A_377 : memref<1024x32xi32, #tpu.memory_space<vmem>>) target(%dma_start3A_373 : memref<1024x32xi32, #tpu.memory_space<hbm>>) target_semaphore(%run_scoped3A_365 : memref<!tpu.dma_semaphore, #tpu.memory_space<semaphore_mem>>)
      %dma_wait3A_378 = arith.constant 0 : i32
      %dma_wait3A_379 = arith.constant 0 : i32
      %dma_wait3A_380 = tpu.memref_slice %arg6[%run_scoped3A_364, %dma_wait3A_378, %dma_wait3A_379] : memref<2x1024x32xi32, #tpu.memory_space<vmem>> -> memref<1x1024x32xi32, #tpu.memory_space<vmem>>
      %dma_wait3A_381 = tpu.memref_squeeze %dma_wait3A_380 : memref<1x1024x32xi32, #tpu.memory_space<vmem>> -> memref<1024x32xi32, #tpu.memory_space<vmem>>
      %dma_wait3A_382 = arith.constant 0 : i32
      %dma_wait3A_383 = tpu.memref_slice %arg4[%multiple_of3A_363, %dma_wait3A_382] : memref<819200x32xi32, #tpu.memory_space<hbm>> -> memref<1024x32xi32, #tpu.memory_space<hbm>>
      %dma_wait3A_384 = arith.constant 0 : i32
      %dma_wait3A_385 = tpu.memref_slice %arg4[%multiple_of3A_363, %dma_wait3A_384] : memref<819200x32xi32, #tpu.memory_space<hbm>> -> memref<1024x32xi32, #tpu.memory_space<hbm>>
      %dma_wait3A_386 = arith.constant 0 : i32
      %dma_wait3A_387 = arith.constant 0 : i32
      %dma_wait3A_388 = tpu.memref_slice %arg6[%run_scoped3A_364, %dma_wait3A_386, %dma_wait3A_387] : memref<2x1024x32xi32, #tpu.memory_space<vmem>> -> memref<1x1024x32xi32, #tpu.memory_space<vmem>>
      %dma_wait3A_389 = tpu.memref_squeeze %dma_wait3A_388 : memref<1x1024x32xi32, #tpu.memory_space<vmem>> -> memref<1024x32xi32, #tpu.memory_space<vmem>>
      tpu.wait_dma2 semaphore(%run_scoped3A_365 : memref<!tpu.dma_semaphore, #tpu.memory_space<semaphore_mem>>) src(%dma_wait3A_389 : memref<1024x32xi32, #tpu.memory_space<vmem>>) dst(%dma_wait3A_385 : memref<1024x32xi32, #tpu.memory_space<hbm>>)
      tpu.yield
    }) : () -> ()
    return
  }
}

module attributes {stable_mosaic.version = 14 : i64} {
  func.func @body(%arg0: i32, %arg1: memref<8x4096xi32, #tpu.memory_space<vmem>>, %arg2: memref<8x4096xi32, #tpu.memory_space<vmem>>) attributes {dimension_semantics = [#tpu.dimension_semantics<arbitrary>], iteration_bounds = array<i64: 25>, scalar_prefetch = 0 : i64, scratch_operands = 0 : i64, tpu.core_type = #tpu.core_type<tc>, window_params = [{transform_indices = @transform_0, window_bounds = array<i64: 8, 4096>}, {transform_indices = @transform_1, window_bounds = array<i64: 8, 4096>}]} {
    %get3A = arith.constant 0 : index
    %get3A_0 = arith.constant 0 : index
    %get3A_1 = vector.load %arg1[%get3A, %get3A_0] : memref<8x4096xi32, #tpu.memory_space<vmem>>, vector<8x4096xi32>
    %ge3A = arith.constant 0 : i32
    %ge3A_2 = vector.broadcast %ge3A : i32 to vector<8x4096xi32>
    %ge3A_3 = arith.cmpi sge, %get3A_1, %ge3A_2 : vector<8x4096xi32>
    %jit3A = arith.constant 100000 : i32
    %broadcast_in_dim3A = vector.broadcast %jit3A : i32 to vector<8x4096xi32>
    %select_n3A = arith.select %ge3A_3, %get3A_1, %broadcast_in_dim3A : vector<8x4096xi1>, vector<8x4096xi32>
    %jit3A_4 = arith.constant 25088 : i32
    %eq3A = arith.constant 0 : i32
    %eq3A_5 = arith.cmpi eq, %jit3A_4, %eq3A : i32
    %jit3A_6 = arith.constant 1 : i32
    %select_n3A_7 = arith.select %eq3A_5, %jit3A_6, %jit3A_4 : i32
    %rem3A = vector.broadcast %select_n3A_7 : i32 to vector<8x4096xi32>
    %rem3A_8 = arith.remsi %select_n3A, %rem3A : vector<8x4096xi32>
    %ne3A = arith.constant 0 : i32
    %ne3A_9 = vector.broadcast %ne3A : i32 to vector<8x4096xi32>
    %ne3A_10 = arith.cmpi ne, %rem3A_8, %ne3A_9 : vector<8x4096xi32>
    %lt3A = arith.constant 0 : i32
    %lt3A_11 = vector.broadcast %lt3A : i32 to vector<8x4096xi32>
    %lt3A_12 = arith.cmpi slt, %rem3A_8, %lt3A_11 : vector<8x4096xi32>
    %lt3A_13 = arith.constant 0 : i32
    %lt3A_14 = arith.cmpi slt, %select_n3A_7, %lt3A_13 : i32
    %ne3A_15 = vector.broadcast %lt3A_14 : i1 to vector<8x4096xi1>
    %ne3A_16 = vector.broadcast %ne3A_15 : vector<8x4096xi1> to vector<8x4096xi1>
    %ne3A_17 = arith.xori %lt3A_12, %ne3A_16 : vector<8x4096xi1>
    %and3A = arith.andi %ne3A_17, %ne3A_10 : vector<8x4096xi1>
    %add3A = vector.broadcast %select_n3A_7 : i32 to vector<8x4096xi32>
    %add3A_18 = arith.addi %rem3A_8, %add3A : vector<8x4096xi32>
    %select_n3A_19 = arith.select %and3A, %add3A_18, %rem3A_8 : vector<8x4096xi1>, vector<8x4096xi32>
    %mul3A = arith.constant 4 : i32
    %mul3A_20 = vector.broadcast %mul3A : i32 to vector<8x4096xi32>
    %mul3A_21 = arith.muli %select_n3A_19, %mul3A_20 : vector<8x4096xi32>
    %jit3A_22 = arith.constant 25088 : i32
    %div3A = vector.broadcast %jit3A_22 : i32 to vector<8x4096xi32>
    %div3A_23 = arith.divsi %select_n3A, %div3A : vector<8x4096xi32>
    %sign3A = arith.constant 0 : i32
    %sign3A_24 = vector.broadcast %sign3A : i32 to vector<8x4096xi32>
    %sign3A_25 = arith.cmpi sgt, %select_n3A, %sign3A_24 : vector<8x4096xi32>
    %sign3A_26 = arith.extui %sign3A_25 : vector<8x4096xi1> to vector<8x4096xi32>
    %sign3A_27 = arith.constant 0 : i32
    %sign3A_28 = vector.broadcast %sign3A_27 : i32 to vector<8x4096xi32>
    %sign3A_29 = arith.cmpi slt, %select_n3A, %sign3A_28 : vector<8x4096xi32>
    %sign3A_30 = arith.extui %sign3A_29 : vector<8x4096xi1> to vector<8x4096xi32>
    %sign3A_31 = arith.subi %sign3A_26, %sign3A_30 : vector<8x4096xi32>
    %sign3A_32 = arith.constant 0 : i32
    %sign3A_33 = arith.cmpi sgt, %jit3A_22, %sign3A_32 : i32
    %sign3A_34 = arith.extui %sign3A_33 : i1 to i32
    %sign3A_35 = arith.constant 0 : i32
    %sign3A_36 = arith.cmpi slt, %jit3A_22, %sign3A_35 : i32
    %sign3A_37 = arith.extui %sign3A_36 : i1 to i32
    %sign3A_38 = arith.subi %sign3A_34, %sign3A_37 : i32
    %ne3A_39 = vector.broadcast %sign3A_38 : i32 to vector<8x4096xi32>
    %ne3A_40 = arith.cmpi ne, %sign3A_31, %ne3A_39 : vector<8x4096xi32>
    %rem3A_41 = vector.broadcast %jit3A_22 : i32 to vector<8x4096xi32>
    %rem3A_42 = arith.remsi %select_n3A, %rem3A_41 : vector<8x4096xi32>
    %ne3A_43 = arith.constant 0 : i32
    %ne3A_44 = vector.broadcast %ne3A_43 : i32 to vector<8x4096xi32>
    %ne3A_45 = arith.cmpi ne, %rem3A_42, %ne3A_44 : vector<8x4096xi32>
    %and3A_46 = arith.andi %ne3A_40, %ne3A_45 : vector<8x4096xi1>
    %sub3A = arith.constant 1 : i32
    %sub3A_47 = vector.broadcast %sub3A : i32 to vector<8x4096xi32>
    %sub3A_48 = arith.subi %div3A_23, %sub3A_47 : vector<8x4096xi32>
    %select_n3A_49 = arith.select %and3A_46, %sub3A_48, %div3A_23 : vector<8x4096xi1>, vector<8x4096xi32>
    %add3A_50 = arith.addi %mul3A_21, %select_n3A_49 : vector<8x4096xi32>
    %einshape_lo3A = vector.shape_cast %add3A_50 : vector<8x4096xi32> to vector<8x4x1024xi32>
    %einshape_lo3A_51 = tpu.transpose %einshape_lo3A, [0, 2, 1] : vector<8x4x1024xi32> -> vector<8x1024x4xi32>
    %einshape_lo3A_52 = vector.shape_cast %einshape_lo3A_51 : vector<8x1024x4xi32> to vector<8x4096xi32>
    %swap3A = arith.constant 0 : index
    %swap3A_53 = arith.constant 0 : index
    %swap3A_54 = vector.load %arg2[%swap3A, %swap3A_53] : memref<8x4096xi32, #tpu.memory_space<vmem>>, vector<8x4096xi32>
    tpu.vector_store %arg2[%swap3A, %swap3A_53], %einshape_lo3A_52 {strides = array<i32>} : memref<8x4096xi32, #tpu.memory_space<vmem>>, vector<8x4096xi32>,
    return
  }
  func.func @transform_0(%arg0: i32) -> (i32, i32) {
    %c0_i32 = arith.constant 0 : i32
    %c0_i32_0 = arith.constant 0 : i32
    return %arg0, %c0_i32 : i32, i32
  }
  func.func @transform_1(%arg0: i32) -> (i32, i32) {
    %c0_i32 = arith.constant 0 : i32
    %c0_i32_0 = arith.constant 0 : i32
    return %arg0, %c0_i32 : i32, i32
  }
}

module attributes {stable_mosaic.version = 14 : i64} {
  func.func @body(%arg0: i32, %arg1: memref<64x1xf32, #tpu.memory_space<vmem>>, %arg2: memref<64x3584xf32, #tpu.memory_space<vmem>>, %arg3: memref<64x3584xf32, #tpu.memory_space<vmem>>, %arg4: memref<64x3584xf32, #tpu.memory_space<vmem>>, %arg5: memref<64x3584xf32, #tpu.memory_space<vmem>>, %arg6: memref<3584x128xi32, #tpu.memory_space<vmem>>) attributes {dimension_semantics = [#tpu.dimension_semantics<arbitrary>], iteration_bounds = array<i64: 7>, scalar_prefetch = 0 : i64, scratch_operands = 0 : i64, tpu.core_type = #tpu.core_type<tc>, window_params = [{pipeline_mode = #tpu.pipeline_mode<synchronous>, transform_indices = @transform_0, window_bounds = array<i64: 64, 1>}, {transform_indices = @transform_1, window_bounds = array<i64: 64, 3584>}, {transform_indices = @transform_2, window_bounds = array<i64: 64, 3584>}, {transform_indices = @transform_3, window_bounds = array<i64: 64, 3584>}, {transform_indices = @transform_4, window_bounds = array<i64: 64, 3584>}, {transform_indices = @transform_5, window_bounds = array<i64: 3584, 128>}]} {
    %get3A = arith.constant 0 : index
    %get3A_0 = arith.constant 0 : index
    %get3A_1 = vector.load %arg1[%get3A, %get3A_0] : memref<64x1xf32, #tpu.memory_space<vmem>>, vector<64x1xf32>
    %convert_element_type3A = arith.truncf %get3A_1 : vector<64x1xf32> to vector<64x1xbf16>
    %iota3A = tpu.iota {dimensions = array<i32: 1>} : vector<1x3584xi32>
    %mul3A = arith.constant 3584 : i32
    %mul3A_2 = arith.muli %arg0, %mul3A : i32
    %add3A = arith.constant 0 : i32
    %add3A_3 = arith.addi %add3A, %mul3A_2 : i32
    %add3A_4 = vector.broadcast %add3A_3 : i32 to vector<1x3584xi32>
    %add3A_5 = arith.addi %iota3A, %add3A_4 : vector<1x3584xi32>
    %get3A_6 = arith.constant 0 : index
    %get3A_7 = arith.constant 0 : index
    %get3A_8 = vector.load %arg2[%get3A_6, %get3A_7] : memref<64x3584xf32, #tpu.memory_space<vmem>>, vector<64x3584xf32>
    %convert_element_type3A_9 = arith.truncf %get3A_8 : vector<64x3584xf32> to vector<64x3584xbf16>
    %lt3A = arith.constant 100000 : i32
    %lt3A_10 = vector.broadcast %lt3A : i32 to vector<1x3584xi32>
    %lt3A_11 = arith.cmpi slt, %add3A_5, %lt3A_10 : vector<1x3584xi32>
    %jit3A = arith.constant 0.000000e+00 : bf16
    %broadcast_in_dim3A = vector.shape_cast %lt3A_11 : vector<1x3584xi1> to vector<1x3584xi1>
    %broadcast_in_dim3A_12 = vector.broadcast %broadcast_in_dim3A : vector<1x3584xi1> to vector<64x3584xi1>
    %broadcast_in_dim3A_13 = vector.broadcast %jit3A : bf16 to vector<64x3584xbf16>
    %select_n3A = arith.select %broadcast_in_dim3A_12, %convert_element_type3A_9, %broadcast_in_dim3A_13 : vector<64x3584xi1>, vector<64x3584xbf16>
    %add3A_14 = vector.broadcast %convert_element_type3A : vector<64x1xbf16> to vector<64x3584xbf16>
    %add3A_15 = arith.addf %select_n3A, %add3A_14 : vector<64x3584xbf16>
    %bitcast3A = tpu.bitcast %add3A_15 : vector<64x3584xbf16> -> vector<32x3584xi32>
    %transpose3A = tpu.transpose %bitcast3A, [1, 0] : vector<32x3584xi32> -> vector<3584x32xi32>
    %swap3A = arith.constant 0 : index
    %swap3A_16 = arith.constant 0 : index
    %swap3A_17 = vector.load %arg6[%swap3A, %swap3A_16] : memref<3584x128xi32, #tpu.memory_space<vmem>>, vector<3584x32xi32>
    tpu.vector_store %arg6[%swap3A, %swap3A_16], %transpose3A {strides = array<i32>} : memref<3584x128xi32, #tpu.memory_space<vmem>>, vector<3584x32xi32>,
    %iota3A_18 = tpu.iota {dimensions = array<i32: 1>} : vector<1x3584xi32>
    %mul3A_19 = arith.constant 3584 : i32
    %mul3A_20 = arith.muli %arg0, %mul3A_19 : i32
    %add3A_21 = arith.constant 25088 : i32
    %add3A_22 = arith.addi %add3A_21, %mul3A_20 : i32
    %add3A_23 = vector.broadcast %add3A_22 : i32 to vector<1x3584xi32>
    %add3A_24 = arith.addi %iota3A_18, %add3A_23 : vector<1x3584xi32>
    %get3A_25 = arith.constant 0 : index
    %get3A_26 = arith.constant 0 : index
    %get3A_27 = vector.load %arg3[%get3A_25, %get3A_26] : memref<64x3584xf32, #tpu.memory_space<vmem>>, vector<64x3584xf32>
    %convert_element_type3A_28 = arith.truncf %get3A_27 : vector<64x3584xf32> to vector<64x3584xbf16>
    %lt3A_29 = arith.constant 100000 : i32
    %lt3A_30 = vector.broadcast %lt3A_29 : i32 to vector<1x3584xi32>
    %lt3A_31 = arith.cmpi slt, %add3A_24, %lt3A_30 : vector<1x3584xi32>
    %jit3A_32 = arith.constant 0.000000e+00 : bf16
    %broadcast_in_dim3A_33 = vector.shape_cast %lt3A_31 : vector<1x3584xi1> to vector<1x3584xi1>
    %broadcast_in_dim3A_34 = vector.broadcast %broadcast_in_dim3A_33 : vector<1x3584xi1> to vector<64x3584xi1>
    %broadcast_in_dim3A_35 = vector.broadcast %jit3A_32 : bf16 to vector<64x3584xbf16>
    %select_n3A_36 = arith.select %broadcast_in_dim3A_34, %convert_element_type3A_28, %broadcast_in_dim3A_35 : vector<64x3584xi1>, vector<64x3584xbf16>
    %add3A_37 = vector.broadcast %convert_element_type3A : vector<64x1xbf16> to vector<64x3584xbf16>
    %add3A_38 = arith.addf %select_n3A_36, %add3A_37 : vector<64x3584xbf16>
    %bitcast3A_39 = tpu.bitcast %add3A_38 : vector<64x3584xbf16> -> vector<32x3584xi32>
    %transpose3A_40 = tpu.transpose %bitcast3A_39, [1, 0] : vector<32x3584xi32> -> vector<3584x32xi32>
    %swap3A_41 = arith.constant 0 : index
    %swap3A_42 = arith.constant 32 : index
    %swap3A_43 = vector.load %arg6[%swap3A_41, %swap3A_42] : memref<3584x128xi32, #tpu.memory_space<vmem>>, vector<3584x32xi32>
    tpu.vector_store %arg6[%swap3A_41, %swap3A_42], %transpose3A_40 {strides = array<i32>} : memref<3584x128xi32, #tpu.memory_space<vmem>>, vector<3584x32xi32>,
    %iota3A_44 = tpu.iota {dimensions = array<i32: 1>} : vector<1x3584xi32>
    %mul3A_45 = arith.constant 3584 : i32
    %mul3A_46 = arith.muli %arg0, %mul3A_45 : i32
    %add3A_47 = arith.constant 50176 : i32
    %add3A_48 = arith.addi %add3A_47, %mul3A_46 : i32
    %add3A_49 = vector.broadcast %add3A_48 : i32 to vector<1x3584xi32>
    %add3A_50 = arith.addi %iota3A_44, %add3A_49 : vector<1x3584xi32>
    %get3A_51 = arith.constant 0 : index
    %get3A_52 = arith.constant 0 : index
    %get3A_53 = vector.load %arg4[%get3A_51, %get3A_52] : memref<64x3584xf32, #tpu.memory_space<vmem>>, vector<64x3584xf32>
    %convert_element_type3A_54 = arith.truncf %get3A_53 : vector<64x3584xf32> to vector<64x3584xbf16>
    %lt3A_55 = arith.constant 100000 : i32
    %lt3A_56 = vector.broadcast %lt3A_55 : i32 to vector<1x3584xi32>
    %lt3A_57 = arith.cmpi slt, %add3A_50, %lt3A_56 : vector<1x3584xi32>
    %jit3A_58 = arith.constant 0.000000e+00 : bf16
    %broadcast_in_dim3A_59 = vector.shape_cast %lt3A_57 : vector<1x3584xi1> to vector<1x3584xi1>
    %broadcast_in_dim3A_60 = vector.broadcast %broadcast_in_dim3A_59 : vector<1x3584xi1> to vector<64x3584xi1>
    %broadcast_in_dim3A_61 = vector.broadcast %jit3A_58 : bf16 to vector<64x3584xbf16>
    %select_n3A_62 = arith.select %broadcast_in_dim3A_60, %convert_element_type3A_54, %broadcast_in_dim3A_61 : vector<64x3584xi1>, vector<64x3584xbf16>
    %add3A_63 = vector.broadcast %convert_element_type3A : vector<64x1xbf16> to vector<64x3584xbf16>
    %add3A_64 = arith.addf %select_n3A_62, %add3A_63 : vector<64x3584xbf16>
    %bitcast3A_65 = tpu.bitcast %add3A_64 : vector<64x3584xbf16> -> vector<32x3584xi32>
    %transpose3A_66 = tpu.transpose %bitcast3A_65, [1, 0] : vector<32x3584xi32> -> vector<3584x32xi32>
    %swap3A_67 = arith.constant 0 : index
    %swap3A_68 = arith.constant 64 : index
    %swap3A_69 = vector.load %arg6[%swap3A_67, %swap3A_68] : memref<3584x128xi32, #tpu.memory_space<vmem>>, vector<3584x32xi32>
    tpu.vector_store %arg6[%swap3A_67, %swap3A_68], %transpose3A_66 {strides = array<i32>} : memref<3584x128xi32, #tpu.memory_space<vmem>>, vector<3584x32xi32>,
    %iota3A_70 = tpu.iota {dimensions = array<i32: 1>} : vector<1x3584xi32>
    %mul3A_71 = arith.constant 3584 : i32
    %mul3A_72 = arith.muli %arg0, %mul3A_71 : i32
    %add3A_73 = arith.constant 75264 : i32
    %add3A_74 = arith.addi %add3A_73, %mul3A_72 : i32
    %add3A_75 = vector.broadcast %add3A_74 : i32 to vector<1x3584xi32>
    %add3A_76 = arith.addi %iota3A_70, %add3A_75 : vector<1x3584xi32>
    %get3A_77 = arith.constant 0 : index
    %get3A_78 = arith.constant 0 : index
    %get3A_79 = vector.load %arg5[%get3A_77, %get3A_78] : memref<64x3584xf32, #tpu.memory_space<vmem>>, vector<64x3584xf32>
    %convert_element_type3A_80 = arith.truncf %get3A_79 : vector<64x3584xf32> to vector<64x3584xbf16>
    %lt3A_81 = arith.constant 100000 : i32
    %lt3A_82 = vector.broadcast %lt3A_81 : i32 to vector<1x3584xi32>
    %lt3A_83 = arith.cmpi slt, %add3A_76, %lt3A_82 : vector<1x3584xi32>
    %jit3A_84 = arith.constant 0.000000e+00 : bf16
    %broadcast_in_dim3A_85 = vector.shape_cast %lt3A_83 : vector<1x3584xi1> to vector<1x3584xi1>
    %broadcast_in_dim3A_86 = vector.broadcast %broadcast_in_dim3A_85 : vector<1x3584xi1> to vector<64x3584xi1>
    %broadcast_in_dim3A_87 = vector.broadcast %jit3A_84 : bf16 to vector<64x3584xbf16>
    %select_n3A_88 = arith.select %broadcast_in_dim3A_86, %convert_element_type3A_80, %broadcast_in_dim3A_87 : vector<64x3584xi1>, vector<64x3584xbf16>
    %add3A_89 = vector.broadcast %convert_element_type3A : vector<64x1xbf16> to vector<64x3584xbf16>
    %add3A_90 = arith.addf %select_n3A_88, %add3A_89 : vector<64x3584xbf16>
    %bitcast3A_91 = tpu.bitcast %add3A_90 : vector<64x3584xbf16> -> vector<32x3584xi32>
    %transpose3A_92 = tpu.transpose %bitcast3A_91, [1, 0] : vector<32x3584xi32> -> vector<3584x32xi32>
    %swap3A_93 = arith.constant 0 : index
    %swap3A_94 = arith.constant 96 : index
    %swap3A_95 = vector.load %arg6[%swap3A_93, %swap3A_94] : memref<3584x128xi32, #tpu.memory_space<vmem>>, vector<3584x32xi32>
    tpu.vector_store %arg6[%swap3A_93, %swap3A_94], %transpose3A_92 {strides = array<i32>} : memref<3584x128xi32, #tpu.memory_space<vmem>>, vector<3584x32xi32>,
    return
  }
  func.func @transform_0(%arg0: i32) -> (i32, i32) {
    %c0_i32 = arith.constant 0 : i32
    %c0_i32_0 = arith.constant 0 : i32
    %c0_i32_1 = arith.constant 0 : i32
    return %c0_i32, %c0_i32_0 : i32, i32
  }
  func.func @transform_1(%arg0: i32) -> (i32, i32) {
    %add3A = arith.constant 0 : i32
    %add3A_0 = arith.addi %add3A, %arg0 : i32
    %c0_i32 = arith.constant 0 : i32
    %c0_i32_1 = arith.constant 0 : i32
    return %c0_i32, %add3A_0 : i32, i32
  }
  func.func @transform_2(%arg0: i32) -> (i32, i32) {
    %add3A = arith.constant 7 : i32
    %add3A_0 = arith.addi %add3A, %arg0 : i32
    %c0_i32 = arith.constant 0 : i32
    %c0_i32_1 = arith.constant 0 : i32
    return %c0_i32, %add3A_0 : i32, i32
  }
  func.func @transform_3(%arg0: i32) -> (i32, i32) {
    %add3A = arith.constant 14 : i32
    %add3A_0 = arith.addi %add3A, %arg0 : i32
    %c0_i32 = arith.constant 0 : i32
    %c0_i32_1 = arith.constant 0 : i32
    return %c0_i32, %add3A_0 : i32, i32
  }
  func.func @transform_4(%arg0: i32) -> (i32, i32) {
    %add3A = arith.constant 21 : i32
    %add3A_0 = arith.addi %add3A, %arg0 : i32
    %c0_i32 = arith.constant 0 : i32
    %c0_i32_1 = arith.constant 0 : i32
    return %c0_i32, %add3A_0 : i32, i32
  }
  func.func @transform_5(%arg0: i32) -> (i32, i32) {
    %c0_i32 = arith.constant 0 : i32
    %c0_i32_0 = arith.constant 0 : i32
    return %arg0, %c0_i32 : i32, i32
  }
}

module attributes {stable_mosaic.version = 14 : i64} {
  func.func @body(%arg0: i32, %arg1: memref<10240x128xi32, #tpu.memory_space<vmem>>, %arg2: memref<10x64x4096xbf16, #tpu.memory_space<vmem>>) attributes {dimension_semantics = [#tpu.dimension_semantics<arbitrary>], iteration_bounds = array<i64: 20>, scalar_prefetch = 0 : i64, scratch_operands = 0 : i64, tpu.core_type = #tpu.core_type<tc>, window_params = [{transform_indices = @transform_0, window_bounds = array<i64: 10240, 128>}, {transform_indices = @transform_1, window_bounds = array<i64: 10, 64, 4096>}]} {
    %get3A = arith.constant 0 : index
    %get3A_0 = arith.constant 0 : index
    %get3A_1 = vector.load %arg1[%get3A, %get3A_0] : memref<10240x128xi32, #tpu.memory_space<vmem>>, vector<1024x128xi32>
    %transpose3A = tpu.transpose %get3A_1, [1, 0] : vector<1024x128xi32> -> vector<128x1024xi32>
    %slice3A = vector.extract_strided_slice %transpose3A {offsets = [0, 0], sizes = [32, 1024], strides = [1, 1]} : vector<128x1024xi32> to vector<32x1024xi32>
    %bitcast3A = tpu.bitcast %slice3A : vector<32x1024xi32> -> vector<64x1024xbf16>
    %swap3A = arith.constant 0 : index
    %swap3A_2 = arith.constant 0 : index
    %swap3A_3 = arith.constant 0 : index
    %swap3A_4 = vector.load %arg2[%swap3A, %swap3A_2, %swap3A_3] : memref<10x64x4096xbf16, #tpu.memory_space<vmem>>, vector<1x64x1024xbf16>
    %swap3A_5 = vector.shape_cast %swap3A_4 : vector<1x64x1024xbf16> to vector<64x1024xbf16>
    %swap3A_6 = vector.shape_cast %bitcast3A : vector<64x1024xbf16> to vector<1x64x1024xbf16>
    tpu.vector_store %arg2[%swap3A, %swap3A_2, %swap3A_3], %swap3A_6 {strides = array<i32>} : memref<10x64x4096xbf16, #tpu.memory_space<vmem>>, vector<1x64x1024xbf16>,
    %slice3A_7 = vector.extract_strided_slice %transpose3A {offsets = [32, 0], sizes = [32, 1024], strides = [1, 1]} : vector<128x1024xi32> to vector<32x1024xi32>
    %bitcast3A_8 = tpu.bitcast %slice3A_7 : vector<32x1024xi32> -> vector<64x1024xbf16>
    %swap3A_9 = arith.constant 0 : index
    %swap3A_10 = arith.constant 0 : index
    %swap3A_11 = arith.constant 1024 : index
    %swap3A_12 = vector.load %arg2[%swap3A_9, %swap3A_10, %swap3A_11] : memref<10x64x4096xbf16, #tpu.memory_space<vmem>>, vector<1x64x1024xbf16>
    %swap3A_13 = vector.shape_cast %swap3A_12 : vector<1x64x1024xbf16> to vector<64x1024xbf16>
    %swap3A_14 = vector.shape_cast %bitcast3A_8 : vector<64x1024xbf16> to vector<1x64x1024xbf16>
    tpu.vector_store %arg2[%swap3A_9, %swap3A_10, %swap3A_11], %swap3A_14 {strides = array<i32>} : memref<10x64x4096xbf16, #tpu.memory_space<vmem>>, vector<1x64x1024xbf16>,
    %slice3A_15 = vector.extract_strided_slice %transpose3A {offsets = [64, 0], sizes = [32, 1024], strides = [1, 1]} : vector<128x1024xi32> to vector<32x1024xi32>
    %bitcast3A_16 = tpu.bitcast %slice3A_15 : vector<32x1024xi32> -> vector<64x1024xbf16>
    %swap3A_17 = arith.constant 0 : index
    %swap3A_18 = arith.constant 0 : index
    %swap3A_19 = arith.constant 2048 : index
    %swap3A_20 = vector.load %arg2[%swap3A_17, %swap3A_18, %swap3A_19] : memref<10x64x4096xbf16, #tpu.memory_space<vmem>>, vector<1x64x1024xbf16>
    %swap3A_21 = vector.shape_cast %swap3A_20 : vector<1x64x1024xbf16> to vector<64x1024xbf16>
    %swap3A_22 = vector.shape_cast %bitcast3A_16 : vector<64x1024xbf16> to vector<1x64x1024xbf16>
    tpu.vector_store %arg2[%swap3A_17, %swap3A_18, %swap3A_19], %swap3A_22 {strides = array<i32>} : memref<10x64x4096xbf16, #tpu.memory_space<vmem>>, vector<1x64x1024xbf16>,
    %slice3A_23 = vector.extract_strided_slice %transpose3A {offsets = [96, 0], sizes = [32, 1024], strides = [1, 1]} : vector<128x1024xi32> to vector<32x1024xi32>
    %bitcast3A_24 = tpu.bitcast %slice3A_23 : vector<32x1024xi32> -> vector<64x1024xbf16>
    %swap3A_25 = arith.constant 0 : index
    %swap3A_26 = arith.constant 0 : index
    %swap3A_27 = arith.constant 3072 : index
    %swap3A_28 = vector.load %arg2[%swap3A_25, %swap3A_26, %swap3A_27] : memref<10x64x4096xbf16, #tpu.memory_space<vmem>>, vector<1x64x1024xbf16>
    %swap3A_29 = vector.shape_cast %swap3A_28 : vector<1x64x1024xbf16> to vector<64x1024xbf16>
    %swap3A_30 = vector.shape_cast %bitcast3A_24 : vector<64x1024xbf16> to vector<1x64x1024xbf16>
    tpu.vector_store %arg2[%swap3A_25, %swap3A_26, %swap3A_27], %swap3A_30 {strides = array<i32>} : memref<10x64x4096xbf16, #tpu.memory_space<vmem>>, vector<1x64x1024xbf16>,
    %get3A_31 = arith.constant 1024 : index
    %get3A_32 = arith.constant 0 : index
    %get3A_33 = vector.load %arg1[%get3A_31, %get3A_32] : memref<10240x128xi32, #tpu.memory_space<vmem>>, vector<1024x128xi32>
    %transpose3A_34 = tpu.transpose %get3A_33, [1, 0] : vector<1024x128xi32> -> vector<128x1024xi32>
    %slice3A_35 = vector.extract_strided_slice %transpose3A_34 {offsets = [0, 0], sizes = [32, 1024], strides = [1, 1]} : vector<128x1024xi32> to vector<32x1024xi32>
    %bitcast3A_36 = tpu.bitcast %slice3A_35 : vector<32x1024xi32> -> vector<64x1024xbf16>
    %swap3A_37 = arith.constant 1 : index
    %swap3A_38 = arith.constant 0 : index
    %swap3A_39 = arith.constant 0 : index
    %swap3A_40 = vector.load %arg2[%swap3A_37, %swap3A_38, %swap3A_39] : memref<10x64x4096xbf16, #tpu.memory_space<vmem>>, vector<1x64x1024xbf16>
    %swap3A_41 = vector.shape_cast %swap3A_40 : vector<1x64x1024xbf16> to vector<64x1024xbf16>
    %swap3A_42 = vector.shape_cast %bitcast3A_36 : vector<64x1024xbf16> to vector<1x64x1024xbf16>
    tpu.vector_store %arg2[%swap3A_37, %swap3A_38, %swap3A_39], %swap3A_42 {strides = array<i32>} : memref<10x64x4096xbf16, #tpu.memory_space<vmem>>, vector<1x64x1024xbf16>,
    %slice3A_43 = vector.extract_strided_slice %transpose3A_34 {offsets = [32, 0], sizes = [32, 1024], strides = [1, 1]} : vector<128x1024xi32> to vector<32x1024xi32>
    %bitcast3A_44 = tpu.bitcast %slice3A_43 : vector<32x1024xi32> -> vector<64x1024xbf16>
    %swap3A_45 = arith.constant 1 : index
    %swap3A_46 = arith.constant 0 : index
    %swap3A_47 = arith.constant 1024 : index
    %swap3A_48 = vector.load %arg2[%swap3A_45, %swap3A_46, %swap3A_47] : memref<10x64x4096xbf16, #tpu.memory_space<vmem>>, vector<1x64x1024xbf16>
    %swap3A_49 = vector.shape_cast %swap3A_48 : vector<1x64x1024xbf16> to vector<64x1024xbf16>
    %swap3A_50 = vector.shape_cast %bitcast3A_44 : vector<64x1024xbf16> to vector<1x64x1024xbf16>
    tpu.vector_store %arg2[%swap3A_45, %swap3A_46, %swap3A_47], %swap3A_50 {strides = array<i32>} : memref<10x64x4096xbf16, #tpu.memory_space<vmem>>, vector<1x64x1024xbf16>,
    %slice3A_51 = vector.extract_strided_slice %transpose3A_34 {offsets = [64, 0], sizes = [32, 1024], strides = [1, 1]} : vector<128x1024xi32> to vector<32x1024xi32>
    %bitcast3A_52 = tpu.bitcast %slice3A_51 : vector<32x1024xi32> -> vector<64x1024xbf16>
    %swap3A_53 = arith.constant 1 : index
    %swap3A_54 = arith.constant 0 : index
    %swap3A_55 = arith.constant 2048 : index
    %swap3A_56 = vector.load %arg2[%swap3A_53, %swap3A_54, %swap3A_55] : memref<10x64x4096xbf16, #tpu.memory_space<vmem>>, vector<1x64x1024xbf16>
    %swap3A_57 = vector.shape_cast %swap3A_56 : vector<1x64x1024xbf16> to vector<64x1024xbf16>
    %swap3A_58 = vector.shape_cast %bitcast3A_52 : vector<64x1024xbf16> to vector<1x64x1024xbf16>
    tpu.vector_store %arg2[%swap3A_53, %swap3A_54, %swap3A_55], %swap3A_58 {strides = array<i32>} : memref<10x64x4096xbf16, #tpu.memory_space<vmem>>, vector<1x64x1024xbf16>,
    %slice3A_59 = vector.extract_strided_slice %transpose3A_34 {offsets = [96, 0], sizes = [32, 1024], strides = [1, 1]} : vector<128x1024xi32> to vector<32x1024xi32>
    %bitcast3A_60 = tpu.bitcast %slice3A_59 : vector<32x1024xi32> -> vector<64x1024xbf16>
    %swap3A_61 = arith.constant 1 : index
    %swap3A_62 = arith.constant 0 : index
    %swap3A_63 = arith.constant 3072 : index
    %swap3A_64 = vector.load %arg2[%swap3A_61, %swap3A_62, %swap3A_63] : memref<10x64x4096xbf16, #tpu.memory_space<vmem>>, vector<1x64x1024xbf16>
    %swap3A_65 = vector.shape_cast %swap3A_64 : vector<1x64x1024xbf16> to vector<64x1024xbf16>
    %swap3A_66 = vector.shape_cast %bitcast3A_60 : vector<64x1024xbf16> to vector<1x64x1024xbf16>
    tpu.vector_store %arg2[%swap3A_61, %swap3A_62, %swap3A_63], %swap3A_66 {strides = array<i32>} : memref<10x64x4096xbf16, #tpu.memory_space<vmem>>, vector<1x64x1024xbf16>,
    %get3A_67 = arith.constant 2048 : index
    %get3A_68 = arith.constant 0 : index
    %get3A_69 = vector.load %arg1[%get3A_67, %get3A_68] : memref<10240x128xi32, #tpu.memory_space<vmem>>, vector<1024x128xi32>
    %transpose3A_70 = tpu.transpose %get3A_69, [1, 0] : vector<1024x128xi32> -> vector<128x1024xi32>
    %slice3A_71 = vector.extract_strided_slice %transpose3A_70 {offsets = [0, 0], sizes = [32, 1024], strides = [1, 1]} : vector<128x1024xi32> to vector<32x1024xi32>
    %bitcast3A_72 = tpu.bitcast %slice3A_71 : vector<32x1024xi32> -> vector<64x1024xbf16>
    %swap3A_73 = arith.constant 2 : index
    %swap3A_74 = arith.constant 0 : index
    %swap3A_75 = arith.constant 0 : index
    %swap3A_76 = vector.load %arg2[%swap3A_73, %swap3A_74, %swap3A_75] : memref<10x64x4096xbf16, #tpu.memory_space<vmem>>, vector<1x64x1024xbf16>
    %swap3A_77 = vector.shape_cast %swap3A_76 : vector<1x64x1024xbf16> to vector<64x1024xbf16>
    %swap3A_78 = vector.shape_cast %bitcast3A_72 : vector<64x1024xbf16> to vector<1x64x1024xbf16>
    tpu.vector_store %arg2[%swap3A_73, %swap3A_74, %swap3A_75], %swap3A_78 {strides = array<i32>} : memref<10x64x4096xbf16, #tpu.memory_space<vmem>>, vector<1x64x1024xbf16>,
    %slice3A_79 = vector.extract_strided_slice %transpose3A_70 {offsets = [32, 0], sizes = [32, 1024], strides = [1, 1]} : vector<128x1024xi32> to vector<32x1024xi32>
    %bitcast3A_80 = tpu.bitcast %slice3A_79 : vector<32x1024xi32> -> vector<64x1024xbf16>
    %swap3A_81 = arith.constant 2 : index
    %swap3A_82 = arith.constant 0 : index
    %swap3A_83 = arith.constant 1024 : index
    %swap3A_84 = vector.load %arg2[%swap3A_81, %swap3A_82, %swap3A_83] : memref<10x64x4096xbf16, #tpu.memory_space<vmem>>, vector<1x64x1024xbf16>
    %swap3A_85 = vector.shape_cast %swap3A_84 : vector<1x64x1024xbf16> to vector<64x1024xbf16>
    %swap3A_86 = vector.shape_cast %bitcast3A_80 : vector<64x1024xbf16> to vector<1x64x1024xbf16>
    tpu.vector_store %arg2[%swap3A_81, %swap3A_82, %swap3A_83], %swap3A_86 {strides = array<i32>} : memref<10x64x4096xbf16, #tpu.memory_space<vmem>>, vector<1x64x1024xbf16>,
    %slice3A_87 = vector.extract_strided_slice %transpose3A_70 {offsets = [64, 0], sizes = [32, 1024], strides = [1, 1]} : vector<128x1024xi32> to vector<32x1024xi32>
    %bitcast3A_88 = tpu.bitcast %slice3A_87 : vector<32x1024xi32> -> vector<64x1024xbf16>
    %swap3A_89 = arith.constant 2 : index
    %swap3A_90 = arith.constant 0 : index
    %swap3A_91 = arith.constant 2048 : index
    %swap3A_92 = vector.load %arg2[%swap3A_89, %swap3A_90, %swap3A_91] : memref<10x64x4096xbf16, #tpu.memory_space<vmem>>, vector<1x64x1024xbf16>
    %swap3A_93 = vector.shape_cast %swap3A_92 : vector<1x64x1024xbf16> to vector<64x1024xbf16>
    %swap3A_94 = vector.shape_cast %bitcast3A_88 : vector<64x1024xbf16> to vector<1x64x1024xbf16>
    tpu.vector_store %arg2[%swap3A_89, %swap3A_90, %swap3A_91], %swap3A_94 {strides = array<i32>} : memref<10x64x4096xbf16, #tpu.memory_space<vmem>>, vector<1x64x1024xbf16>,
    %slice3A_95 = vector.extract_strided_slice %transpose3A_70 {offsets = [96, 0], sizes = [32, 1024], strides = [1, 1]} : vector<128x1024xi32> to vector<32x1024xi32>
    %bitcast3A_96 = tpu.bitcast %slice3A_95 : vector<32x1024xi32> -> vector<64x1024xbf16>
    %swap3A_97 = arith.constant 2 : index
    %swap3A_98 = arith.constant 0 : index
    %swap3A_99 = arith.constant 3072 : index
    %swap3A_100 = vector.load %arg2[%swap3A_97, %swap3A_98, %swap3A_99] : memref<10x64x4096xbf16, #tpu.memory_space<vmem>>, vector<1x64x1024xbf16>
    %swap3A_101 = vector.shape_cast %swap3A_100 : vector<1x64x1024xbf16> to vector<64x1024xbf16>
    %swap3A_102 = vector.shape_cast %bitcast3A_96 : vector<64x1024xbf16> to vector<1x64x1024xbf16>
    tpu.vector_store %arg2[%swap3A_97, %swap3A_98, %swap3A_99], %swap3A_102 {strides = array<i32>} : memref<10x64x4096xbf16, #tpu.memory_space<vmem>>, vector<1x64x1024xbf16>,
    %get3A_103 = arith.constant 3072 : index
    %get3A_104 = arith.constant 0 : index
    %get3A_105 = vector.load %arg1[%get3A_103, %get3A_104] : memref<10240x128xi32, #tpu.memory_space<vmem>>, vector<1024x128xi32>
    %transpose3A_106 = tpu.transpose %get3A_105, [1, 0] : vector<1024x128xi32> -> vector<128x1024xi32>
    %slice3A_107 = vector.extract_strided_slice %transpose3A_106 {offsets = [0, 0], sizes = [32, 1024], strides = [1, 1]} : vector<128x1024xi32> to vector<32x1024xi32>
    %bitcast3A_108 = tpu.bitcast %slice3A_107 : vector<32x1024xi32> -> vector<64x1024xbf16>
    %swap3A_109 = arith.constant 3 : index
    %swap3A_110 = arith.constant 0 : index
    %swap3A_111 = arith.constant 0 : index
    %swap3A_112 = vector.load %arg2[%swap3A_109, %swap3A_110, %swap3A_111] : memref<10x64x4096xbf16, #tpu.memory_space<vmem>>, vector<1x64x1024xbf16>
    %swap3A_113 = vector.shape_cast %swap3A_112 : vector<1x64x1024xbf16> to vector<64x1024xbf16>
    %swap3A_114 = vector.shape_cast %bitcast3A_108 : vector<64x1024xbf16> to vector<1x64x1024xbf16>
    tpu.vector_store %arg2[%swap3A_109, %swap3A_110, %swap3A_111], %swap3A_114 {strides = array<i32>} : memref<10x64x4096xbf16, #tpu.memory_space<vmem>>, vector<1x64x1024xbf16>,
    %slice3A_115 = vector.extract_strided_slice %transpose3A_106 {offsets = [32, 0], sizes = [32, 1024], strides = [1, 1]} : vector<128x1024xi32> to vector<32x1024xi32>
    %bitcast3A_116 = tpu.bitcast %slice3A_115 : vector<32x1024xi32> -> vector<64x1024xbf16>
    %swap3A_117 = arith.constant 3 : index
    %swap3A_118 = arith.constant 0 : index
    %swap3A_119 = arith.constant 1024 : index
    %swap3A_120 = vector.load %arg2[%swap3A_117, %swap3A_118, %swap3A_119] : memref<10x64x4096xbf16, #tpu.memory_space<vmem>>, vector<1x64x1024xbf16>
    %swap3A_121 = vector.shape_cast %swap3A_120 : vector<1x64x1024xbf16> to vector<64x1024xbf16>
    %swap3A_122 = vector.shape_cast %bitcast3A_116 : vector<64x1024xbf16> to vector<1x64x1024xbf16>
    tpu.vector_store %arg2[%swap3A_117, %swap3A_118, %swap3A_119], %swap3A_122 {strides = array<i32>} : memref<10x64x4096xbf16, #tpu.memory_space<vmem>>, vector<1x64x1024xbf16>,
    %slice3A_123 = vector.extract_strided_slice %transpose3A_106 {offsets = [64, 0], sizes = [32, 1024], strides = [1, 1]} : vector<128x1024xi32> to vector<32x1024xi32>
    %bitcast3A_124 = tpu.bitcast %slice3A_123 : vector<32x1024xi32> -> vector<64x1024xbf16>
    %swap3A_125 = arith.constant 3 : index
    %swap3A_126 = arith.constant 0 : index
    %swap3A_127 = arith.constant 2048 : index
    %swap3A_128 = vector.load %arg2[%swap3A_125, %swap3A_126, %swap3A_127] : memref<10x64x4096xbf16, #tpu.memory_space<vmem>>, vector<1x64x1024xbf16>
    %swap3A_129 = vector.shape_cast %swap3A_128 : vector<1x64x1024xbf16> to vector<64x1024xbf16>
    %swap3A_130 = vector.shape_cast %bitcast3A_124 : vector<64x1024xbf16> to vector<1x64x1024xbf16>
    tpu.vector_store %arg2[%swap3A_125, %swap3A_126, %swap3A_127], %swap3A_130 {strides = array<i32>} : memref<10x64x4096xbf16, #tpu.memory_space<vmem>>, vector<1x64x1024xbf16>,
    %slice3A_131 = vector.extract_strided_slice %transpose3A_106 {offsets = [96, 0], sizes = [32, 1024], strides = [1, 1]} : vector<128x1024xi32> to vector<32x1024xi32>
    %bitcast3A_132 = tpu.bitcast %slice3A_131 : vector<32x1024xi32> -> vector<64x1024xbf16>
    %swap3A_133 = arith.constant 3 : index
    %swap3A_134 = arith.constant 0 : index
    %swap3A_135 = arith.constant 3072 : index
    %swap3A_136 = vector.load %arg2[%swap3A_133, %swap3A_134, %swap3A_135] : memref<10x64x4096xbf16, #tpu.memory_space<vmem>>, vector<1x64x1024xbf16>
    %swap3A_137 = vector.shape_cast %swap3A_136 : vector<1x64x1024xbf16> to vector<64x1024xbf16>
    %swap3A_138 = vector.shape_cast %bitcast3A_132 : vector<64x1024xbf16> to vector<1x64x1024xbf16>
    tpu.vector_store %arg2[%swap3A_133, %swap3A_134, %swap3A_135], %swap3A_138 {strides = array<i32>} : memref<10x64x4096xbf16, #tpu.memory_space<vmem>>, vector<1x64x1024xbf16>,
    %get3A_139 = arith.constant 4096 : index
    %get3A_140 = arith.constant 0 : index
    %get3A_141 = vector.load %arg1[%get3A_139, %get3A_140] : memref<10240x128xi32, #tpu.memory_space<vmem>>, vector<1024x128xi32>
    %transpose3A_142 = tpu.transpose %get3A_141, [1, 0] : vector<1024x128xi32> -> vector<128x1024xi32>
    %slice3A_143 = vector.extract_strided_slice %transpose3A_142 {offsets = [0, 0], sizes = [32, 1024], strides = [1, 1]} : vector<128x1024xi32> to vector<32x1024xi32>
    %bitcast3A_144 = tpu.bitcast %slice3A_143 : vector<32x1024xi32> -> vector<64x1024xbf16>
    %swap3A_145 = arith.constant 4 : index
    %swap3A_146 = arith.constant 0 : index
    %swap3A_147 = arith.constant 0 : index
    %swap3A_148 = vector.load %arg2[%swap3A_145, %swap3A_146, %swap3A_147] : memref<10x64x4096xbf16, #tpu.memory_space<vmem>>, vector<1x64x1024xbf16>
    %swap3A_149 = vector.shape_cast %swap3A_148 : vector<1x64x1024xbf16> to vector<64x1024xbf16>
    %swap3A_150 = vector.shape_cast %bitcast3A_144 : vector<64x1024xbf16> to vector<1x64x1024xbf16>
    tpu.vector_store %arg2[%swap3A_145, %swap3A_146, %swap3A_147], %swap3A_150 {strides = array<i32>} : memref<10x64x4096xbf16, #tpu.memory_space<vmem>>, vector<1x64x1024xbf16>,
    %slice3A_151 = vector.extract_strided_slice %transpose3A_142 {offsets = [32, 0], sizes = [32, 1024], strides = [1, 1]} : vector<128x1024xi32> to vector<32x1024xi32>
    %bitcast3A_152 = tpu.bitcast %slice3A_151 : vector<32x1024xi32> -> vector<64x1024xbf16>
    %swap3A_153 = arith.constant 4 : index
    %swap3A_154 = arith.constant 0 : index
    %swap3A_155 = arith.constant 1024 : index
    %swap3A_156 = vector.load %arg2[%swap3A_153, %swap3A_154, %swap3A_155] : memref<10x64x4096xbf16, #tpu.memory_space<vmem>>, vector<1x64x1024xbf16>
    %swap3A_157 = vector.shape_cast %swap3A_156 : vector<1x64x1024xbf16> to vector<64x1024xbf16>
    %swap3A_158 = vector.shape_cast %bitcast3A_152 : vector<64x1024xbf16> to vector<1x64x1024xbf16>
    tpu.vector_store %arg2[%swap3A_153, %swap3A_154, %swap3A_155], %swap3A_158 {strides = array<i32>} : memref<10x64x4096xbf16, #tpu.memory_space<vmem>>, vector<1x64x1024xbf16>,
    %slice3A_159 = vector.extract_strided_slice %transpose3A_142 {offsets = [64, 0], sizes = [32, 1024], strides = [1, 1]} : vector<128x1024xi32> to vector<32x1024xi32>
    %bitcast3A_160 = tpu.bitcast %slice3A_159 : vector<32x1024xi32> -> vector<64x1024xbf16>
    %swap3A_161 = arith.constant 4 : index
    %swap3A_162 = arith.constant 0 : index
    %swap3A_163 = arith.constant 2048 : index
    %swap3A_164 = vector.load %arg2[%swap3A_161, %swap3A_162, %swap3A_163] : memref<10x64x4096xbf16, #tpu.memory_space<vmem>>, vector<1x64x1024xbf16>
    %swap3A_165 = vector.shape_cast %swap3A_164 : vector<1x64x1024xbf16> to vector<64x1024xbf16>
    %swap3A_166 = vector.shape_cast %bitcast3A_160 : vector<64x1024xbf16> to vector<1x64x1024xbf16>
    tpu.vector_store %arg2[%swap3A_161, %swap3A_162, %swap3A_163], %swap3A_166 {strides = array<i32>} : memref<10x64x4096xbf16, #tpu.memory_space<vmem>>, vector<1x64x1024xbf16>,
    %slice3A_167 = vector.extract_strided_slice %transpose3A_142 {offsets = [96, 0], sizes = [32, 1024], strides = [1, 1]} : vector<128x1024xi32> to vector<32x1024xi32>
    %bitcast3A_168 = tpu.bitcast %slice3A_167 : vector<32x1024xi32> -> vector<64x1024xbf16>
    %swap3A_169 = arith.constant 4 : index
    %swap3A_170 = arith.constant 0 : index
    %swap3A_171 = arith.constant 3072 : index
    %swap3A_172 = vector.load %arg2[%swap3A_169, %swap3A_170, %swap3A_171] : memref<10x64x4096xbf16, #tpu.memory_space<vmem>>, vector<1x64x1024xbf16>
    %swap3A_173 = vector.shape_cast %swap3A_172 : vector<1x64x1024xbf16> to vector<64x1024xbf16>
    %swap3A_174 = vector.shape_cast %bitcast3A_168 : vector<64x1024xbf16> to vector<1x64x1024xbf16>
    tpu.vector_store %arg2[%swap3A_169, %swap3A_170, %swap3A_171], %swap3A_174 {strides = array<i32>} : memref<10x64x4096xbf16, #tpu.memory_space<vmem>>, vector<1x64x1024xbf16>,
    %get3A_175 = arith.constant 5120 : index
    %get3A_176 = arith.constant 0 : index
    %get3A_177 = vector.load %arg1[%get3A_175, %get3A_176] : memref<10240x128xi32, #tpu.memory_space<vmem>>, vector<1024x128xi32>
    %transpose3A_178 = tpu.transpose %get3A_177, [1, 0] : vector<1024x128xi32> -> vector<128x1024xi32>
    %slice3A_179 = vector.extract_strided_slice %transpose3A_178 {offsets = [0, 0], sizes = [32, 1024], strides = [1, 1]} : vector<128x1024xi32> to vector<32x1024xi32>
    %bitcast3A_180 = tpu.bitcast %slice3A_179 : vector<32x1024xi32> -> vector<64x1024xbf16>
    %swap3A_181 = arith.constant 5 : index
    %swap3A_182 = arith.constant 0 : index
    %swap3A_183 = arith.constant 0 : index
    %swap3A_184 = vector.load %arg2[%swap3A_181, %swap3A_182, %swap3A_183] : memref<10x64x4096xbf16, #tpu.memory_space<vmem>>, vector<1x64x1024xbf16>
    %swap3A_185 = vector.shape_cast %swap3A_184 : vector<1x64x1024xbf16> to vector<64x1024xbf16>
    %swap3A_186 = vector.shape_cast %bitcast3A_180 : vector<64x1024xbf16> to vector<1x64x1024xbf16>
    tpu.vector_store %arg2[%swap3A_181, %swap3A_182, %swap3A_183], %swap3A_186 {strides = array<i32>} : memref<10x64x4096xbf16, #tpu.memory_space<vmem>>, vector<1x64x1024xbf16>,
    %slice3A_187 = vector.extract_strided_slice %transpose3A_178 {offsets = [32, 0], sizes = [32, 1024], strides = [1, 1]} : vector<128x1024xi32> to vector<32x1024xi32>
    %bitcast3A_188 = tpu.bitcast %slice3A_187 : vector<32x1024xi32> -> vector<64x1024xbf16>
    %swap3A_189 = arith.constant 5 : index
    %swap3A_190 = arith.constant 0 : index
    %swap3A_191 = arith.constant 1024 : index
    %swap3A_192 = vector.load %arg2[%swap3A_189, %swap3A_190, %swap3A_191] : memref<10x64x4096xbf16, #tpu.memory_space<vmem>>, vector<1x64x1024xbf16>
    %swap3A_193 = vector.shape_cast %swap3A_192 : vector<1x64x1024xbf16> to vector<64x1024xbf16>
    %swap3A_194 = vector.shape_cast %bitcast3A_188 : vector<64x1024xbf16> to vector<1x64x1024xbf16>
    tpu.vector_store %arg2[%swap3A_189, %swap3A_190, %swap3A_191], %swap3A_194 {strides = array<i32>} : memref<10x64x4096xbf16, #tpu.memory_space<vmem>>, vector<1x64x1024xbf16>,
    %slice3A_195 = vector.extract_strided_slice %transpose3A_178 {offsets = [64, 0], sizes = [32, 1024], strides = [1, 1]} : vector<128x1024xi32> to vector<32x1024xi32>
    %bitcast3A_196 = tpu.bitcast %slice3A_195 : vector<32x1024xi32> -> vector<64x1024xbf16>
    %swap3A_197 = arith.constant 5 : index
    %swap3A_198 = arith.constant 0 : index
    %swap3A_199 = arith.constant 2048 : index
    %swap3A_200 = vector.load %arg2[%swap3A_197, %swap3A_198, %swap3A_199] : memref<10x64x4096xbf16, #tpu.memory_space<vmem>>, vector<1x64x1024xbf16>
    %swap3A_201 = vector.shape_cast %swap3A_200 : vector<1x64x1024xbf16> to vector<64x1024xbf16>
    %swap3A_202 = vector.shape_cast %bitcast3A_196 : vector<64x1024xbf16> to vector<1x64x1024xbf16>
    tpu.vector_store %arg2[%swap3A_197, %swap3A_198, %swap3A_199], %swap3A_202 {strides = array<i32>} : memref<10x64x4096xbf16, #tpu.memory_space<vmem>>, vector<1x64x1024xbf16>,
    %slice3A_203 = vector.extract_strided_slice %transpose3A_178 {offsets = [96, 0], sizes = [32, 1024], strides = [1, 1]} : vector<128x1024xi32> to vector<32x1024xi32>
    %bitcast3A_204 = tpu.bitcast %slice3A_203 : vector<32x1024xi32> -> vector<64x1024xbf16>
    %swap3A_205 = arith.constant 5 : index
    %swap3A_206 = arith.constant 0 : index
    %swap3A_207 = arith.constant 3072 : index
    %swap3A_208 = vector.load %arg2[%swap3A_205, %swap3A_206, %swap3A_207] : memref<10x64x4096xbf16, #tpu.memory_space<vmem>>, vector<1x64x1024xbf16>
    %swap3A_209 = vector.shape_cast %swap3A_208 : vector<1x64x1024xbf16> to vector<64x1024xbf16>
    %swap3A_210 = vector.shape_cast %bitcast3A_204 : vector<64x1024xbf16> to vector<1x64x1024xbf16>
    tpu.vector_store %arg2[%swap3A_205, %swap3A_206, %swap3A_207], %swap3A_210 {strides = array<i32>} : memref<10x64x4096xbf16, #tpu.memory_space<vmem>>, vector<1x64x1024xbf16>,
    %get3A_211 = arith.constant 6144 : index
    %get3A_212 = arith.constant 0 : index
    %get3A_213 = vector.load %arg1[%get3A_211, %get3A_212] : memref<10240x128xi32, #tpu.memory_space<vmem>>, vector<1024x128xi32>
    %transpose3A_214 = tpu.transpose %get3A_213, [1, 0] : vector<1024x128xi32> -> vector<128x1024xi32>
    %slice3A_215 = vector.extract_strided_slice %transpose3A_214 {offsets = [0, 0], sizes = [32, 1024], strides = [1, 1]} : vector<128x1024xi32> to vector<32x1024xi32>
    %bitcast3A_216 = tpu.bitcast %slice3A_215 : vector<32x1024xi32> -> vector<64x1024xbf16>
    %swap3A_217 = arith.constant 6 : index
    %swap3A_218 = arith.constant 0 : index
    %swap3A_219 = arith.constant 0 : index
    %swap3A_220 = vector.load %arg2[%swap3A_217, %swap3A_218, %swap3A_219] : memref<10x64x4096xbf16, #tpu.memory_space<vmem>>, vector<1x64x1024xbf16>
    %swap3A_221 = vector.shape_cast %swap3A_220 : vector<1x64x1024xbf16> to vector<64x1024xbf16>
    %swap3A_222 = vector.shape_cast %bitcast3A_216 : vector<64x1024xbf16> to vector<1x64x1024xbf16>
    tpu.vector_store %arg2[%swap3A_217, %swap3A_218, %swap3A_219], %swap3A_222 {strides = array<i32>} : memref<10x64x4096xbf16, #tpu.memory_space<vmem>>, vector<1x64x1024xbf16>,
    %slice3A_223 = vector.extract_strided_slice %transpose3A_214 {offsets = [32, 0], sizes = [32, 1024], strides = [1, 1]} : vector<128x1024xi32> to vector<32x1024xi32>
    %bitcast3A_224 = tpu.bitcast %slice3A_223 : vector<32x1024xi32> -> vector<64x1024xbf16>
    %swap3A_225 = arith.constant 6 : index
    %swap3A_226 = arith.constant 0 : index
    %swap3A_227 = arith.constant 1024 : index
    %swap3A_228 = vector.load %arg2[%swap3A_225, %swap3A_226, %swap3A_227] : memref<10x64x4096xbf16, #tpu.memory_space<vmem>>, vector<1x64x1024xbf16>
    %swap3A_229 = vector.shape_cast %swap3A_228 : vector<1x64x1024xbf16> to vector<64x1024xbf16>
    %swap3A_230 = vector.shape_cast %bitcast3A_224 : vector<64x1024xbf16> to vector<1x64x1024xbf16>
    tpu.vector_store %arg2[%swap3A_225, %swap3A_226, %swap3A_227], %swap3A_230 {strides = array<i32>} : memref<10x64x4096xbf16, #tpu.memory_space<vmem>>, vector<1x64x1024xbf16>,
    %slice3A_231 = vector.extract_strided_slice %transpose3A_214 {offsets = [64, 0], sizes = [32, 1024], strides = [1, 1]} : vector<128x1024xi32> to vector<32x1024xi32>
    %bitcast3A_232 = tpu.bitcast %slice3A_231 : vector<32x1024xi32> -> vector<64x1024xbf16>
    %swap3A_233 = arith.constant 6 : index
    %swap3A_234 = arith.constant 0 : index
    %swap3A_235 = arith.constant 2048 : index
    %swap3A_236 = vector.load %arg2[%swap3A_233, %swap3A_234, %swap3A_235] : memref<10x64x4096xbf16, #tpu.memory_space<vmem>>, vector<1x64x1024xbf16>
    %swap3A_237 = vector.shape_cast %swap3A_236 : vector<1x64x1024xbf16> to vector<64x1024xbf16>
    %swap3A_238 = vector.shape_cast %bitcast3A_232 : vector<64x1024xbf16> to vector<1x64x1024xbf16>
    tpu.vector_store %arg2[%swap3A_233, %swap3A_234, %swap3A_235], %swap3A_238 {strides = array<i32>} : memref<10x64x4096xbf16, #tpu.memory_space<vmem>>, vector<1x64x1024xbf16>,
    %slice3A_239 = vector.extract_strided_slice %transpose3A_214 {offsets = [96, 0], sizes = [32, 1024], strides = [1, 1]} : vector<128x1024xi32> to vector<32x1024xi32>
    %bitcast3A_240 = tpu.bitcast %slice3A_239 : vector<32x1024xi32> -> vector<64x1024xbf16>
    %swap3A_241 = arith.constant 6 : index
    %swap3A_242 = arith.constant 0 : index
    %swap3A_243 = arith.constant 3072 : index
    %swap3A_244 = vector.load %arg2[%swap3A_241, %swap3A_242, %swap3A_243] : memref<10x64x4096xbf16, #tpu.memory_space<vmem>>, vector<1x64x1024xbf16>
    %swap3A_245 = vector.shape_cast %swap3A_244 : vector<1x64x1024xbf16> to vector<64x1024xbf16>
    %swap3A_246 = vector.shape_cast %bitcast3A_240 : vector<64x1024xbf16> to vector<1x64x1024xbf16>
    tpu.vector_store %arg2[%swap3A_241, %swap3A_242, %swap3A_243], %swap3A_246 {strides = array<i32>} : memref<10x64x4096xbf16, #tpu.memory_space<vmem>>, vector<1x64x1024xbf16>,
    %get3A_247 = arith.constant 7168 : index
    %get3A_248 = arith.constant 0 : index
    %get3A_249 = vector.load %arg1[%get3A_247, %get3A_248] : memref<10240x128xi32, #tpu.memory_space<vmem>>, vector<1024x128xi32>
    %transpose3A_250 = tpu.transpose %get3A_249, [1, 0] : vector<1024x128xi32> -> vector<128x1024xi32>
    %slice3A_251 = vector.extract_strided_slice %transpose3A_250 {offsets = [0, 0], sizes = [32, 1024], strides = [1, 1]} : vector<128x1024xi32> to vector<32x1024xi32>
    %bitcast3A_252 = tpu.bitcast %slice3A_251 : vector<32x1024xi32> -> vector<64x1024xbf16>
    %swap3A_253 = arith.constant 7 : index
    %swap3A_254 = arith.constant 0 : index
    %swap3A_255 = arith.constant 0 : index
    %swap3A_256 = vector.load %arg2[%swap3A_253, %swap3A_254, %swap3A_255] : memref<10x64x4096xbf16, #tpu.memory_space<vmem>>, vector<1x64x1024xbf16>
    %swap3A_257 = vector.shape_cast %swap3A_256 : vector<1x64x1024xbf16> to vector<64x1024xbf16>
    %swap3A_258 = vector.shape_cast %bitcast3A_252 : vector<64x1024xbf16> to vector<1x64x1024xbf16>
    tpu.vector_store %arg2[%swap3A_253, %swap3A_254, %swap3A_255], %swap3A_258 {strides = array<i32>} : memref<10x64x4096xbf16, #tpu.memory_space<vmem>>, vector<1x64x1024xbf16>,
    %slice3A_259 = vector.extract_strided_slice %transpose3A_250 {offsets = [32, 0], sizes = [32, 1024], strides = [1, 1]} : vector<128x1024xi32> to vector<32x1024xi32>
    %bitcast3A_260 = tpu.bitcast %slice3A_259 : vector<32x1024xi32> -> vector<64x1024xbf16>
    %swap3A_261 = arith.constant 7 : index
    %swap3A_262 = arith.constant 0 : index
    %swap3A_263 = arith.constant 1024 : index
    %swap3A_264 = vector.load %arg2[%swap3A_261, %swap3A_262, %swap3A_263] : memref<10x64x4096xbf16, #tpu.memory_space<vmem>>, vector<1x64x1024xbf16>
    %swap3A_265 = vector.shape_cast %swap3A_264 : vector<1x64x1024xbf16> to vector<64x1024xbf16>
    %swap3A_266 = vector.shape_cast %bitcast3A_260 : vector<64x1024xbf16> to vector<1x64x1024xbf16>
    tpu.vector_store %arg2[%swap3A_261, %swap3A_262, %swap3A_263], %swap3A_266 {strides = array<i32>} : memref<10x64x4096xbf16, #tpu.memory_space<vmem>>, vector<1x64x1024xbf16>,
    %slice3A_267 = vector.extract_strided_slice %transpose3A_250 {offsets = [64, 0], sizes = [32, 1024], strides = [1, 1]} : vector<128x1024xi32> to vector<32x1024xi32>
    %bitcast3A_268 = tpu.bitcast %slice3A_267 : vector<32x1024xi32> -> vector<64x1024xbf16>
    %swap3A_269 = arith.constant 7 : index
    %swap3A_270 = arith.constant 0 : index
    %swap3A_271 = arith.constant 2048 : index
    %swap3A_272 = vector.load %arg2[%swap3A_269, %swap3A_270, %swap3A_271] : memref<10x64x4096xbf16, #tpu.memory_space<vmem>>, vector<1x64x1024xbf16>
    %swap3A_273 = vector.shape_cast %swap3A_272 : vector<1x64x1024xbf16> to vector<64x1024xbf16>
    %swap3A_274 = vector.shape_cast %bitcast3A_268 : vector<64x1024xbf16> to vector<1x64x1024xbf16>
    tpu.vector_store %arg2[%swap3A_269, %swap3A_270, %swap3A_271], %swap3A_274 {strides = array<i32>} : memref<10x64x4096xbf16, #tpu.memory_space<vmem>>, vector<1x64x1024xbf16>,
    %slice3A_275 = vector.extract_strided_slice %transpose3A_250 {offsets = [96, 0], sizes = [32, 1024], strides = [1, 1]} : vector<128x1024xi32> to vector<32x1024xi32>
    %bitcast3A_276 = tpu.bitcast %slice3A_275 : vector<32x1024xi32> -> vector<64x1024xbf16>
    %swap3A_277 = arith.constant 7 : index
    %swap3A_278 = arith.constant 0 : index
    %swap3A_279 = arith.constant 3072 : index
    %swap3A_280 = vector.load %arg2[%swap3A_277, %swap3A_278, %swap3A_279] : memref<10x64x4096xbf16, #tpu.memory_space<vmem>>, vector<1x64x1024xbf16>
    %swap3A_281 = vector.shape_cast %swap3A_280 : vector<1x64x1024xbf16> to vector<64x1024xbf16>
    %swap3A_282 = vector.shape_cast %bitcast3A_276 : vector<64x1024xbf16> to vector<1x64x1024xbf16>
    tpu.vector_store %arg2[%swap3A_277, %swap3A_278, %swap3A_279], %swap3A_282 {strides = array<i32>} : memref<10x64x4096xbf16, #tpu.memory_space<vmem>>, vector<1x64x1024xbf16>,
    %get3A_283 = arith.constant 8192 : index
    %get3A_284 = arith.constant 0 : index
    %get3A_285 = vector.load %arg1[%get3A_283, %get3A_284] : memref<10240x128xi32, #tpu.memory_space<vmem>>, vector<1024x128xi32>
    %transpose3A_286 = tpu.transpose %get3A_285, [1, 0] : vector<1024x128xi32> -> vector<128x1024xi32>
    %slice3A_287 = vector.extract_strided_slice %transpose3A_286 {offsets = [0, 0], sizes = [32, 1024], strides = [1, 1]} : vector<128x1024xi32> to vector<32x1024xi32>
    %bitcast3A_288 = tpu.bitcast %slice3A_287 : vector<32x1024xi32> -> vector<64x1024xbf16>
    %swap3A_289 = arith.constant 8 : index
    %swap3A_290 = arith.constant 0 : index
    %swap3A_291 = arith.constant 0 : index
    %swap3A_292 = vector.load %arg2[%swap3A_289, %swap3A_290, %swap3A_291] : memref<10x64x4096xbf16, #tpu.memory_space<vmem>>, vector<1x64x1024xbf16>
    %swap3A_293 = vector.shape_cast %swap3A_292 : vector<1x64x1024xbf16> to vector<64x1024xbf16>
    %swap3A_294 = vector.shape_cast %bitcast3A_288 : vector<64x1024xbf16> to vector<1x64x1024xbf16>
    tpu.vector_store %arg2[%swap3A_289, %swap3A_290, %swap3A_291], %swap3A_294 {strides = array<i32>} : memref<10x64x4096xbf16, #tpu.memory_space<vmem>>, vector<1x64x1024xbf16>,
    %slice3A_295 = vector.extract_strided_slice %transpose3A_286 {offsets = [32, 0], sizes = [32, 1024], strides = [1, 1]} : vector<128x1024xi32> to vector<32x1024xi32>
    %bitcast3A_296 = tpu.bitcast %slice3A_295 : vector<32x1024xi32> -> vector<64x1024xbf16>
    %swap3A_297 = arith.constant 8 : index
    %swap3A_298 = arith.constant 0 : index
    %swap3A_299 = arith.constant 1024 : index
    %swap3A_300 = vector.load %arg2[%swap3A_297, %swap3A_298, %swap3A_299] : memref<10x64x4096xbf16, #tpu.memory_space<vmem>>, vector<1x64x1024xbf16>
    %swap3A_301 = vector.shape_cast %swap3A_300 : vector<1x64x1024xbf16> to vector<64x1024xbf16>
    %swap3A_302 = vector.shape_cast %bitcast3A_296 : vector<64x1024xbf16> to vector<1x64x1024xbf16>
    tpu.vector_store %arg2[%swap3A_297, %swap3A_298, %swap3A_299], %swap3A_302 {strides = array<i32>} : memref<10x64x4096xbf16, #tpu.memory_space<vmem>>, vector<1x64x1024xbf16>,
    %slice3A_303 = vector.extract_strided_slice %transpose3A_286 {offsets = [64, 0], sizes = [32, 1024], strides = [1, 1]} : vector<128x1024xi32> to vector<32x1024xi32>
    %bitcast3A_304 = tpu.bitcast %slice3A_303 : vector<32x1024xi32> -> vector<64x1024xbf16>
    %swap3A_305 = arith.constant 8 : index
    %swap3A_306 = arith.constant 0 : index
    %swap3A_307 = arith.constant 2048 : index
    %swap3A_308 = vector.load %arg2[%swap3A_305, %swap3A_306, %swap3A_307] : memref<10x64x4096xbf16, #tpu.memory_space<vmem>>, vector<1x64x1024xbf16>
    %swap3A_309 = vector.shape_cast %swap3A_308 : vector<1x64x1024xbf16> to vector<64x1024xbf16>
    %swap3A_310 = vector.shape_cast %bitcast3A_304 : vector<64x1024xbf16> to vector<1x64x1024xbf16>
    tpu.vector_store %arg2[%swap3A_305, %swap3A_306, %swap3A_307], %swap3A_310 {strides = array<i32>} : memref<10x64x4096xbf16, #tpu.memory_space<vmem>>, vector<1x64x1024xbf16>,
    %slice3A_311 = vector.extract_strided_slice %transpose3A_286 {offsets = [96, 0], sizes = [32, 1024], strides = [1, 1]} : vector<128x1024xi32> to vector<32x1024xi32>
    %bitcast3A_312 = tpu.bitcast %slice3A_311 : vector<32x1024xi32> -> vector<64x1024xbf16>
    %swap3A_313 = arith.constant 8 : index
    %swap3A_314 = arith.constant 0 : index
    %swap3A_315 = arith.constant 3072 : index
    %swap3A_316 = vector.load %arg2[%swap3A_313, %swap3A_314, %swap3A_315] : memref<10x64x4096xbf16, #tpu.memory_space<vmem>>, vector<1x64x1024xbf16>
    %swap3A_317 = vector.shape_cast %swap3A_316 : vector<1x64x1024xbf16> to vector<64x1024xbf16>
    %swap3A_318 = vector.shape_cast %bitcast3A_312 : vector<64x1024xbf16> to vector<1x64x1024xbf16>
    tpu.vector_store %arg2[%swap3A_313, %swap3A_314, %swap3A_315], %swap3A_318 {strides = array<i32>} : memref<10x64x4096xbf16, #tpu.memory_space<vmem>>, vector<1x64x1024xbf16>,
    %get3A_319 = arith.constant 9216 : index
    %get3A_320 = arith.constant 0 : index
    %get3A_321 = vector.load %arg1[%get3A_319, %get3A_320] : memref<10240x128xi32, #tpu.memory_space<vmem>>, vector<1024x128xi32>
    %transpose3A_322 = tpu.transpose %get3A_321, [1, 0] : vector<1024x128xi32> -> vector<128x1024xi32>
    %slice3A_323 = vector.extract_strided_slice %transpose3A_322 {offsets = [0, 0], sizes = [32, 1024], strides = [1, 1]} : vector<128x1024xi32> to vector<32x1024xi32>
    %bitcast3A_324 = tpu.bitcast %slice3A_323 : vector<32x1024xi32> -> vector<64x1024xbf16>
    %swap3A_325 = arith.constant 9 : index
    %swap3A_326 = arith.constant 0 : index
    %swap3A_327 = arith.constant 0 : index
    %swap3A_328 = vector.load %arg2[%swap3A_325, %swap3A_326, %swap3A_327] : memref<10x64x4096xbf16, #tpu.memory_space<vmem>>, vector<1x64x1024xbf16>
    %swap3A_329 = vector.shape_cast %swap3A_328 : vector<1x64x1024xbf16> to vector<64x1024xbf16>
    %swap3A_330 = vector.shape_cast %bitcast3A_324 : vector<64x1024xbf16> to vector<1x64x1024xbf16>
    tpu.vector_store %arg2[%swap3A_325, %swap3A_326, %swap3A_327], %swap3A_330 {strides = array<i32>} : memref<10x64x4096xbf16, #tpu.memory_space<vmem>>, vector<1x64x1024xbf16>,
    %slice3A_331 = vector.extract_strided_slice %transpose3A_322 {offsets = [32, 0], sizes = [32, 1024], strides = [1, 1]} : vector<128x1024xi32> to vector<32x1024xi32>
    %bitcast3A_332 = tpu.bitcast %slice3A_331 : vector<32x1024xi32> -> vector<64x1024xbf16>
    %swap3A_333 = arith.constant 9 : index
    %swap3A_334 = arith.constant 0 : index
    %swap3A_335 = arith.constant 1024 : index
    %swap3A_336 = vector.load %arg2[%swap3A_333, %swap3A_334, %swap3A_335] : memref<10x64x4096xbf16, #tpu.memory_space<vmem>>, vector<1x64x1024xbf16>
    %swap3A_337 = vector.shape_cast %swap3A_336 : vector<1x64x1024xbf16> to vector<64x1024xbf16>
    %swap3A_338 = vector.shape_cast %bitcast3A_332 : vector<64x1024xbf16> to vector<1x64x1024xbf16>
    tpu.vector_store %arg2[%swap3A_333, %swap3A_334, %swap3A_335], %swap3A_338 {strides = array<i32>} : memref<10x64x4096xbf16, #tpu.memory_space<vmem>>, vector<1x64x1024xbf16>,
    %slice3A_339 = vector.extract_strided_slice %transpose3A_322 {offsets = [64, 0], sizes = [32, 1024], strides = [1, 1]} : vector<128x1024xi32> to vector<32x1024xi32>
    %bitcast3A_340 = tpu.bitcast %slice3A_339 : vector<32x1024xi32> -> vector<64x1024xbf16>
    %swap3A_341 = arith.constant 9 : index
    %swap3A_342 = arith.constant 0 : index
    %swap3A_343 = arith.constant 2048 : index
    %swap3A_344 = vector.load %arg2[%swap3A_341, %swap3A_342, %swap3A_343] : memref<10x64x4096xbf16, #tpu.memory_space<vmem>>, vector<1x64x1024xbf16>
    %swap3A_345 = vector.shape_cast %swap3A_344 : vector<1x64x1024xbf16> to vector<64x1024xbf16>
    %swap3A_346 = vector.shape_cast %bitcast3A_340 : vector<64x1024xbf16> to vector<1x64x1024xbf16>
    tpu.vector_store %arg2[%swap3A_341, %swap3A_342, %swap3A_343], %swap3A_346 {strides = array<i32>} : memref<10x64x4096xbf16, #tpu.memory_space<vmem>>, vector<1x64x1024xbf16>,
    %slice3A_347 = vector.extract_strided_slice %transpose3A_322 {offsets = [96, 0], sizes = [32, 1024], strides = [1, 1]} : vector<128x1024xi32> to vector<32x1024xi32>
    %bitcast3A_348 = tpu.bitcast %slice3A_347 : vector<32x1024xi32> -> vector<64x1024xbf16>
    %swap3A_349 = arith.constant 9 : index
    %swap3A_350 = arith.constant 0 : index
    %swap3A_351 = arith.constant 3072 : index
    %swap3A_352 = vector.load %arg2[%swap3A_349, %swap3A_350, %swap3A_351] : memref<10x64x4096xbf16, #tpu.memory_space<vmem>>, vector<1x64x1024xbf16>
    %swap3A_353 = vector.shape_cast %swap3A_352 : vector<1x64x1024xbf16> to vector<64x1024xbf16>
    %swap3A_354 = vector.shape_cast %bitcast3A_348 : vector<64x1024xbf16> to vector<1x64x1024xbf16>
    tpu.vector_store %arg2[%swap3A_349, %swap3A_350, %swap3A_351], %swap3A_354 {strides = array<i32>} : memref<10x64x4096xbf16, #tpu.memory_space<vmem>>, vector<1x64x1024xbf16>,
    return
  }
  func.func @transform_0(%arg0: i32) -> (i32, i32) {
    %c0_i32 = arith.constant 0 : i32
    %c0_i32_0 = arith.constant 0 : i32
    return %arg0, %c0_i32 : i32, i32
  }
  func.func @transform_1(%arg0: i32) -> (i32, i32, i32) {
    %c0_i32 = arith.constant 0 : i32
    %c0_i32_0 = arith.constant 0 : i32
    %c0_i32_1 = arith.constant 0 : i32
    return %arg0, %c0_i32, %c0_i32_0 : i32, i32, i32
  }
}

</mosaic_0001>

<sc_bundles>
// kernel: kernel.6.cloned.1.call-start
scs
__scs_entry_jumppad:
0x0: {  	(pc) =	sbr.rel $0x88, $3  }
0x1: {  	(tag) =	ssettag $0x0;
	lr =	simm.s32 $0x1  }
0x2: {  	[smem:$0x3F9E] =	sst lr;
	_ =	strace $0xD0000000  }
0x3: {  	_ = 	snop  }
0x4: {  	_ = 	snop  }
0x5: {  	_ = 	snop  }
0x6: {  	_ = 	snop  }
0x7: {  	_ = 	snop  }
__scs_overlays_trampoline_lowered:
0x8: {  	[smem:$0x3FAD] =	sst s0  }
0x9: {  	[smem:$0x3FAE] =	sst s1  }
0xa: {  	[smem:$0x3FAF] =	sst s2  }
0xb: {  	[smem:$0x3FB0] =	sst s3  }
0xc: {  	[smem:$0x3FB1] =	sst s4  }
0xd: {  	[smem:$0x3FB2] =	sst s5  }
0xe: {  	[smem:$0x3FB3] =	sst s6  }
0xf: {  	[smem:$0x3FB4] =	sst s7  }
0x10: {  	[smem:$0x3FB5] =	sst s8  }
0x11: {  	[smem:$0x3FB6] =	sst s9;
	s0 =	simm.s32 @!p0 $0x0  }
0x12: {  	s1 =	sld [smem:$0x3F9C];
	s0 =	simm.s32 @p0 $0x1  }
0x13: {  	[smem:$0x3FB7] =	sst s0;
	s0 =	simm.s32 @!p1 $0x0  }
0x14: {  	s2 =	sld [smem:$0x3F9B];
	s0 =	simm.s32 @p1 $0x1  }
0x15: {  	[smem:$0x3FB8] =	sst s0;
	s0 =	simm.s32 @!p2 $0x0  }
0x16: {  	s3 =	sld [smem:$0x3FDB];
	s0 =	simm.s32 @p2 $0x1  }
0x17: {  	s4 =	simm.s32 $0x1BF5;
	[smem:$0x3FBA] =	sst s0  }
0x18: {  	s0 =	sld [smem:$0x3F9D];
	_ =	swait.ge [sflag:s4], $0x0  }
0x19: {  	s7 =	sld [smem:$0x3F9E]  }
0x1a: {  	s8 =	sadd.s32 $0xFFFFE003, lr  }
0x1b: {  	s9 =	sadd.s32 $0xFFFFFEF7, lr;
	s5 =	simm.s32 $0xFFFFFFFF;
	p2 =	slt.u32 s8, $0xFFFFF086  }
0x1c: {  	p1 =	slt.u32 s9, $0xF7A;
	s5 =	simm.s32 @!p2 $0x0  }
0x1d: {  	s5 =	simm.s32 @p1 $0x1;
	p0 =	seq.s32 s7, s2  }
0x1e: {  	s7 =	smul.u32 @!p0 $0xF7A, s2;
	p2 =	seq.s32 @!p0 s5, $0x0  }
0x1f: {  	s9 =	smul.u32 $0xF7A, s1;
	s8 =	simm.s32 @!p0 $0x1BF5;
	p2 =	por !p2, p0  }
0x20: {  	[sflag:s8] =	ssyncset.s32 @!p0 $0xFFFFF086;
	s6 =	sadd.s32 @!p0 s3, s7;
	s7 =	simm.s32 @!p0 $0x108  }
0x21: {  	s3 =	sadd.s32 s3, s9;
	s6 =	sadd.s32 @!p0 $0x88, s6;
	s7 =	simm.s32 @p2 $0x1082  }
0x22: {  	[simem:s7], [sflag:s8] =	dma.local @!p0 [hbm:s6], $0xF7A  }
0x23: {  	s9 =	sor.u32 $0xD0000000, s2;
	s6 =	simm.s32 $0x108;
	_ =	swait.ge @!p0 [sflag:s8], $0x0  }
0x24: {  	s3 =	sadd.s32 $0x88, s3;
	s6 =	simm.s32 @!p1 $0x1082;
	[sflag:s4] =	ssyncset.s32 $0xFFFFF086  }
0x25: {  	[simem:s6], [sflag:s4] =	dma.local [hbm:s3], $0xF7A  }
0x26: {  	[smem:$0x3F9E] =	sst s1;
	(tag) =	ssettag s2;
	_ =	strace s9  }
0x27: {  	s1 =	sld [smem:$0x3FAE]  }
0x28: {  	s2 =	sld [smem:$0x3FAF]  }
0x29: {  	s4 =	sld [smem:$0x3FB1]  }
0x2a: {  	p0 =	seq.s32 s5, $0x0;
	s5 =	sld [smem:$0x3FB2]  }
0x2b: {  	s6 =	sld [smem:$0x3FB3]  }
0x2c: {  	s7 =	sld [smem:$0x3FB4]  }
0x2d: {  	s3 =	simm.s32 $0x108;
	s8 =	sld [smem:$0x3FB5]  }
0x2e: {  	s3 =	simm.s32 @!p0 $0x1082;
	s9 =	sld [smem:$0x3FB6]  }
0x2f: {  	lr =	sadd.s32 s0, s3;
	s0 =	sld [smem:$0x3FAD]  }
0x30: {  	s3 =	sld [smem:$0x3FB0]  }
0x31: {  	[smem:$0x3FB9] =	sst s10  }
0x32: {  	s10 =	sld [smem:$0x3FB7];
	_ =	sdelay $0x3  }
0x33: {  	p0 =	seq.s32 s10, $0x1;
	s10 =	sld [smem:$0x3FB9];
	_ =	sdelay $0x3  }
0x34: {  	[smem:$0x3FB9] =	sst s10  }
0x35: {  	s10 =	sld [smem:$0x3FB8];
	_ =	sdelay $0x3  }
0x36: {  	p1 =	seq.s32 s10, $0x1;
	s10 =	sld [smem:$0x3FB9];
	_ =	sdelay $0x3  }
0x37: {  	[smem:$0x3FB9] =	sst s10  }
0x38: {  	s10 =	sld [smem:$0x3FBA]  }
0x39: {  	_ = 	snop;
	(pc) =	sbr.ind lr, $3  }
0x3a: {  	_ = 	snop  }
0x3b: {  	_ = 	snop  }
0x3c: {  	p2 =	seq.s32 s10, $0x1;
	s10 =	sld [smem:$0x3FB9]  }
0x3d: {  	_ =	shalt  }
0x3e: {  	_ =	shalt  }
0x3f: {  	_ =	shalt  }
0x40: {  	_ =	shalt  }
0x41: {  	_ =	shalt  }
0x42: {  	_ =	shalt  }
0x43: {  	_ =	shalt  }
0x44: {  	_ =	shalt  }
0x45: {  	_ =	shalt  }
0x46: {  	_ =	shalt  }
0x47: {  	_ =	shalt  }
0x48: {  	_ =	shalt  }
0x49: {  	_ =	shalt  }
0x4a: {  	_ =	shalt  }
0x4b: {  	_ =	shalt  }
0x4c: {  	_ =	shalt  }
0x4d: {  	_ =	shalt  }
0x4e: {  	_ =	shalt  }
0x4f: {  	_ =	shalt  }
0x50: {  	_ =	shalt  }
0x51: {  	_ =	shalt  }
0x52: {  	_ =	shalt  }
0x53: {  	_ =	shalt  }
0x54: {  	_ =	shalt  }
0x55: {  	_ =	shalt  }
0x56: {  	_ =	shalt  }
0x57: {  	_ =	shalt  }
0x58: {  	_ =	shalt  }
0x59: {  	_ =	shalt  }
0x5a: {  	_ =	shalt  }
0x5b: {  	_ =	shalt  }
0x5c: {  	_ =	shalt  }
0x5d: {  	_ =	shalt  }
0x5e: {  	_ =	shalt  }
0x5f: {  	_ =	shalt  }
0x60: {  	_ =	shalt  }
0x61: {  	_ =	shalt  }
0x62: {  	_ =	shalt  }
0x63: {  	_ =	shalt  }
0x64: {  	_ =	shalt  }
0x65: {  	_ =	shalt  }
0x66: {  	_ =	shalt  }
0x67: {  	_ =	shalt  }
0x68: {  	_ =	shalt  }
0x69: {  	_ =	shalt  }
0x6a: {  	_ =	shalt  }
0x6b: {  	_ =	shalt  }
0x6c: {  	_ =	shalt  }
0x6d: {  	_ =	shalt  }
0x6e: {  	_ =	shalt  }
0x6f: {  	_ =	shalt  }
0x70: {  	_ =	shalt  }
0x71: {  	_ =	shalt  }
0x72: {  	_ =	shalt  }
0x73: {  	_ =	shalt  }
0x74: {  	_ =	shalt  }
0x75: {  	_ =	shalt  }
0x76: {  	_ =	shalt  }
0x77: {  	_ =	shalt  }
0x78: {  	_ =	shalt  }
0x79: {  	_ =	shalt  }
0x7a: {  	_ =	shalt  }
0x7b: {  	_ =	shalt  }
0x7c: {  	_ =	shalt  }
0x7d: {  	_ =	shalt  }
0x7e: {  	_ =	shalt  }
0x7f: {  	_ =	shalt  }
0x80: {  	_ =	shalt  }
0x81: {  	_ =	shalt  }
0x82: {  	_ =	shalt  }
0x83: {  	_ =	shalt  }
0x84: {  	_ =	shalt  }
0x85: {  	_ =	shalt  }
0x86: {  	_ =	shalt  }
0x87: {  	_ =	shalt  }
.Lfunc_end0:
.L_simem_size_0:
called_computation_lowered:
.L_overlay_start_0:
0x88: {  	s2 =	sld [smem:$0x3FD9]  }
0x89: {  	s3 =	sld [smem:$0x3FFE];
	_ =	sdelay $0x1  }
0x8a: {  	s1 =	srdreg.scid  }
0x8b: {  	s0 =	sand.u32 $0x1, s1  }
0x8c: {  	s17 =	sshll.u32 s0, $0xA;
	s2 =	sadd.s32 s3, s2  }
0x8d: {  	s2 =	sadd.s32 s2, s17  }
0x8e: {  	[smem:$0x3FC5] =	sst s2  }
0x8f: {  	_ = 	snop  }
0x90: {  	s2 =	sld [smem:$0x3FD0];
	(tm) =	ssettm $0x1  }
0x91: {  	s18 =	sld [smem:$0x3FFB];
	_ =	sdelay $0x3  }
0x92: {  	_ =	strace s18  }
0x93: {  	s3 =	sld [smem:$0x3FFC];
	_ =	sdelay $0x3  }
0x94: {  	_ =	strace s3  }
0x95: {  	s3 =	sld [smem:$0x3FFD];
	_ =	sdelay $0x3  }
0x96: {  	_ =	strace s3  }
0x97: {  	_ =	strace $0x8FFFFFFF  }
0x98: {  	s19 =	sld [smem:$0x3FDB];
	_ =	sdelay $0x1  }
0x99: {  	s4 =	simm.s32 $_scs_section_size  }
0x9a: {  	s5 =	simm.s32 $_size__tile_overlayer_lowered;
	s6 =	simm.s32 $_tile_overlayer_lowered  }
0x9b: {  	s22 =	simm.s32 $0x1BFF;
	s21 =	sshll.u32 s6, $0x1;
	s3 =	sadd.s32 s4, s19  }
0x9c: {  	s7 =	simm.s32 $0x0;
	s20 =	sshll.u32 s5, $0x1;
	s5 =	sadd.s32 s21, s3  }
0x9d: {  	[timem:s7], [sflag:s22] =	dma.local [hbm:s5], s20  }
0x9e: {  	_ =	swait.ge [sflag:s22], s20  }
0x9f: {  	s4 =	ssub.s32 $0x0, s20;
	[sflag:s22] =	ssyncset.done $0x0  }
0xa0: {  	[sflag:s22] =	ssyncadd.s32 s4;
	_ =	sdelay $0x1  }
0xa1: {  	s23 =	simm.s32 $0x1B8B  }
0xa2: {  	_ =	swait.ge [sflag:s23], $0x1  }
0xa3: {  	[sflag:s23] =	ssyncset.done $0x0  }
0xa4: {  	s25 =	simm.s32 $0x1B8E;
	s24 =	sld [smem:$0x3FFE];
	[sflag:s23] =	ssyncadd.s32 $0xFFFFFFFF  }
0xa5: {  	s26 =	simm.s32 $execute0_lowered;
	[smem:$0x3FD2] =	sst s25  }
0xa6: {  	s5 =	sshll.u32 s26, $0x1;
	_ =	strace $0x80000046;
	[dreg:$0x1] =	wrdreg $0xFFFFFFFF  }
0xa7: {  	s28 =	simm.s32 $_size_execute0_lowered;
	s3 =	sadd.s32 s3, s5;
	[dreg:$0x0] =	wrdreg $0x0  }
0xa8: {  	s5 =	sshll.u32 s28, $0x1;
	[dreg:$0x2] =	wrdreg s3  }
0xa9: {  	[dreg:$0x3] =	wrdreg s5  }
0xaa: {  	[dreg:$0x4] =	wrdreg $0xC0  }
0xab: {  	_ =	task [dreg:s7], $0x5FFFF  }
0xac: {  	[dreg:$0x1] =	wrdreg $0xFFFFFFFF  }
0xad: {  	[dreg:$0x0] =	wrdreg $0x60  }
0xae: {  	[dreg:$0x2] =	wrdreg s2  }
0xaf: {  	[dreg:$0x3] =	wrdreg s24  }
0xb0: {  	[dreg:$0x4] =	wrdreg $0x9  }
0xb1: {  	_ =	task.clear_ibuf [dreg:s7], $0x5FFFF;
	_ =	strace $0x90000046  }
0xb2: {  	s29 =	simm.s32 $0x9;
	_ =	strace $0x80000048  }
0xb3: {  	_ =	swait.ge [sflag:s29], $0x1  }
0xb4: {  	[sflag:s29] =	ssyncadd.s32 $0xFFFFFFFF  }
0xb5: {  	_ =	strace $0x90000048  }
0xb6: {  	_ =	sfence  }
0xb7: {  	s30 =	sld [smem:$0x0];
	_ =	sdelay $0x2  }
0xb8: {  	s31 =	sshll.u32 s1, $0xD;
	s1 =	sshrl.u32 s1, $0x2  }
0xb9: {  	s3 =	sand.u32 $0x4000, s31;
	s1 =	sadd.s32 s1, s30  }
0xba: {  	s0 =	sor.u32 s3, s0;
	s1 =	sshll.u32 s1, $0x11  }
0xbb: {  	s0 =	sor.u32 s1, s0  }
0xbc: {  	s0 =	sadd.s32 $0x8F2B, s0  }
0xbd: {  	[sflag:s0] =	ssyncadd.remote.s32 $0x1  }
0xbe: {  	_ =	sfence.sel $0xFFFF  }
0xbf: {  	[dreg:$0x0] =	wrdreg $0xFFFFFFFF;
	(pc) =	sbr.abs _section_cstart, $3  }
0xc0: {  	[dreg:$0x1] =	wrdreg $0xFFFFFFFF  }
0xc1: {  	_ =	task.clear_ibuf [dreg:s7], $0x2FFFF;
	_ =	strace $0x9FFFFFFF  }
0xc2: {  	(tm) =	ssettm $0x7FFFFFFF  }
0xc3: {  	_ =	shalt  }
tec
execute0_lowered:
.L_overlay_start_1:
0x0: {  	(tag) =	ssettag $0x1  }
0x1: {  	s0 =	srdreg.scid;
	s2 =	rddreg [dreg:$0x0]  }
0x2: {  	s10 =	stileid.u32;
	s5 =	rddreg [dreg:$0x1]  }
0x3: {  	s3 =	simm.s32 $0x0;
	s13 =	simm.s32 $0x480;
	s14 =	simm.s32 $0x9800  }
0x4: {  	s15 =	simm.s32 $0x500;
	s16 =	simm.s32 $0xA800;
	s17 =	simm.s32 $0x580  }
0x5: {  	s18 =	simm.s32 $0xB800;
	s19 =	simm.s32 $0x600;
	s20 =	simm.s32 $0xC800  }
0x6: {  	s21 =	simm.s32 $0x680;
	s22 =	simm.s32 $0xD800;
	s23 =	simm.s32 $0x700  }
0x7: {  	s24 =	simm.s32 $0xE800;
	s25 =	simm.s32 $0x780;
	[smem:$0x7FF] =	sst s3  }
0x8: {  	s28 =	simm.s32 $0x8800;
	_ =	strace $0x80000047;
	[dreg:$0x5] =	wrdreg s13  }
0x9: {  	s29 =	simm.s32 $0x1;
	s30 =	simm.s32 $0x3;
	[dreg:$0x6] =	wrdreg s14  }
0xa: {  	s31 =	simm.s32 $0x2;
	s0 =	sand.u32 $0x1, s0;
	[dreg:$0x7] =	wrdreg s15  }
0xb: {  	s1 =	sshll.u32 s10, $0x1;
	s7 =	smul.u32 $0x190000, s10;
	[dreg:$0x8] =	wrdreg s16  }
0xc: {  	s4 =	sadd.s32 $0x800, s5;
	s5 =	sadd.s32 $0x19800, s5;
	[dreg:$0x9] =	wrdreg s17  }
0xd: {  	s10 =	smul.u32 $0xC800, s10;
	s1 =	sor.u32 s0, s1;
	[dreg:$0xa] =	wrdreg s18  }
0xe: {  	s8 =	smul.u32 $0xC8000, s0;
	s9 =	ssub.s32 $0x2, s0;
	[dreg:$0xb] =	wrdreg s19  }
0xf: {  	s0 =	smul.u32 $0x6400, s0;
	s13 =	simm.s32 $0x2800;
	[dreg:$0xc] =	wrdreg s20  }
0x10: {  	s14 =	simm.s32 $0x180;
	s15 =	simm.s32 $0x3800;
	[dreg:$0xd] =	wrdreg s21  }
0x11: {  	s16 =	simm.s32 $0x200;
	s19 =	simm.s32 $0x4800;
	[dreg:$0xe] =	wrdreg s22  }
0x12: {  	s20 =	simm.s32 $0x280;
	s21 =	simm.s32 $0x5800;
	[dreg:$0xf] =	wrdreg s23  }
0x13: {  	s22 =	simm.s32 $0x300;
	s23 =	simm.s32 $0x6800;
	[dreg:$0x10] =	wrdreg s24  }
0x14: {  	s24 =	simm.s32 $0x380;
	[dreg:$0x11] =	wrdreg s25;
	s6 =	smul.u32 $0x6400, s1  }
0x15: {  	s25 =	simm.s32 $0x7800;
	s1 =	smul.u32 $0xC8000, s1;
	s11 =	sshrl.u32 s9, $0x1  }
0x16: {  	s9 =	ssub.s32 s9, s11;
	s26 =	sadd.s32 s8, s7;
	s0 =	sadd.s32 s0, s10  }
0x17: {  	s6 =	sshrl.u32 s6, $0x3;
	s1 =	sshrl.u32 s1, $0x3;
	s8 =	sadd.s32 $0x400, s0  }
0x18: {  	s10 =	smax.u32 s9, $0x1;
	s0 =	sadd.s32 $0x800, s0;
	s9 =	simm.s32 $0x100  }
0x19: {  	s6 =	sadd.s32 s4, s6;
	s1 =	sadd.s32 s5, s1;
	[dreg:$0x15] =	wrdreg s10  }
0x1a: {  	s11 =	sshll.u32 s8, $0x2;
	[dreg:$0x16] =	wrdreg s0;
	s10 =	simm.s32 $0x5  }
0x1b: {  	[dreg:$0x13] =	wrdreg s6;
	s1 =	sadd.s32 $0x18000, s1;
	s6 =	sshrl.u32 s26, $0x3  }
0x1c: {  	s26 =	simm.s32 $0xF800;
	[dreg:$0x14] =	wrdreg s1;
	s1 =	sadd.s32 s6, s5  }
0x1d: {  	s5 =	sadd.s32 s11, s5;
	s6 =	sshrl.u32 s8, $0x3;
	[dreg:$0x12] =	wrdreg s26  }
0x1e: {  	s11 =	simm.s32 $0x80;
	s26 =	simm.s32 $0x400;
	[dreg:$0x3] =	wrdreg s1  }
0x1f: {  	[dreg:$0x4] =	wrdreg s5;
	s12 =	sadd.s32 s6, s4;
	s1 =	simm.s32 $0x1800  }
0x20: {  	s5 =	simm.s32 $0x0;
	[dreg:$0x17] =	wrdreg s12;
	s12 =	simm.s32 $0x800  }
.LBB2_1:
0x21: {  	[dreg:$0x18] =	wrdreg s5  }
0x22: {  	s0 =	rddreg [dreg:$0x13]  }
0x23: {  	[tilespmem:s3], [sflag:$0x5] =	stream.linear.gather [hbm4b:s0+s3], $0x400, $0x38;
	[tilespmem:$0x10800] =	vst v63  }
0x24: {  	_ =	swait.ge [sflag:s10], $0x400  }
0x25: {  	[sflag:s10] =	ssyncset.done $0x0  }
0x26: {  	[sflag:s10] =	ssyncadd.s32 $0xFFFFFC00  }
0x27: {  	[tilespmem:s12], [sflag:$0x1] =	stream.indirect.gather [hbm4b:s2+s11], $0x20, s3, s11, $0xb8;
	[tilespmem:$0x10800] =	vst v63  }
0x28: {  	_ = 	snop  }
0x29: {  	[tilespmem:s1], [sflag:$0x1] =	stream.indirect.gather [hbm4b:s2+s11], $0x20, s11, s11, $0xb8;
	[tilespmem:$0x10800] =	vst v63  }
0x2a: {  	_ = 	snop  }
0x2b: {  	[tilespmem:s13], [sflag:$0x1] =	stream.indirect.gather [hbm4b:s2+s11], $0x20, s9, s11, $0xb8;
	[tilespmem:$0x10800] =	vst v63  }
0x2c: {  	_ = 	snop  }
0x2d: {  	[tilespmem:s15], [sflag:$0x1] =	stream.indirect.gather [hbm4b:s2+s11], $0x20, s14, s11, $0xb8;
	[tilespmem:$0x10800] =	vst v63  }
0x2e: {  	_ = 	snop  }
0x2f: {  	[tilespmem:s19], [sflag:$0x1] =	stream.indirect.gather [hbm4b:s2+s11], $0x20, s16, s11, $0xb8;
	[tilespmem:$0x10800] =	vst v63  }
0x30: {  	_ = 	snop  }
0x31: {  	[tilespmem:s21], [sflag:$0x1] =	stream.indirect.gather [hbm4b:s2+s11], $0x20, s20, s11, $0xb8;
	[tilespmem:$0x10800] =	vst v63  }
0x32: {  	p0 =	por $0x1, $0x1  }
0x33: {  	[tilespmem:s23], [sflag:$0x1] =	stream.indirect.gather [hbm4b:s2+s11], $0x20, s22, s11, $0xb8;
	[tilespmem:$0x10800] =	vst v63  }
0x34: {  	s5 =	simm.s32 @!p0 $0x4  }
0x35: {  	[tilespmem:s25], [sflag:$0x1] =	stream.indirect.gather [hbm4b:s2+s11], $0x20, s24, s11, $0xb8;
	[tilespmem:$0x10800] =	vst v63  }
0x36: {  	_ =	swait.ge @!p0 [sflag:s5], $0x8000  }
0x37: {  	[sflag:s5] =	ssyncset.done @!p0 $0x0  }
0x38: {  	s0 =	rddreg [dreg:$0x17];
	[sflag:s5] =	ssyncadd.s32 @!p0 $0xFFFF8000  }
0x39: {  	[tilespmem:s26], [sflag:$0x5] =	stream.linear.gather [hbm4b:s0+s3], $0x400, $0x38;
	[tilespmem:$0x10800] =	vst v63  }
0x3a: {  	_ =	swait.ge [sflag:s10], $0x400  }
0x3b: {  	s5 =	rddreg [dreg:$0x7]  }
0x3c: {  	s6 =	rddreg [dreg:$0x5]  }
0x3d: {  	[sflag:s10] =	ssyncset.done $0x0;
	s7 =	rddreg [dreg:$0x6]  }
0x3e: {  	s8 =	rddreg [dreg:$0x8];
	[sflag:s10] =	ssyncadd.s32 $0xFFFFFC00  }
0x3f: {  	[tilespmem:s28], [sflag:$0x2] =	stream.indirect.gather [hbm4b:s2+s11], $0x20, s26, s11, $0xb8;
	[tilespmem:$0x10800] =	vst v63  }
0x40: {  	s17 =	rddreg [dreg:$0x9]  }
0x41: {  	[tilespmem:s7], [sflag:$0x2] =	stream.indirect.gather [hbm4b:s2+s11], $0x20, s6, s11, $0xb8;
	[tilespmem:$0x10800] =	vst v63  }
0x42: {  	s18 =	rddreg [dreg:$0xa]  }
0x43: {  	[tilespmem:s8], [sflag:$0x2] =	stream.indirect.gather [hbm4b:s2+s11], $0x20, s5, s11, $0xb8;
	[tilespmem:$0x10800] =	vst v63  }
0x44: {  	s5 =	rddreg [dreg:$0xc]  }
0x45: {  	s8 =	rddreg [dreg:$0xb]  }
0x46: {  	[tilespmem:s18], [sflag:$0x2] =	stream.indirect.gather [hbm4b:s2+s11], $0x20, s17, s11, $0xb8;
	[tilespmem:$0x10800] =	vst v63  }
0x47: {  	s17 =	rddreg [dreg:$0xe]  }
0x48: {  	s18 =	rddreg [dreg:$0xd]  }
0x49: {  	[tilespmem:s5], [sflag:$0x2] =	stream.indirect.gather [hbm4b:s2+s11], $0x20, s8, s11, $0xb8;
	[tilespmem:$0x10800] =	vst v63  }
0x4a: {  	s5 =	rddreg [dreg:$0x10]  }
0x4b: {  	s8 =	rddreg [dreg:$0xf]  }
0x4c: {  	[tilespmem:s17], [sflag:$0x2] =	stream.indirect.gather [hbm4b:s2+s11], $0x20, s18, s11, $0xb8;
	[tilespmem:$0x10800] =	vst v63  }
0x4d: {  	s17 =	rddreg [dreg:$0x12]  }
0x4e: {  	[tilespmem:s5], [sflag:$0x2] =	stream.indirect.gather [hbm4b:s2+s11], $0x20, s8, s11, $0xb8;
	[tilespmem:$0x10800] =	vst v63  }
0x4f: {  	s18 =	rddreg [dreg:$0x11]  }
0x50: {  	[tilespmem:s17], [sflag:$0x2] =	stream.indirect.gather [hbm4b:s2+s11], $0x20, s18, s11, $0xb8;
	[tilespmem:$0x10800] =	vst v63  }
0x51: {  	_ =	swait.ge [sflag:s29], $0x1000  }
0x52: {  	[sflag:s29] =	ssyncset.done $0x0  }
0x53: {  	[sflag:s29] =	ssyncadd.s32 $0xFFFFF000  }
0x54: {  	_ =	swait.ge [sflag:s29], $0x1000  }
0x55: {  	[sflag:s29] =	ssyncset.done $0x0  }
0x56: {  	[sflag:s29] =	ssyncadd.s32 $0xFFFFF000  }
0x57: {  	_ =	swait.ge [sflag:s29], $0x1000  }
0x58: {  	[sflag:s29] =	ssyncset.done $0x0  }
0x59: {  	[sflag:s29] =	ssyncadd.s32 $0xFFFFF000  }
0x5a: {  	_ =	swait.ge [sflag:s29], $0x1000  }
0x5b: {  	[sflag:s29] =	ssyncset.done $0x0  }
0x5c: {  	[sflag:s29] =	ssyncadd.s32 $0xFFFFF000  }
0x5d: {  	_ =	swait.ge [sflag:s29], $0x1000  }
0x5e: {  	[sflag:s29] =	ssyncset.done $0x0  }
0x5f: {  	[sflag:s29] =	ssyncadd.s32 $0xFFFFF000  }
0x60: {  	_ =	swait.ge [sflag:s29], $0x1000  }
0x61: {  	[sflag:s29] =	ssyncset.done $0x0  }
0x62: {  	[sflag:s29] =	ssyncadd.s32 $0xFFFFF000  }
0x63: {  	_ =	swait.ge [sflag:s29], $0x1000  }
0x64: {  	[sflag:s29] =	ssyncset.done $0x0  }
0x65: {  	[sflag:s29] =	ssyncadd.s32 $0xFFFFF000  }
0x66: {  	_ =	swait.ge [sflag:s29], $0x1000  }
0x67: {  	s17 =	rddreg [dreg:$0x3];
	[sflag:s29] =	ssyncset.done $0x0  }
0x68: {  	[sflag:s29] =	ssyncadd.s32 $0xFFFFF000;
	s5 =	sadd.s32 $0x0, s17  }
0x69: {  	[hbm4b:s5+s3] =	stream.linear.scatter [tilespmem:s12], [sflag:$0x3], $0x8000, $0x38;
	[tilespmem:$0x10800] =	vst v63  }
0x6a: {  	_ =	swait.ge [sflag:s30], $0x8000  }
0x6b: {  	s8 =	rddreg [dreg:$0x16]  }
0x6c: {  	[sflag:s30] =	ssyncset.done $0x0;
	s18 =	sshrl.u32 s8, $0x3  }
0x6d: {  	[sflag:s30] =	ssyncadd.s32 $0xFFFF8000;
	s5 =	sadd.s32 s4, s18  }
0x6e: {  	[tilespmem:s3], [sflag:$0x5] =	stream.linear.gather [hbm4b:s5+s3], $0x400, $0x38;
	[tilespmem:$0x10800] =	vst v63  }
0x6f: {  	_ =	swait.ge [sflag:s10], $0x400  }
0x70: {  	[sflag:s10] =	ssyncset.done $0x0  }
0x71: {  	[sflag:s10] =	ssyncadd.s32 $0xFFFFFC00  }
0x72: {  	[tilespmem:s12], [sflag:$0x1] =	stream.indirect.gather [hbm4b:s2+s11], $0x20, s3, s11, $0xb8;
	[tilespmem:$0x10800] =	vst v63  }
0x73: {  	_ = 	snop  }
0x74: {  	[tilespmem:s1], [sflag:$0x1] =	stream.indirect.gather [hbm4b:s2+s11], $0x20, s11, s11, $0xb8;
	[tilespmem:$0x10800] =	vst v63  }
0x75: {  	_ = 	snop  }
0x76: {  	[tilespmem:s13], [sflag:$0x1] =	stream.indirect.gather [hbm4b:s2+s11], $0x20, s9, s11, $0xb8;
	[tilespmem:$0x10800] =	vst v63  }
0x77: {  	_ = 	snop  }
0x78: {  	[tilespmem:s15], [sflag:$0x1] =	stream.indirect.gather [hbm4b:s2+s11], $0x20, s14, s11, $0xb8;
	[tilespmem:$0x10800] =	vst v63  }
0x79: {  	_ = 	snop  }
0x7a: {  	[tilespmem:s19], [sflag:$0x1] =	stream.indirect.gather [hbm4b:s2+s11], $0x20, s16, s11, $0xb8;
	[tilespmem:$0x10800] =	vst v63  }
0x7b: {  	_ = 	snop  }
0x7c: {  	[tilespmem:s21], [sflag:$0x1] =	stream.indirect.gather [hbm4b:s2+s11], $0x20, s20, s11, $0xb8;
	[tilespmem:$0x10800] =	vst v63  }
0x7d: {  	_ = 	snop  }
0x7e: {  	[tilespmem:s23], [sflag:$0x1] =	stream.indirect.gather [hbm4b:s2+s11], $0x20, s22, s11, $0xb8;
	[tilespmem:$0x10800] =	vst v63  }
0x7f: {  	_ = 	snop  }
0x80: {  	[tilespmem:s25], [sflag:$0x1] =	stream.indirect.gather [hbm4b:s2+s11], $0x20, s24, s11, $0xb8;
	[tilespmem:$0x10800] =	vst v63  }
0x81: {  	_ =	swait.ge [sflag:s31], $0x1000  }
0x82: {  	[sflag:s31] =	ssyncset.done $0x0  }
0x83: {  	[sflag:s31] =	ssyncadd.s32 $0xFFFFF000  }
0x84: {  	_ =	swait.ge [sflag:s31], $0x1000  }
0x85: {  	[sflag:s31] =	ssyncset.done $0x0  }
0x86: {  	[sflag:s31] =	ssyncadd.s32 $0xFFFFF000  }
0x87: {  	_ =	swait.ge [sflag:s31], $0x1000  }
0x88: {  	[sflag:s31] =	ssyncset.done $0x0  }
0x89: {  	[sflag:s31] =	ssyncadd.s32 $0xFFFFF000  }
0x8a: {  	_ =	swait.ge [sflag:s31], $0x1000  }
0x8b: {  	[sflag:s31] =	ssyncset.done $0x0  }
0x8c: {  	[sflag:s31] =	ssyncadd.s32 $0xFFFFF000  }
0x8d: {  	_ =	swait.ge [sflag:s31], $0x1000  }
0x8e: {  	[sflag:s31] =	ssyncset.done $0x0  }
0x8f: {  	[sflag:s31] =	ssyncadd.s32 $0xFFFFF000  }
0x90: {  	_ =	swait.ge [sflag:s31], $0x1000  }
0x91: {  	[sflag:s31] =	ssyncset.done $0x0  }
0x92: {  	[sflag:s31] =	ssyncadd.s32 $0xFFFFF000  }
0x93: {  	s6 =	simm.s32 $0x2000;
	_ =	swait.ge [sflag:s31], $0x1000  }
0x94: {  	s7 =	sadd.s32 $0x100, s0;
	s5 =	simm.s32 $0x0;
	[sflag:s31] =	ssyncset.done $0x0  }
.LBB2_2:
0x95: {  	[sflag:s31] =	ssyncadd.s32 $0xFFFFF000  }
0x96: {  	s9 =	smov.u32 s6;
	_ =	swait.ge [sflag:s31], $0x1000  }
0x97: {  	p1 =	seq.s32 s9, $0x0;
	[sflag:s31] =	ssyncset.done $0x0;
	s1 =	rddreg [dreg:$0x4]  }
0x98: {  	s0 =	simm.s32 @!p1 $0x4;
	[sflag:s31] =	ssyncadd.s32 $0xFFFFF000;
	s1 =	sadd.s32 s5, s1  }
0x99: {  	[hbm4b:s1+s3] =	stream.linear.scatter [tilespmem:s28], [sflag:$0x4], $0x8000, $0x38;
	[tilespmem:$0x10800] =	vst v63  }
0x9a: {  	_ =	swait.ge @!p1 [sflag:s0], $0x8000  }
0x9b: {  	[sflag:s0] =	ssyncset.done @!p1 $0x0  }
0x9c: {  	[sflag:s0] =	ssyncadd.s32 @!p1 $0xFFFF8000  }
0x9d: {  	[tilespmem:s26], [sflag:$0x5] =	stream.linear.gather [hbm4b:s7+s3], $0x400, $0x38;
	[tilespmem:$0x10800] =	vst v63  }
0x9e: {  	_ =	swait.ge [sflag:s10], $0x400  }
0x9f: {  	s0 =	rddreg [dreg:$0x12]  }
0xa0: {  	s1 =	rddreg [dreg:$0x10]  }
0xa1: {  	s5 =	smov.u32 s9;
	s9 =	rddreg [dreg:$0xe]  }
0xa2: {  	s13 =	rddreg [dreg:$0xc]  }
0xa3: {  	s14 =	rddreg [dreg:$0x9]  }
0xa4: {  	[sflag:s10] =	ssyncset.done $0x0;
	s15 =	rddreg [dreg:$0x7]  }
0xa5: {  	s16 =	rddreg [dreg:$0x5];
	[sflag:s10] =	ssyncadd.s32 $0xFFFFFC00  }
0xa6: {  	[tilespmem:s28], [sflag:$0x2] =	stream.indirect.gather [hbm4b:s2+s11], $0x20, s26, s11, $0xb8;
	[tilespmem:$0x10800] =	vst v63  }
0xa7: {  	s17 =	rddreg [dreg:$0x6]  }
0xa8: {  	[tilespmem:s17], [sflag:$0x2] =	stream.indirect.gather [hbm4b:s2+s11], $0x20, s16, s11, $0xb8;
	[tilespmem:$0x10800] =	vst v63  }
0xa9: {  	s18 =	rddreg [dreg:$0x8]  }
0xaa: {  	[tilespmem:s18], [sflag:$0x2] =	stream.indirect.gather [hbm4b:s2+s11], $0x20, s15, s11, $0xb8;
	[tilespmem:$0x10800] =	vst v63  }
0xab: {  	s16 =	rddreg [dreg:$0xa]  }
0xac: {  	[tilespmem:s16], [sflag:$0x2] =	stream.indirect.gather [hbm4b:s2+s11], $0x20, s14, s11, $0xb8;
	[tilespmem:$0x10800] =	vst v63  }
0xad: {  	s17 =	rddreg [dreg:$0xb]  }
0xae: {  	[tilespmem:s13], [sflag:$0x2] =	stream.indirect.gather [hbm4b:s2+s11], $0x20, s17, s11, $0xb8;
	[tilespmem:$0x10800] =	vst v63  }
0xaf: {  	s18 =	rddreg [dreg:$0xd]  }
0xb0: {  	[tilespmem:s9], [sflag:$0x2] =	stream.indirect.gather [hbm4b:s2+s11], $0x20, s18, s11, $0xb8;
	[tilespmem:$0x10800] =	vst v63  }
0xb1: {  	s17 =	rddreg [dreg:$0xf]  }
0xb2: {  	[tilespmem:s1], [sflag:$0x2] =	stream.indirect.gather [hbm4b:s2+s11], $0x20, s17, s11, $0xb8;
	[tilespmem:$0x10800] =	vst v63  }
0xb3: {  	s18 =	rddreg [dreg:$0x11]  }
0xb4: {  	[tilespmem:s0], [sflag:$0x2] =	stream.indirect.gather [hbm4b:s2+s11], $0x20, s18, s11, $0xb8;
	[tilespmem:$0x10800] =	vst v63  }
0xb5: {  	_ =	swait.ge [sflag:s29], $0x1000  }
0xb6: {  	[sflag:s29] =	ssyncset.done $0x0  }
0xb7: {  	[sflag:s29] =	ssyncadd.s32 $0xFFFFF000  }
0xb8: {  	_ =	swait.ge [sflag:s29], $0x1000  }
0xb9: {  	[sflag:s29] =	ssyncset.done $0x0  }
0xba: {  	[sflag:s29] =	ssyncadd.s32 $0xFFFFF000  }
0xbb: {  	_ =	swait.ge [sflag:s29], $0x1000  }
0xbc: {  	[sflag:s29] =	ssyncset.done $0x0  }
0xbd: {  	[sflag:s29] =	ssyncadd.s32 $0xFFFFF000  }
0xbe: {  	_ =	swait.ge [sflag:s29], $0x1000  }
0xbf: {  	[sflag:s29] =	ssyncset.done $0x0  }
0xc0: {  	[sflag:s29] =	ssyncadd.s32 $0xFFFFF000  }
0xc1: {  	_ =	swait.ge [sflag:s29], $0x1000  }
0xc2: {  	[sflag:s29] =	ssyncset.done $0x0  }
0xc3: {  	[sflag:s29] =	ssyncadd.s32 $0xFFFFF000  }
0xc4: {  	_ =	swait.ge [sflag:s29], $0x1000  }
0xc5: {  	[sflag:s29] =	ssyncset.done $0x0  }
0xc6: {  	[sflag:s29] =	ssyncadd.s32 $0xFFFFF000  }
0xc7: {  	_ =	swait.ge [sflag:s29], $0x1000  }
0xc8: {  	[sflag:s29] =	ssyncset.done $0x0  }
0xc9: {  	[sflag:s29] =	ssyncadd.s32 $0xFFFFF000  }
0xca: {  	_ =	swait.ge [sflag:s29], $0x1000  }
0xcb: {  	s17 =	rddreg [dreg:$0x3];
	[sflag:s29] =	ssyncset.done $0x0  }
0xcc: {  	[sflag:s29] =	ssyncadd.s32 $0xFFFFF000;
	s0 =	sadd.s32 s5, s17  }
0xcd: {  	[hbm4b:s0+s3] =	stream.linear.scatter [tilespmem:s12], [sflag:$0x3], $0x8000, $0x38;
	[tilespmem:$0x10800] =	vst v63  }
0xce: {  	s8 =	sadd.s32 $0x800, s8;
	_ =	swait.ge [sflag:s30], $0x8000  }
0xcf: {  	s18 =	sshrl.u32 s8, $0x3;
	[sflag:s30] =	ssyncset.done $0x0  }
0xd0: {  	s0 =	sadd.s32 s4, s18;
	[sflag:s30] =	ssyncadd.s32 $0xFFFF8000  }
0xd1: {  	[tilespmem:s3], [sflag:$0x5] =	stream.linear.gather [hbm4b:s0+s3], $0x400, $0x38;
	[tilespmem:$0x10800] =	vst v63  }
0xd2: {  	_ =	swait.ge [sflag:s10], $0x400  }
0xd3: {  	[sflag:s10] =	ssyncset.done $0x0  }
0xd4: {  	[sflag:s10] =	ssyncadd.s32 $0xFFFFFC00  }
0xd5: {  	[tilespmem:s12], [sflag:$0x1] =	stream.indirect.gather [hbm4b:s2+s11], $0x20, s3, s11, $0xb8;
	[tilespmem:$0x10800] =	vst v63  }
0xd6: {  	s1 =	simm.s32 $0x1800  }
0xd7: {  	[tilespmem:s1], [sflag:$0x1] =	stream.indirect.gather [hbm4b:s2+s11], $0x20, s11, s11, $0xb8;
	[tilespmem:$0x10800] =	vst v63  }
0xd8: {  	s13 =	simm.s32 $0x2800;
	s9 =	simm.s32 $0x100  }
0xd9: {  	[tilespmem:s13], [sflag:$0x1] =	stream.indirect.gather [hbm4b:s2+s11], $0x20, s9, s11, $0xb8;
	[tilespmem:$0x10800] =	vst v63  }
0xda: {  	s15 =	simm.s32 $0x3800;
	s14 =	simm.s32 $0x180  }
0xdb: {  	[tilespmem:s15], [sflag:$0x1] =	stream.indirect.gather [hbm4b:s2+s11], $0x20, s14, s11, $0xb8;
	[tilespmem:$0x10800] =	vst v63  }
0xdc: {  	s16 =	simm.s32 $0x200  }
0xdd: {  	[tilespmem:s19], [sflag:$0x1] =	stream.indirect.gather [hbm4b:s2+s11], $0x20, s16, s11, $0xb8;
	[tilespmem:$0x10800] =	vst v63  }
0xde: {  	_ = 	snop  }
0xdf: {  	[tilespmem:s21], [sflag:$0x1] =	stream.indirect.gather [hbm4b:s2+s11], $0x20, s20, s11, $0xb8;
	[tilespmem:$0x10800] =	vst v63  }
0xe0: {  	_ = 	snop  }
0xe1: {  	[tilespmem:s23], [sflag:$0x1] =	stream.indirect.gather [hbm4b:s2+s11], $0x20, s22, s11, $0xb8;
	[tilespmem:$0x10800] =	vst v63  }
0xe2: {  	_ = 	snop  }
0xe3: {  	[tilespmem:s25], [sflag:$0x1] =	stream.indirect.gather [hbm4b:s2+s11], $0x20, s24, s11, $0xb8;
	[tilespmem:$0x10800] =	vst v63  }
0xe4: {  	_ =	swait.ge [sflag:s31], $0x1000  }
0xe5: {  	[sflag:s31] =	ssyncset.done $0x0  }
0xe6: {  	[sflag:s31] =	ssyncadd.s32 $0xFFFFF000  }
0xe7: {  	_ =	swait.ge [sflag:s31], $0x1000  }
0xe8: {  	[sflag:s31] =	ssyncset.done $0x0  }
0xe9: {  	[sflag:s31] =	ssyncadd.s32 $0xFFFFF000  }
0xea: {  	_ =	swait.ge [sflag:s31], $0x1000  }
0xeb: {  	[sflag:s31] =	ssyncset.done $0x0  }
0xec: {  	[sflag:s31] =	ssyncadd.s32 $0xFFFFF000  }
0xed: {  	_ =	swait.ge [sflag:s31], $0x1000  }
0xee: {  	[sflag:s31] =	ssyncset.done $0x0  }
0xef: {  	[sflag:s31] =	ssyncadd.s32 $0xFFFFF000  }
0xf0: {  	_ =	swait.ge [sflag:s31], $0x1000  }
0xf1: {  	s6 =	sadd.s32 $0x2000, s6;
	[sflag:s31] =	ssyncset.done $0x0  }
0xf2: {  	p0 =	sne.s32 s6, $0x18000;
	[sflag:s31] =	ssyncadd.s32 $0xFFFFF000  }
.Ltmp0:
0xf3: {  	_ =	swait.ge [sflag:s31], $0x1000;
	(pc) =	sbr.rel @p0 .LBB2_2-.Ltmp0, $4  }
0xf4: {  	[sflag:s31] =	ssyncset.done $0x0  }
0xf5: {  	[sflag:s31] =	ssyncadd.s32 $0xFFFFF000  }
0xf6: {  	_ =	swait.ge [sflag:s31], $0x1000  }
0xf7: {  	s7 =	sadd.s32 $0x100, s7;
	[sflag:s31] =	ssyncset.done $0x0  }
0xf8: {  	[sflag:s31] =	ssyncadd.s32 $0xFFFFF000  }
0xf9: {  	_ =	swait.ge [sflag:s31], $0x1000  }
0xfa: {  	s0 =	rddreg [dreg:$0x4];
	[sflag:s31] =	ssyncset.done $0x0  }
0xfb: {  	[sflag:s31] =	ssyncadd.s32 $0xFFFFF000;
	s0 =	sadd.s32 s5, s0  }
0xfc: {  	[hbm4b:s0+s3] =	stream.linear.scatter [tilespmem:s28], [sflag:$0x4], $0x8000, $0x38;
	[tilespmem:$0x10800] =	vst v63  }
0xfd: {  	_ =	swait.ge [sflag:s29], $0x1000  }
0xfe: {  	[sflag:s29] =	ssyncset.done $0x0  }
0xff: {  	[sflag:s29] =	ssyncadd.s32 $0xFFFFF000  }
0x100: {  	_ =	swait.ge [sflag:s29], $0x1000  }
0x101: {  	[sflag:s29] =	ssyncset.done $0x0  }
0x102: {  	[sflag:s29] =	ssyncadd.s32 $0xFFFFF000  }
0x103: {  	_ =	swait.ge [sflag:s29], $0x1000  }
0x104: {  	[sflag:s29] =	ssyncset.done $0x0  }
0x105: {  	[sflag:s29] =	ssyncadd.s32 $0xFFFFF000  }
0x106: {  	_ =	swait.ge [sflag:s29], $0x1000  }
0x107: {  	[sflag:s29] =	ssyncset.done $0x0  }
0x108: {  	[sflag:s29] =	ssyncadd.s32 $0xFFFFF000  }
0x109: {  	_ =	swait.ge [sflag:s29], $0x1000  }
0x10a: {  	[sflag:s29] =	ssyncset.done $0x0  }
0x10b: {  	[sflag:s29] =	ssyncadd.s32 $0xFFFFF000  }
0x10c: {  	_ =	swait.ge [sflag:s29], $0x1000  }
0x10d: {  	[sflag:s29] =	ssyncset.done $0x0  }
0x10e: {  	[sflag:s29] =	ssyncadd.s32 $0xFFFFF000  }
0x10f: {  	_ =	swait.ge [sflag:s29], $0x1000  }
0x110: {  	[sflag:s29] =	ssyncset.done $0x0  }
0x111: {  	[sflag:s29] =	ssyncadd.s32 $0xFFFFF000  }
0x112: {  	_ =	swait.ge [sflag:s29], $0x1000  }
0x113: {  	[sflag:s29] =	ssyncset.done $0x0  }
0x114: {  	s7 =	simm.s32 $0x4;
	[sflag:s29] =	ssyncadd.s32 $0xFFFFF000  }
0x115: {  	_ =	swait.ge [sflag:s7], $0x8000  }
0x116: {  	[sflag:s7] =	ssyncset.done $0x0  }
0x117: {  	s8 =	rddreg [dreg:$0x14];
	[sflag:s7] =	ssyncadd.s32 $0xFFFF8000  }
0x118: {  	[hbm4b:s8+s3] =	stream.linear.scatter [tilespmem:s12], [sflag:$0x5], $0x8000, $0x38;
	[tilespmem:$0x10800] =	vst v63  }
0x119: {  	_ =	swait.ge [sflag:s10], $0x8000  }
0x11a: {  	s17 =	rddreg [dreg:$0x18]  }
0x11b: {  	s18 =	rddreg [dreg:$0x15];
	s5 =	sadd.s32 $0x1, s17  }
0x11c: {  	p0 =	sne.s32 s5, s18  }
.Ltmp1:
0x11d: {  	_ = 	snop;
	(pc) =	sbr.rel @p0 .LBB2_1-.Ltmp1, $3  }
0x11e: {  	_ =	sdelay $0x1  }
0x11f: {  	[sflag:s10] =	ssyncset.done $0x0  }
0x120: {  	[sflag:s10] =	ssyncadd.s32 $0xFFFF8000  }
0x121: {  	_ =	sfence.sel $0x180000  }
0x122: {  	[bflag:$0x0] =	sbarrier.arrive $0xFFFF  }
0x123: {  	_ =	strace $0x90000047  }
0x124: {  	s0 =	stileid.u32;
	[bflag:$0x2] =	sbarrier.arrive $0xFFFF  }
0x125: {  	p0 =	sne.s32 s0, $0x0;
	s0 =	rddreg [dreg:$0x2]  }
0x126: {  	s0 =	sadd.s32 @!p0 $0x100000, s0  }
0x127: {  	[sflag:s0] =	ssyncadd.tile.s32 @!p0 $0x1;
	_ =	shalt  }
.Lfunc_end2:
_tile_overlayer_lowered:
.L_overlay_start_2:
0x128: {  	(tag) =	ssettag $0x2  }
0x129: {  	s0 =	rddreg [dreg:$0x0];
	s2 =	stileid.u32  }
0x12a: {  	s1 =	rddreg [dreg:$0x1];
	p0 =	sne.s32 s2, $0x0  }
0x12b: {  	s3 =	rddreg [dreg:$0x2];
	[bflag:$0x3] =	sbarrier.arrive $0xFFFF;
	s2 =	simm.s32 @!p0 $0x1C05  }
0x12c: {  	[timem:s3], [sflag:s2] =	dma.local @!p0 [hbm:s0], s1  }
0x12d: {  	s0 =	simm.s32 @!p0 $0x5  }
0x12e: {  	_ =	swait.ge @!p0 [sflag:s0], s1  }
0x12f: {  	s1 =	ssub.s32 @!p0 $0x0, s1;
	[sflag:s0] =	ssyncset.done @!p0 $0x0  }
0x130: {  	[sflag:s0] =	ssyncadd.s32 @!p0 s1  }
0x131: {  	[bflag:$0x3] =	sbarrier.arrive $0xFFFF  }
0x132: {  	_ =	shalt  }

</sc_bundles>
